<compile_context>
chip_gen: v7x
topology: tpu7x:2x2x1
jax: 0.10.2.dev20260603
libtpu: 0.0.44.dev20260713+nightly
codegen_flags: <defaults>
</compile_context>

<pallas_src>
import functools

import jax
import jax.numpy as jnp
import numpy as np
from jax import lax
from jax.experimental import pallas as pl
from jax.experimental.pallas import tpu as pltpu
from jax.experimental.pallas import tpu_sc as plsc

N = 10000
E = 320000
D = 128
NB = 8
NA = 16
HW = 8
ALPHA = 1.0 / np.sqrt(32.0)

NC = 2
NS = 16
NW = NC * NS
EPW = E // NW
C = 80
NCHUNK = EPW // C
NP = 10240
RPS = NP // NS
ZR = 128
LANES = D // 16


def _h_body(x_ref, w_ref, o_ref):
    o_ref[...] = jnp.dot(x_ref[...], w_ref[...],
                         preferred_element_type=jnp.float32)


def _edge_body(eep_ref, eap_ref, bd0_ref, m1_ref, o_ref):
    hp = jax.nn.silu(jnp.dot(eep_ref[...], bd0_ref[...],
                             preferred_element_type=jnp.float32))
    hp = hp * eap_ref[...]
    stacked = jnp.concatenate([hp[:, 8 * p:8 * p + 8] for p in range(16)],
                              axis=0)
    o_ref[...] = jnp.dot(stacked, m1_ref[...],
                         preferred_element_type=jnp.float32)


def _node_out_body(a0_ref, a1_ref, x_ref, na_ref, wsc_ref, w2_ref, o_ref):
    agg = a0_ref[0] + a1_ref[0]
    acc = jnp.dot(agg, w2_ref[...], preferred_element_type=jnp.float32)
    x = x_ref[...].astype(jnp.bfloat16)
    for v in range(NA):
        t = jnp.dot(x, wsc_ref[v], preferred_element_type=jnp.float32)
        acc = acc + t * na_ref[:, v:v + 1]
    o_ref[...] = acc


def _sc_scatter_body(h_hbm, m_hbm, src_hbm, dst_hbm, out_hbm,
                     src0, src1, dst0, dst1, dsc0, dsc1, rows0, rows1,
                     m0, m1, acc_sh, semg0, semg1, semi0, semi1,
                     sems0, sems1):
    c = lax.axis_index("c")
    s = lax.axis_index("s")
    wid = c * NS + s
    ebase = wid * EPW
    srcb = (src0, src1)
    dstb = (dst0, dst1)
    dsc = (dsc0, dsc1)
    rows = (rows0, rows1)
    mbuf = (m0, m1)
    semg = (semg0, semg1)
    semi = (semi0, semi1)
    sems = (sems0, sems1)

    def _zrow(r, carry):
        for v in range(LANES):
            rows0[r, pl.ds(v * 16, 16)] = jnp.zeros((16,), jnp.float32)
        return carry
    lax.fori_loop(0, C, _zrow, 0)
    for k in range(RPS // C):
        pltpu.sync_copy(rows0, acc_sh.at[pl.ds(s * RPS + k * C, C)])
    plsc.subcore_barrier()

    def _issue_idx(i, j):
        off = ebase + jnp.minimum(i, NCHUNK - 1) * C
        pltpu.async_copy(src_hbm.at[pl.ds(off, C)], srcb[j], semi[j])
        pltpu.async_copy(dst_hbm.at[pl.ds(off, C)], dstb[j], semi[j])

    def _drain_idx(j):
        pltpu.make_async_copy(src_hbm.at[pl.ds(0, C)], srcb[j],
                              semi[j]).wait()
        pltpu.make_async_copy(dst_hbm.at[pl.ds(0, C)], dstb[j],
                              semi[j]).wait()

    def _issue_gm(i, j):
        off = ebase + jnp.minimum(i, NCHUNK - 1) * C
        pltpu.async_copy(h_hbm.at[srcb[j]], rows[j], semg[j])
        pltpu.async_copy(m_hbm.at[pl.ds(off, C)], mbuf[j], semg[j])

    def _drain_gm(j):
        pltpu.make_async_copy(h_hbm.at[srcb[j]], rows[j], semg[j]).wait()
        pltpu.make_async_copy(m_hbm.at[pl.ds(0, C)], mbuf[j],
                              semg[j]).wait()

    def _wait_scatter(j):
        pltpu.make_async_copy(rows[j], acc_sh.at[dsc[j]], sems[j]).wait()

    def _process(i, j, first=False):
        _drain_gm(j)
        if not first:
            _wait_scatter(1 - j)
        _drain_idx(1 - j)
        _issue_gm(i + 1, 1 - j)
        r_v, m_v = rows[j], mbuf[j]

        def _row(r, rcarry):
            for v in range(LANES):
                sl = pl.ds(v * 16, 16)
                r_v[r, sl] = r_v[r, sl] * m_v[r, sl]
            return rcarry
        lax.fori_loop(0, C, _row, 0)
        for v in range(C // 16):
            dsc[j][pl.ds(v * 16, 16)] = dstb[j][pl.ds(v * 16, 16)]
        pltpu.async_copy(r_v, acc_sh.at[dsc[j]], sems[j], add=True)
        _issue_idx(i + 2, j)

    _issue_idx(0, 0)
    _issue_idx(1, 1)
    _drain_idx(0)
    _issue_gm(0, 0)
    _process(0, 0, first=True)

    def _pair(t, carry):
        _process(t * 2 + 1, 1)
        _process(t * 2 + 2, 0)
        return carry
    lax.fori_loop(0, (NCHUNK - 1) // 2, _pair, 0)
    _wait_scatter(0)
    _drain_gm(1)
    _drain_idx(0)
    plsc.subcore_barrier()

    for k in range(RPS // C):
        off = s * RPS + k * C
        pltpu.sync_copy(acc_sh.at[pl.ds(off, C)], rows0)
        pltpu.sync_copy(rows0, out_hbm.at[c, pl.ds(off, C)])


@functools.cache
def _sc_scatter():
    return pl.kernel(
        _sc_scatter_body,
        mesh=plsc.VectorSubcoreMesh(core_axis_name="c", subcore_axis_name="s",
                                    num_cores=NC, num_subcores=NS),
        out_type=jax.ShapeDtypeStruct((NC, NP, D), jnp.float32),
        scratch_types=[
            pltpu.VMEM((C,), jnp.int32),
            pltpu.VMEM((C,), jnp.int32),
            pltpu.VMEM((C,), jnp.int32),
            pltpu.VMEM((C,), jnp.int32),
            pltpu.VMEM((C,), jnp.int32),
            pltpu.VMEM((C,), jnp.int32),
            pltpu.VMEM((C, D), jnp.float32),
            pltpu.VMEM((C, D), jnp.float32),
            pltpu.VMEM((C, D), jnp.float32),
            pltpu.VMEM((C, D), jnp.float32),
            pltpu.VMEM_SHARED((NP, D), jnp.float32),
            pltpu.SemaphoreType.DMA,
            pltpu.SemaphoreType.DMA,
            pltpu.SemaphoreType.DMA,
            pltpu.SemaphoreType.DMA,
            pltpu.SemaphoreType.DMA,
            pltpu.SemaphoreType.DMA,
        ],
    )


def kernel(node_features, edge_index, edge_attrs, edge_embedding,
           node_attrs, W1, M0, M1, W2, Wsc):
    x = node_features
    src = edge_index[1]
    dst = edge_index[0]

    w1s = W1 * jnp.float32(ALPHA / np.sqrt(D))
    m0s = M0 * jnp.float32(1.0 / np.sqrt(NB))
    m1s = M1 * jnp.float32(1.0 / np.sqrt(HW))
    w2s = W2 * jnp.float32(1.0 / np.sqrt(D))
    wsc_t = (jnp.transpose(Wsc, (1, 0, 2))
             * jnp.float32(1.0 / np.sqrt(D * NA))).astype(jnp.bfloat16)

    bn = 2000
    h = pl.pallas_call(
        _h_body,
        grid=(N // bn,),
        in_specs=[pl.BlockSpec((bn, D), lambda i: (i, 0)),
                  pl.BlockSpec((D, D), lambda i: (0, 0))],
        out_specs=pl.BlockSpec((bn, D), lambda i: (i, 0)),
        out_shape=jax.ShapeDtypeStruct((N, D), jnp.float32),
    )(x, w1s)

    e16 = E // 16
    eep = edge_embedding.reshape(e16, 16 * NB)
    eap = jnp.repeat(edge_attrs.reshape(e16, 16), NB, axis=1)
    bd0 = jnp.kron(jnp.eye(16, dtype=jnp.float32), m0s)

    be = 12800
    gpb = be // 16
    src = src.reshape(E // be, gpb, 16).transpose(0, 2, 1).reshape(E)
    dst = dst.reshape(E // be, gpb, 16).transpose(0, 2, 1).reshape(E)

    m = pl.pallas_call(
        _edge_body,
        grid=(E // be,),
        in_specs=[pl.BlockSpec((gpb, 16 * NB), lambda i: (i, 0)),
                  pl.BlockSpec((gpb, 16 * NB), lambda i: (i, 0)),
                  pl.BlockSpec((16 * NB, 16 * NB), lambda i: (0, 0)),
                  pl.BlockSpec((HW, D), lambda i: (0, 0))],
        out_specs=pl.BlockSpec((be, D), lambda i: (i, 0)),
        out_shape=jax.ShapeDtypeStruct((E, D), jnp.float32),
    )(eep, eap, bd0, m1s)

    agg2 = _sc_scatter()(h, m, src, dst)

    nblk = N // bn
    out = pl.pallas_call(
        _node_out_body,
        grid=(nblk,),
        in_specs=[pl.BlockSpec((1, bn, D), lambda i: (0, i, 0)),
                  pl.BlockSpec((1, bn, D), lambda i: (1, i, 0)),
                  pl.BlockSpec((bn, D), lambda i: (i, 0)),
                  pl.BlockSpec((bn, NA), lambda i: (i, 0)),
                  pl.BlockSpec((NA, D, D), lambda i: (0, 0, 0)),
                  pl.BlockSpec((D, D), lambda i: (0, 0))],
        out_specs=pl.BlockSpec((bn, D), lambda i: (i, 0)),
        out_shape=jax.ShapeDtypeStruct((N, D), jnp.float32),
    )(agg2, agg2, x, node_attrs, wsc_t, w2s)
    return out

# --- scband reference (transcript-rebuilt; emitter-appended) ---
"""Pipeline reference for scband-interaction-block-24412594111108 (READ-ONLY COPY).

The authoritative reference and input builder live on the scoring server;
editing this copy changes nothing except your own understanding.
"""

import jax, jax.numpy as jnp
import numpy as np

N = 10000   # nodes
E = 320000  # edges
D = 128     # node feature channels (128x0e)
NB = 8      # edge embedding (radial basis) size
NA = 16     # node attrs (species one-hot-ish) size
HW = 8      # radial MLP hidden width
ALPHA = 1.0 / np.sqrt(32.0)  # 1/sqrt(avg_num_neighbors)


def setup_inputs(seed: int = 0) -> dict:
    key = jax.random.key(seed)
    ks = jax.random.split(key, 10)
    node_features = jax.random.normal(ks[0], (N, D), dtype=jnp.float32)
    edge_index = jax.random.randint(ks[1], (2, E), 0, N, dtype=jnp.int32)
    edge_attrs = jax.random.normal(ks[2], (E, 1), dtype=jnp.float32)
    edge_embedding = jax.random.uniform(ks[3], (E, NB), dtype=jnp.float32)
    node_attrs = jax.random.uniform(ks[4], (N, NA), dtype=jnp.float32)
    # learned parameters
    W1 = jax.random.normal(ks[5], (D, D), dtype=jnp.float32)          # linear_1 (128x0e -> 128x0e)
    M0 = jax.random.normal(ks[6], (NB, HW), dtype=jnp.float32)        # radial MLP layer 0 (no bias)
    M1 = jax.random.normal(ks[7], (HW, D), dtype=jnp.float32)         # radial MLP out -> tp.weight_numel = 128 (uvu)
    W2 = jax.random.normal(ks[8], (D, D), dtype=jnp.float32)          # linear_2 (irreps_mid -> 128x0e)
    Wsc = jax.random.normal(ks[9], (D, NA, D), dtype=jnp.float32)     # FullyConnectedTensorProduct self-connection
    return {
        "node_features": node_features,
        "edge_index": edge_index,
        "edge_attrs": edge_attrs,
        "edge_embedding": edge_embedding,
        "node_attrs": node_attrs,
        "W1": W1, "M0": M0, "M1": M1, "W2": W2, "Wsc": Wsc,
    }


def reference(node_features, edge_index, edge_attrs, edge_embedding, node_attrs, W1, M0, M1, W2, Wsc):
    x = node_features
    edge_src = edge_index[1]
    edge_dst = edge_index[0]
    # self-connection: FullyConnectedTensorProduct(128x0e, 16x0e -> 128x0e), e3nn path-normalized
    sc = jnp.einsum('nu,nv,uvk->nk', x, node_attrs, Wsc) / np.sqrt(D * NA)
    # linear_1 with e3nn fan-in normalization
    h = (x @ W1) / np.sqrt(D)
    # scatter norm factor 1/sqrt(avg_num_neighbors)
    h = ALPHA * h
    # radial MLP on edge embedding (silu, no bias, fan-in normalized forward init)
    hid = jax.nn.silu((edge_embedding @ M0) / np.sqrt(NB))
    edge_weight = (hid @ M1) / np.sqrt(HW)  # [E, 128] = per-edge uvu tensor-product weights
    # TensorProductScatter: gather src node features, uvu tensor product with scalar edge attrs,
    # weighted per edge, scatter-add into dst nodes
    msg = h[edge_src] * edge_attrs * edge_weight
    agg = jax.ops.segment_sum(msg, edge_dst, num_segments=N)
    # linear_2 with fan-in normalization
    out = (agg @ W2) / np.sqrt(D)
    # residual self-connection
    out = out + sc
    return out

if __name__ == "__main__":
    import jax
    _d = setup_inputs()
    print(jax.jit(kernel)(*tuple(_d.values())))

</pallas_src>

<mosaic_0001>
#map = affine_map<(d0, d1) -> (0, 0)>
#map1 = affine_map<(d0, d1) -> (0)>
#map2 = affine_map<(d0, d1) -> (0, 0, 0)>
module attributes {stable_mosaic.version = 14 : i64} {
  func.func @_sc_scatter_body(%arg0: i32, %arg1: i32, %arg2: memref<10000x128xf32, #tpu.memory_space<hbm>>, %arg3: memref<320000x128xf32, #tpu.memory_space<hbm>>, %arg4: memref<320000xi32, #tpu.memory_space<hbm>>, %arg5: memref<320000xi32, #tpu.memory_space<hbm>>, %arg6: memref<2x10240x128xf32, #tpu.memory_space<hbm>>, %arg7: memref<80xi32, #tpu.memory_space<vmem>>, %arg8: memref<80xi32, #tpu.memory_space<vmem>>, %arg9: memref<80xi32, #tpu.memory_space<vmem>>, %arg10: memref<80xi32, #tpu.memory_space<vmem>>, %arg11: memref<80xi32, #tpu.memory_space<vmem>>, %arg12: memref<80xi32, #tpu.memory_space<vmem>>, %arg13: memref<80x128xf32, #tpu.memory_space<vmem>>, %arg14: memref<80x128xf32, #tpu.memory_space<vmem>>, %arg15: memref<80x128xf32, #tpu.memory_space<vmem>>, %arg16: memref<80x128xf32, #tpu.memory_space<vmem>>, %arg17: memref<10240x128xf32, #tpu.memory_space<vmem_shared>>, %arg18: memref<!tpu.dma_semaphore, #tpu.memory_space<semaphore_mem>>, %arg19: memref<!tpu.dma_semaphore, #tpu.memory_space<semaphore_mem>>, %arg20: memref<!tpu.dma_semaphore, #tpu.memory_space<semaphore_mem>>, %arg21: memref<!tpu.dma_semaphore, #tpu.memory_space<semaphore_mem>>, %arg22: memref<!tpu.dma_semaphore, #tpu.memory_space<semaphore_mem>>, %arg23: memref<!tpu.dma_semaphore, #tpu.memory_space<semaphore_mem>>) attributes {dimension_semantics = [#tpu.dimension_semantics<core_parallel>, #tpu.dimension_semantics<subcore_parallel>], iteration_bounds = array<i64: 2, 16>, scalar_prefetch = 0 : i64, scratch_operands = 17 : i64, tpu.core_type = #tpu.core_type<sc_vector_subcore>, window_params = [{transform_indices = #map}, {transform_indices = #map}, {transform_indices = #map1}, {transform_indices = #map1}, {transform_indices = #map2}]} {
    %mul3A = arith.constant 16 : i32
    %mul3A_0 = arith.muli %arg0, %mul3A : i32
    %add3A = arith.addi %mul3A_0, %arg1 : i32
    %mul3A_1 = arith.constant 10000 : i32
    %mul3A_2 = arith.muli %add3A, %mul3A_1 : i32
    %scan3A = arith.constant 0 : i32
    %scan3A_3 = arith.constant 0 : i32
    %scan3A_4 = arith.constant 80 : i32
    %scan3A_5 = arith.addi %scan3A_3, %scan3A_4 : i32
    %scan3A_6 = arith.constant 1 : i32
    scf.for %scan3A_219 = %scan3A_3 to %scan3A_5 step %scan3A_6  : i32 {
      %broadcast_in_dim3A = arith.constant 0.000000e+00 : f32
      %broadcast_in_dim3A_220 = vector.broadcast %broadcast_in_dim3A : f32 to vector<16xf32>
      %swap3A_221 = arith.index_cast %scan3A_219 : i32 to index
      %swap3A_222 = arith.constant 0 : index
      %swap3A_223 = tpu.vector_load %arg13[%swap3A_221, %swap3A_222] {strides = array<i32>} : memref<80x128xf32, #tpu.memory_space<vmem>>, vector<1x16xf32>,
      %swap3A_224 = vector.shape_cast %swap3A_223 : vector<1x16xf32> to vector<16xf32>
      %swap3A_225 = vector.shape_cast %broadcast_in_dim3A_220 : vector<16xf32> to vector<1x16xf32>
      tpu.vector_store %arg13[%swap3A_221, %swap3A_222], %swap3A_225 {strides = array<i32>} : memref<80x128xf32, #tpu.memory_space<vmem>>, vector<1x16xf32>,
      %broadcast_in_dim3A_226 = arith.constant 0.000000e+00 : f32
      %broadcast_in_dim3A_227 = vector.broadcast %broadcast_in_dim3A_226 : f32 to vector<16xf32>
      %swap3A_228 = arith.index_cast %scan3A_219 : i32 to index
      %swap3A_229 = arith.constant 16 : index
      %swap3A_230 = tpu.vector_load %arg13[%swap3A_228, %swap3A_229] {strides = array<i32>} : memref<80x128xf32, #tpu.memory_space<vmem>>, vector<1x16xf32>,
      %swap3A_231 = vector.shape_cast %swap3A_230 : vector<1x16xf32> to vector<16xf32>
      %swap3A_232 = vector.shape_cast %broadcast_in_dim3A_227 : vector<16xf32> to vector<1x16xf32>
      tpu.vector_store %arg13[%swap3A_228, %swap3A_229], %swap3A_232 {strides = array<i32>} : memref<80x128xf32, #tpu.memory_space<vmem>>, vector<1x16xf32>,
      %broadcast_in_dim3A_233 = arith.constant 0.000000e+00 : f32
      %broadcast_in_dim3A_234 = vector.broadcast %broadcast_in_dim3A_233 : f32 to vector<16xf32>
      %swap3A_235 = arith.index_cast %scan3A_219 : i32 to index
      %swap3A_236 = arith.constant 32 : index
      %swap3A_237 = tpu.vector_load %arg13[%swap3A_235, %swap3A_236] {strides = array<i32>} : memref<80x128xf32, #tpu.memory_space<vmem>>, vector<1x16xf32>,
      %swap3A_238 = vector.shape_cast %swap3A_237 : vector<1x16xf32> to vector<16xf32>
      %swap3A_239 = vector.shape_cast %broadcast_in_dim3A_234 : vector<16xf32> to vector<1x16xf32>
      tpu.vector_store %arg13[%swap3A_235, %swap3A_236], %swap3A_239 {strides = array<i32>} : memref<80x128xf32, #tpu.memory_space<vmem>>, vector<1x16xf32>,
      %broadcast_in_dim3A_240 = arith.constant 0.000000e+00 : f32
      %broadcast_in_dim3A_241 = vector.broadcast %broadcast_in_dim3A_240 : f32 to vector<16xf32>
      %swap3A_242 = arith.index_cast %scan3A_219 : i32 to index
      %swap3A_243 = arith.constant 48 : index
      %swap3A_244 = tpu.vector_load %arg13[%swap3A_242, %swap3A_243] {strides = array<i32>} : memref<80x128xf32, #tpu.memory_space<vmem>>, vector<1x16xf32>,
      %swap3A_245 = vector.shape_cast %swap3A_244 : vector<1x16xf32> to vector<16xf32>
      %swap3A_246 = vector.shape_cast %broadcast_in_dim3A_241 : vector<16xf32> to vector<1x16xf32>
      tpu.vector_store %arg13[%swap3A_242, %swap3A_243], %swap3A_246 {strides = array<i32>} : memref<80x128xf32, #tpu.memory_space<vmem>>, vector<1x16xf32>,
      %broadcast_in_dim3A_247 = arith.constant 0.000000e+00 : f32
      %broadcast_in_dim3A_248 = vector.broadcast %broadcast_in_dim3A_247 : f32 to vector<16xf32>
      %swap3A_249 = arith.index_cast %scan3A_219 : i32 to index
      %swap3A_250 = arith.constant 64 : index
      %swap3A_251 = tpu.vector_load %arg13[%swap3A_249, %swap3A_250] {strides = array<i32>} : memref<80x128xf32, #tpu.memory_space<vmem>>, vector<1x16xf32>,
      %swap3A_252 = vector.shape_cast %swap3A_251 : vector<1x16xf32> to vector<16xf32>
      %swap3A_253 = vector.shape_cast %broadcast_in_dim3A_248 : vector<16xf32> to vector<1x16xf32>
      tpu.vector_store %arg13[%swap3A_249, %swap3A_250], %swap3A_253 {strides = array<i32>} : memref<80x128xf32, #tpu.memory_space<vmem>>, vector<1x16xf32>,
      %broadcast_in_dim3A_254 = arith.constant 0.000000e+00 : f32
      %broadcast_in_dim3A_255 = vector.broadcast %broadcast_in_dim3A_254 : f32 to vector<16xf32>
      %swap3A_256 = arith.index_cast %scan3A_219 : i32 to index
      %swap3A_257 = arith.constant 80 : index
      %swap3A_258 = tpu.vector_load %arg13[%swap3A_256, %swap3A_257] {strides = array<i32>} : memref<80x128xf32, #tpu.memory_space<vmem>>, vector<1x16xf32>,
      %swap3A_259 = vector.shape_cast %swap3A_258 : vector<1x16xf32> to vector<16xf32>
      %swap3A_260 = vector.shape_cast %broadcast_in_dim3A_255 : vector<16xf32> to vector<1x16xf32>
      tpu.vector_store %arg13[%swap3A_256, %swap3A_257], %swap3A_260 {strides = array<i32>} : memref<80x128xf32, #tpu.memory_space<vmem>>, vector<1x16xf32>,
      %broadcast_in_dim3A_261 = arith.constant 0.000000e+00 : f32
      %broadcast_in_dim3A_262 = vector.broadcast %broadcast_in_dim3A_261 : f32 to vector<16xf32>
      %swap3A_263 = arith.index_cast %scan3A_219 : i32 to index
      %swap3A_264 = arith.constant 96 : index
      %swap3A_265 = tpu.vector_load %arg13[%swap3A_263, %swap3A_264] {strides = array<i32>} : memref<80x128xf32, #tpu.memory_space<vmem>>, vector<1x16xf32>,
      %swap3A_266 = vector.shape_cast %swap3A_265 : vector<1x16xf32> to vector<16xf32>
      %swap3A_267 = vector.shape_cast %broadcast_in_dim3A_262 : vector<16xf32> to vector<1x16xf32>
      tpu.vector_store %arg13[%swap3A_263, %swap3A_264], %swap3A_267 {strides = array<i32>} : memref<80x128xf32, #tpu.memory_space<vmem>>, vector<1x16xf32>,
      %broadcast_in_dim3A_268 = arith.constant 0.000000e+00 : f32
      %broadcast_in_dim3A_269 = vector.broadcast %broadcast_in_dim3A_268 : f32 to vector<16xf32>
      %swap3A_270 = arith.index_cast %scan3A_219 : i32 to index
      %swap3A_271 = arith.constant 112 : index
      %swap3A_272 = tpu.vector_load %arg13[%swap3A_270, %swap3A_271] {strides = array<i32>} : memref<80x128xf32, #tpu.memory_space<vmem>>, vector<1x16xf32>,
      %swap3A_273 = vector.shape_cast %swap3A_272 : vector<1x16xf32> to vector<16xf32>
      %swap3A_274 = vector.shape_cast %broadcast_in_dim3A_269 : vector<16xf32> to vector<1x16xf32>
      tpu.vector_store %arg13[%swap3A_270, %swap3A_271], %swap3A_274 {strides = array<i32>} : memref<80x128xf32, #tpu.memory_space<vmem>>, vector<1x16xf32>,
    }
    %scan3A_7 = arith.constant 80 : i32
    %mul3A_8 = arith.constant 640 : i32
    %mul3A_9 = arith.muli %arg1, %mul3A_8 : i32
    %add3A_10 = arith.constant 0 : i32
    %add3A_11 = arith.addi %mul3A_9, %add3A_10 : i32
    "tpu.region"() ({
      %run_scoped3A = tpu.sem_alloc : memref<!tpu.dma_semaphore, #tpu.memory_space<semaphore_mem>>
      %dma_start3A_219 = arith.constant 0 : i32
      %dma_start3A_220 = tpu.memref_slice %arg17[%add3A_11, %dma_start3A_219] : memref<10240x128xf32, #tpu.memory_space<vmem_shared>> -> memref<80x128xf32, #tpu.memory_space<vmem_shared>>
      %dma_start3A_221 = arith.constant 0 : i32
      %dma_start3A_222 = tpu.memref_slice %arg17[%add3A_11, %dma_start3A_221] : memref<10240x128xf32, #tpu.memory_space<vmem_shared>> -> memref<80x128xf32, #tpu.memory_space<vmem_shared>>
      tpu.enqueue_dma source(%arg13 : memref<80x128xf32, #tpu.memory_space<vmem>>) target(%dma_start3A_222 : memref<80x128xf32, #tpu.memory_space<vmem_shared>>) target_semaphore(%run_scoped3A : memref<!tpu.dma_semaphore, #tpu.memory_space<semaphore_mem>>)
      %dma_wait3A_223 = arith.constant 0 : i32
      %dma_wait3A_224 = tpu.memref_slice %arg17[%add3A_11, %dma_wait3A_223] : memref<10240x128xf32, #tpu.memory_space<vmem_shared>> -> memref<80x128xf32, #tpu.memory_space<vmem_shared>>
      %dma_wait3A_225 = arith.constant 0 : i32
      %dma_wait3A_226 = tpu.memref_slice %arg17[%add3A_11, %dma_wait3A_225] : memref<10240x128xf32, #tpu.memory_space<vmem_shared>> -> memref<80x128xf32, #tpu.memory_space<vmem_shared>>
      tpu.wait_dma2 semaphore(%run_scoped3A : memref<!tpu.dma_semaphore, #tpu.memory_space<semaphore_mem>>) src(%arg13 : memref<80x128xf32, #tpu.memory_space<vmem>>) dst(%dma_wait3A_226 : memref<80x128xf32, #tpu.memory_space<vmem_shared>>)
      tpu.yield
    }) : () -> ()
    %mul3A_12 = arith.constant 640 : i32
    %mul3A_13 = arith.muli %arg1, %mul3A_12 : i32
    %add3A_14 = arith.constant 80 : i32
    %add3A_15 = arith.addi %mul3A_13, %add3A_14 : i32
    "tpu.region"() ({
      %run_scoped3A = tpu.sem_alloc : memref<!tpu.dma_semaphore, #tpu.memory_space<semaphore_mem>>
      %dma_start3A_219 = arith.constant 0 : i32
      %dma_start3A_220 = tpu.memref_slice %arg17[%add3A_15, %dma_start3A_219] : memref<10240x128xf32, #tpu.memory_space<vmem_shared>> -> memref<80x128xf32, #tpu.memory_space<vmem_shared>>
      %dma_start3A_221 = arith.constant 0 : i32
      %dma_start3A_222 = tpu.memref_slice %arg17[%add3A_15, %dma_start3A_221] : memref<10240x128xf32, #tpu.memory_space<vmem_shared>> -> memref<80x128xf32, #tpu.memory_space<vmem_shared>>
      tpu.enqueue_dma source(%arg13 : memref<80x128xf32, #tpu.memory_space<vmem>>) target(%dma_start3A_222 : memref<80x128xf32, #tpu.memory_space<vmem_shared>>) target_semaphore(%run_scoped3A : memref<!tpu.dma_semaphore, #tpu.memory_space<semaphore_mem>>)
      %dma_wait3A_223 = arith.constant 0 : i32
      %dma_wait3A_224 = tpu.memref_slice %arg17[%add3A_15, %dma_wait3A_223] : memref<10240x128xf32, #tpu.memory_space<vmem_shared>> -> memref<80x128xf32, #tpu.memory_space<vmem_shared>>
      %dma_wait3A_225 = arith.constant 0 : i32
      %dma_wait3A_226 = tpu.memref_slice %arg17[%add3A_15, %dma_wait3A_225] : memref<10240x128xf32, #tpu.memory_space<vmem_shared>> -> memref<80x128xf32, #tpu.memory_space<vmem_shared>>
      tpu.wait_dma2 semaphore(%run_scoped3A : memref<!tpu.dma_semaphore, #tpu.memory_space<semaphore_mem>>) src(%arg13 : memref<80x128xf32, #tpu.memory_space<vmem>>) dst(%dma_wait3A_226 : memref<80x128xf32, #tpu.memory_space<vmem_shared>>)
      tpu.yield
    }) : () -> ()
    %mul3A_16 = arith.constant 640 : i32
    %mul3A_17 = arith.muli %arg1, %mul3A_16 : i32
    %add3A_18 = arith.constant 160 : i32
    %add3A_19 = arith.addi %mul3A_17, %add3A_18 : i32
    "tpu.region"() ({
      %run_scoped3A = tpu.sem_alloc : memref<!tpu.dma_semaphore, #tpu.memory_space<semaphore_mem>>
      %dma_start3A_219 = arith.constant 0 : i32
      %dma_start3A_220 = tpu.memref_slice %arg17[%add3A_19, %dma_start3A_219] : memref<10240x128xf32, #tpu.memory_space<vmem_shared>> -> memref<80x128xf32, #tpu.memory_space<vmem_shared>>
      %dma_start3A_221 = arith.constant 0 : i32
      %dma_start3A_222 = tpu.memref_slice %arg17[%add3A_19, %dma_start3A_221] : memref<10240x128xf32, #tpu.memory_space<vmem_shared>> -> memref<80x128xf32, #tpu.memory_space<vmem_shared>>
      tpu.enqueue_dma source(%arg13 : memref<80x128xf32, #tpu.memory_space<vmem>>) target(%dma_start3A_222 : memref<80x128xf32, #tpu.memory_space<vmem_shared>>) target_semaphore(%run_scoped3A : memref<!tpu.dma_semaphore, #tpu.memory_space<semaphore_mem>>)
      %dma_wait3A_223 = arith.constant 0 : i32
      %dma_wait3A_224 = tpu.memref_slice %arg17[%add3A_19, %dma_wait3A_223] : memref<10240x128xf32, #tpu.memory_space<vmem_shared>> -> memref<80x128xf32, #tpu.memory_space<vmem_shared>>
      %dma_wait3A_225 = arith.constant 0 : i32
      %dma_wait3A_226 = tpu.memref_slice %arg17[%add3A_19, %dma_wait3A_225] : memref<10240x128xf32, #tpu.memory_space<vmem_shared>> -> memref<80x128xf32, #tpu.memory_space<vmem_shared>>
      tpu.wait_dma2 semaphore(%run_scoped3A : memref<!tpu.dma_semaphore, #tpu.memory_space<semaphore_mem>>) src(%arg13 : memref<80x128xf32, #tpu.memory_space<vmem>>) dst(%dma_wait3A_226 : memref<80x128xf32, #tpu.memory_space<vmem_shared>>)
      tpu.yield
    }) : () -> ()
    %mul3A_20 = arith.constant 640 : i32
    %mul3A_21 = arith.muli %arg1, %mul3A_20 : i32
    %add3A_22 = arith.constant 240 : i32
    %add3A_23 = arith.addi %mul3A_21, %add3A_22 : i32
    "tpu.region"() ({
      %run_scoped3A = tpu.sem_alloc : memref<!tpu.dma_semaphore, #tpu.memory_space<semaphore_mem>>
      %dma_start3A_219 = arith.constant 0 : i32
      %dma_start3A_220 = tpu.memref_slice %arg17[%add3A_23, %dma_start3A_219] : memref<10240x128xf32, #tpu.memory_space<vmem_shared>> -> memref<80x128xf32, #tpu.memory_space<vmem_shared>>
      %dma_start3A_221 = arith.constant 0 : i32
      %dma_start3A_222 = tpu.memref_slice %arg17[%add3A_23, %dma_start3A_221] : memref<10240x128xf32, #tpu.memory_space<vmem_shared>> -> memref<80x128xf32, #tpu.memory_space<vmem_shared>>
      tpu.enqueue_dma source(%arg13 : memref<80x128xf32, #tpu.memory_space<vmem>>) target(%dma_start3A_222 : memref<80x128xf32, #tpu.memory_space<vmem_shared>>) target_semaphore(%run_scoped3A : memref<!tpu.dma_semaphore, #tpu.memory_space<semaphore_mem>>)
      %dma_wait3A_223 = arith.constant 0 : i32
      %dma_wait3A_224 = tpu.memref_slice %arg17[%add3A_23, %dma_wait3A_223] : memref<10240x128xf32, #tpu.memory_space<vmem_shared>> -> memref<80x128xf32, #tpu.memory_space<vmem_shared>>
      %dma_wait3A_225 = arith.constant 0 : i32
      %dma_wait3A_226 = tpu.memref_slice %arg17[%add3A_23, %dma_wait3A_225] : memref<10240x128xf32, #tpu.memory_space<vmem_shared>> -> memref<80x128xf32, #tpu.memory_space<vmem_shared>>
      tpu.wait_dma2 semaphore(%run_scoped3A : memref<!tpu.dma_semaphore, #tpu.memory_space<semaphore_mem>>) src(%arg13 : memref<80x128xf32, #tpu.memory_space<vmem>>) dst(%dma_wait3A_226 : memref<80x128xf32, #tpu.memory_space<vmem_shared>>)
      tpu.yield
    }) : () -> ()
    %mul3A_24 = arith.constant 640 : i32
    %mul3A_25 = arith.muli %arg1, %mul3A_24 : i32
    %add3A_26 = arith.constant 320 : i32
    %add3A_27 = arith.addi %mul3A_25, %add3A_26 : i32
    "tpu.region"() ({
      %run_scoped3A = tpu.sem_alloc : memref<!tpu.dma_semaphore, #tpu.memory_space<semaphore_mem>>
      %dma_start3A_219 = arith.constant 0 : i32
      %dma_start3A_220 = tpu.memref_slice %arg17[%add3A_27, %dma_start3A_219] : memref<10240x128xf32, #tpu.memory_space<vmem_shared>> -> memref<80x128xf32, #tpu.memory_space<vmem_shared>>
      %dma_start3A_221 = arith.constant 0 : i32
      %dma_start3A_222 = tpu.memref_slice %arg17[%add3A_27, %dma_start3A_221] : memref<10240x128xf32, #tpu.memory_space<vmem_shared>> -> memref<80x128xf32, #tpu.memory_space<vmem_shared>>
      tpu.enqueue_dma source(%arg13 : memref<80x128xf32, #tpu.memory_space<vmem>>) target(%dma_start3A_222 : memref<80x128xf32, #tpu.memory_space<vmem_shared>>) target_semaphore(%run_scoped3A : memref<!tpu.dma_semaphore, #tpu.memory_space<semaphore_mem>>)
      %dma_wait3A_223 = arith.constant 0 : i32
      %dma_wait3A_224 = tpu.memref_slice %arg17[%add3A_27, %dma_wait3A_223] : memref<10240x128xf32, #tpu.memory_space<vmem_shared>> -> memref<80x128xf32, #tpu.memory_space<vmem_shared>>
      %dma_wait3A_225 = arith.constant 0 : i32
      %dma_wait3A_226 = tpu.memref_slice %arg17[%add3A_27, %dma_wait3A_225] : memref<10240x128xf32, #tpu.memory_space<vmem_shared>> -> memref<80x128xf32, #tpu.memory_space<vmem_shared>>
      tpu.wait_dma2 semaphore(%run_scoped3A : memref<!tpu.dma_semaphore, #tpu.memory_space<semaphore_mem>>) src(%arg13 : memref<80x128xf32, #tpu.memory_space<vmem>>) dst(%dma_wait3A_226 : memref<80x128xf32, #tpu.memory_space<vmem_shared>>)
      tpu.yield
    }) : () -> ()
    %mul3A_28 = arith.constant 640 : i32
    %mul3A_29 = arith.muli %arg1, %mul3A_28 : i32
    %add3A_30 = arith.constant 400 : i32
    %add3A_31 = arith.addi %mul3A_29, %add3A_30 : i32
    "tpu.region"() ({
      %run_scoped3A = tpu.sem_alloc : memref<!tpu.dma_semaphore, #tpu.memory_space<semaphore_mem>>
      %dma_start3A_219 = arith.constant 0 : i32
      %dma_start3A_220 = tpu.memref_slice %arg17[%add3A_31, %dma_start3A_219] : memref<10240x128xf32, #tpu.memory_space<vmem_shared>> -> memref<80x128xf32, #tpu.memory_space<vmem_shared>>
      %dma_start3A_221 = arith.constant 0 : i32
      %dma_start3A_222 = tpu.memref_slice %arg17[%add3A_31, %dma_start3A_221] : memref<10240x128xf32, #tpu.memory_space<vmem_shared>> -> memref<80x128xf32, #tpu.memory_space<vmem_shared>>
      tpu.enqueue_dma source(%arg13 : memref<80x128xf32, #tpu.memory_space<vmem>>) target(%dma_start3A_222 : memref<80x128xf32, #tpu.memory_space<vmem_shared>>) target_semaphore(%run_scoped3A : memref<!tpu.dma_semaphore, #tpu.memory_space<semaphore_mem>>)
      %dma_wait3A_223 = arith.constant 0 : i32
      %dma_wait3A_224 = tpu.memref_slice %arg17[%add3A_31, %dma_wait3A_223] : memref<10240x128xf32, #tpu.memory_space<vmem_shared>> -> memref<80x128xf32, #tpu.memory_space<vmem_shared>>
      %dma_wait3A_225 = arith.constant 0 : i32
      %dma_wait3A_226 = tpu.memref_slice %arg17[%add3A_31, %dma_wait3A_225] : memref<10240x128xf32, #tpu.memory_space<vmem_shared>> -> memref<80x128xf32, #tpu.memory_space<vmem_shared>>
      tpu.wait_dma2 semaphore(%run_scoped3A : memref<!tpu.dma_semaphore, #tpu.memory_space<semaphore_mem>>) src(%arg13 : memref<80x128xf32, #tpu.memory_space<vmem>>) dst(%dma_wait3A_226 : memref<80x128xf32, #tpu.memory_space<vmem_shared>>)
      tpu.yield
    }) : () -> ()
    %mul3A_32 = arith.constant 640 : i32
    %mul3A_33 = arith.muli %arg1, %mul3A_32 : i32
    %add3A_34 = arith.constant 480 : i32
    %add3A_35 = arith.addi %mul3A_33, %add3A_34 : i32
    "tpu.region"() ({
      %run_scoped3A = tpu.sem_alloc : memref<!tpu.dma_semaphore, #tpu.memory_space<semaphore_mem>>
      %dma_start3A_219 = arith.constant 0 : i32
      %dma_start3A_220 = tpu.memref_slice %arg17[%add3A_35, %dma_start3A_219] : memref<10240x128xf32, #tpu.memory_space<vmem_shared>> -> memref<80x128xf32, #tpu.memory_space<vmem_shared>>
      %dma_start3A_221 = arith.constant 0 : i32
      %dma_start3A_222 = tpu.memref_slice %arg17[%add3A_35, %dma_start3A_221] : memref<10240x128xf32, #tpu.memory_space<vmem_shared>> -> memref<80x128xf32, #tpu.memory_space<vmem_shared>>
      tpu.enqueue_dma source(%arg13 : memref<80x128xf32, #tpu.memory_space<vmem>>) target(%dma_start3A_222 : memref<80x128xf32, #tpu.memory_space<vmem_shared>>) target_semaphore(%run_scoped3A : memref<!tpu.dma_semaphore, #tpu.memory_space<semaphore_mem>>)
      %dma_wait3A_223 = arith.constant 0 : i32
      %dma_wait3A_224 = tpu.memref_slice %arg17[%add3A_35, %dma_wait3A_223] : memref<10240x128xf32, #tpu.memory_space<vmem_shared>> -> memref<80x128xf32, #tpu.memory_space<vmem_shared>>
      %dma_wait3A_225 = arith.constant 0 : i32
      %dma_wait3A_226 = tpu.memref_slice %arg17[%add3A_35, %dma_wait3A_225] : memref<10240x128xf32, #tpu.memory_space<vmem_shared>> -> memref<80x128xf32, #tpu.memory_space<vmem_shared>>
      tpu.wait_dma2 semaphore(%run_scoped3A : memref<!tpu.dma_semaphore, #tpu.memory_space<semaphore_mem>>) src(%arg13 : memref<80x128xf32, #tpu.memory_space<vmem>>) dst(%dma_wait3A_226 : memref<80x128xf32, #tpu.memory_space<vmem_shared>>)
      tpu.yield
    }) : () -> ()
    %mul3A_36 = arith.constant 640 : i32
    %mul3A_37 = arith.muli %arg1, %mul3A_36 : i32
    %add3A_38 = arith.constant 560 : i32
    %add3A_39 = arith.addi %mul3A_37, %add3A_38 : i32
    "tpu.region"() ({
      %run_scoped3A = tpu.sem_alloc : memref<!tpu.dma_semaphore, #tpu.memory_space<semaphore_mem>>
      %dma_start3A_219 = arith.constant 0 : i32
      %dma_start3A_220 = tpu.memref_slice %arg17[%add3A_39, %dma_start3A_219] : memref<10240x128xf32, #tpu.memory_space<vmem_shared>> -> memref<80x128xf32, #tpu.memory_space<vmem_shared>>
      %dma_start3A_221 = arith.constant 0 : i32
      %dma_start3A_222 = tpu.memref_slice %arg17[%add3A_39, %dma_start3A_221] : memref<10240x128xf32, #tpu.memory_space<vmem_shared>> -> memref<80x128xf32, #tpu.memory_space<vmem_shared>>
      tpu.enqueue_dma source(%arg13 : memref<80x128xf32, #tpu.memory_space<vmem>>) target(%dma_start3A_222 : memref<80x128xf32, #tpu.memory_space<vmem_shared>>) target_semaphore(%run_scoped3A : memref<!tpu.dma_semaphore, #tpu.memory_space<semaphore_mem>>)
      %dma_wait3A_223 = arith.constant 0 : i32
      %dma_wait3A_224 = tpu.memref_slice %arg17[%add3A_39, %dma_wait3A_223] : memref<10240x128xf32, #tpu.memory_space<vmem_shared>> -> memref<80x128xf32, #tpu.memory_space<vmem_shared>>
      %dma_wait3A_225 = arith.constant 0 : i32
      %dma_wait3A_226 = tpu.memref_slice %arg17[%add3A_39, %dma_wait3A_225] : memref<10240x128xf32, #tpu.memory_space<vmem_shared>> -> memref<80x128xf32, #tpu.memory_space<vmem_shared>>
      tpu.wait_dma2 semaphore(%run_scoped3A : memref<!tpu.dma_semaphore, #tpu.memory_space<semaphore_mem>>) src(%arg13 : memref<80x128xf32, #tpu.memory_space<vmem>>) dst(%dma_wait3A_226 : memref<80x128xf32, #tpu.memory_space<vmem_shared>>)
      tpu.yield
    }) : () -> ()
    %barrier3A = arith.constant 0 : index
    tpu.barrier barrier_id(%barrier3A)
    %min3A = arith.constant 0 : i32
    %min3A_40 = arith.constant 124 : i32
    %min3A_41 = arith.minsi %min3A, %min3A_40 : i32
    %mul3A_42 = arith.constant 80 : i32
    %mul3A_43 = arith.muli %min3A_41, %mul3A_42 : i32
    %add3A_44 = arith.addi %mul3A_2, %mul3A_43 : i32
    %dma_start3A = tpu.memref_slice %arg4[%add3A_44] : memref<320000xi32, #tpu.memory_space<hbm>> -> memref<80xi32, #tpu.memory_space<hbm>>
    %dma_start3A_45 = tpu.memref_slice %arg4[%add3A_44] : memref<320000xi32, #tpu.memory_space<hbm>> -> memref<80xi32, #tpu.memory_space<hbm>>
    tpu.enqueue_dma source(%dma_start3A_45 : memref<80xi32, #tpu.memory_space<hbm>>) target(%arg7 : memref<80xi32, #tpu.memory_space<vmem>>) target_semaphore(%arg20 : memref<!tpu.dma_semaphore, #tpu.memory_space<semaphore_mem>>)
    %dma_start3A_46 = tpu.memref_slice %arg5[%add3A_44] : memref<320000xi32, #tpu.memory_space<hbm>> -> memref<80xi32, #tpu.memory_space<hbm>>
    %dma_start3A_47 = tpu.memref_slice %arg5[%add3A_44] : memref<320000xi32, #tpu.memory_space<hbm>> -> memref<80xi32, #tpu.memory_space<hbm>>
    tpu.enqueue_dma source(%dma_start3A_47 : memref<80xi32, #tpu.memory_space<hbm>>) target(%arg9 : memref<80xi32, #tpu.memory_space<vmem>>) target_semaphore(%arg20 : memref<!tpu.dma_semaphore, #tpu.memory_space<semaphore_mem>>)
    %min3A_48 = arith.constant 1 : i32
    %min3A_49 = arith.constant 124 : i32
    %min3A_50 = arith.minsi %min3A_48, %min3A_49 : i32
    %mul3A_51 = arith.constant 80 : i32
    %mul3A_52 = arith.muli %min3A_50, %mul3A_51 : i32
    %add3A_53 = arith.addi %mul3A_2, %mul3A_52 : i32
    %dma_start3A_54 = tpu.memref_slice %arg4[%add3A_53] : memref<320000xi32, #tpu.memory_space<hbm>> -> memref<80xi32, #tpu.memory_space<hbm>>
    %dma_start3A_55 = tpu.memref_slice %arg4[%add3A_53] : memref<320000xi32, #tpu.memory_space<hbm>> -> memref<80xi32, #tpu.memory_space<hbm>>
    tpu.enqueue_dma source(%dma_start3A_55 : memref<80xi32, #tpu.memory_space<hbm>>) target(%arg8 : memref<80xi32, #tpu.memory_space<vmem>>) target_semaphore(%arg21 : memref<!tpu.dma_semaphore, #tpu.memory_space<semaphore_mem>>)
    %dma_start3A_56 = tpu.memref_slice %arg5[%add3A_53] : memref<320000xi32, #tpu.memory_space<hbm>> -> memref<80xi32, #tpu.memory_space<hbm>>
    %dma_start3A_57 = tpu.memref_slice %arg5[%add3A_53] : memref<320000xi32, #tpu.memory_space<hbm>> -> memref<80xi32, #tpu.memory_space<hbm>>
    tpu.enqueue_dma source(%dma_start3A_57 : memref<80xi32, #tpu.memory_space<hbm>>) target(%arg10 : memref<80xi32, #tpu.memory_space<vmem>>) target_semaphore(%arg21 : memref<!tpu.dma_semaphore, #tpu.memory_space<semaphore_mem>>)
    %dma_wait3A = arith.constant 0 : i32
    %dma_wait3A_58 = tpu.memref_slice %arg4[%dma_wait3A] : memref<320000xi32, #tpu.memory_space<hbm>> -> memref<80xi32, #tpu.memory_space<hbm>>
    %dma_wait3A_59 = arith.constant 0 : i32
    %dma_wait3A_60 = tpu.memref_slice %arg4[%dma_wait3A_59] : memref<320000xi32, #tpu.memory_space<hbm>> -> memref<80xi32, #tpu.memory_space<hbm>>
    tpu.wait_dma2 semaphore(%arg20 : memref<!tpu.dma_semaphore, #tpu.memory_space<semaphore_mem>>) src(%dma_wait3A_60 : memref<80xi32, #tpu.memory_space<hbm>>) dst(%arg7 : memref<80xi32, #tpu.memory_space<vmem>>)
    %dma_wait3A_61 = arith.constant 0 : i32
    %dma_wait3A_62 = tpu.memref_slice %arg5[%dma_wait3A_61] : memref<320000xi32, #tpu.memory_space<hbm>> -> memref<80xi32, #tpu.memory_space<hbm>>
    %dma_wait3A_63 = arith.constant 0 : i32
    %dma_wait3A_64 = tpu.memref_slice %arg5[%dma_wait3A_63] : memref<320000xi32, #tpu.memory_space<hbm>> -> memref<80xi32, #tpu.memory_space<hbm>>
    tpu.wait_dma2 semaphore(%arg20 : memref<!tpu.dma_semaphore, #tpu.memory_space<semaphore_mem>>) src(%dma_wait3A_64 : memref<80xi32, #tpu.memory_space<hbm>>) dst(%arg9 : memref<80xi32, #tpu.memory_space<vmem>>)
    %min3A_65 = arith.constant 0 : i32
    %min3A_66 = arith.constant 124 : i32
    %min3A_67 = arith.minsi %min3A_65, %min3A_66 : i32
    %mul3A_68 = arith.constant 80 : i32
    %mul3A_69 = arith.muli %min3A_67, %mul3A_68 : i32
    %add3A_70 = arith.addi %mul3A_2, %mul3A_69 : i32
    %dma_start3A_71 = arith.constant 0 : i32
    %dma_start3A_72 = arith.constant 0 : i32
    %dma_start3A_73 = tpu.memref_slice %arg2[%dma_start3A_71, %dma_start3A_72] : memref<10000x128xf32, #tpu.memory_space<hbm>> -> memref<10000x128xf32, #tpu.memory_space<hbm>>
    tpu.enqueue_indirect_dma source(%dma_start3A_73 : memref<10000x128xf32, #tpu.memory_space<hbm>>) target(%arg13 : memref<80x128xf32, #tpu.memory_space<vmem>>) offsets(%arg7 : memref<80xi32, #tpu.memory_space<vmem>>) semaphore(%arg18 : memref<!tpu.dma_semaphore, #tpu.memory_space<semaphore_mem>>)
    %dma_start3A_74 = arith.constant 0 : i32
    %dma_start3A_75 = tpu.memref_slice %arg3[%add3A_70, %dma_start3A_74] : memref<320000x128xf32, #tpu.memory_space<hbm>> -> memref<80x128xf32, #tpu.memory_space<hbm>>
    %dma_start3A_76 = arith.constant 0 : i32
    %dma_start3A_77 = tpu.memref_slice %arg3[%add3A_70, %dma_start3A_76] : memref<320000x128xf32, #tpu.memory_space<hbm>> -> memref<80x128xf32, #tpu.memory_space<hbm>>
    tpu.enqueue_dma source(%dma_start3A_77 : memref<80x128xf32, #tpu.memory_space<hbm>>) target(%arg15 : memref<80x128xf32, #tpu.memory_space<vmem>>) target_semaphore(%arg18 : memref<!tpu.dma_semaphore, #tpu.memory_space<semaphore_mem>>)
    %dma_wait3A_78 = arith.constant 0 : i32
    %dma_wait3A_79 = arith.constant 0 : i32
    %dma_wait3A_80 = tpu.memref_slice %arg2[%dma_wait3A_78, %dma_wait3A_79] : memref<10000x128xf32, #tpu.memory_space<hbm>> -> memref<10000x128xf32, #tpu.memory_space<hbm>>
    tpu.wait_indirect_dma semaphore(%arg18 : memref<!tpu.dma_semaphore, #tpu.memory_space<semaphore_mem>>) src(%dma_wait3A_80 : memref<10000x128xf32, #tpu.memory_space<hbm>>) dst(%arg13 : memref<80x128xf32, #tpu.memory_space<vmem>>)
    %dma_wait3A_81 = arith.constant 0 : i32
    %dma_wait3A_82 = arith.constant 0 : i32
    %dma_wait3A_83 = tpu.memref_slice %arg3[%dma_wait3A_81, %dma_wait3A_82] : memref<320000x128xf32, #tpu.memory_space<hbm>> -> memref<80x128xf32, #tpu.memory_space<hbm>>
    %dma_wait3A_84 = arith.constant 0 : i32
    %dma_wait3A_85 = arith.constant 0 : i32
    %dma_wait3A_86 = tpu.memref_slice %arg3[%dma_wait3A_84, %dma_wait3A_85] : memref<320000x128xf32, #tpu.memory_space<hbm>> -> memref<80x128xf32, #tpu.memory_space<hbm>>
    tpu.wait_dma2 semaphore(%arg18 : memref<!tpu.dma_semaphore, #tpu.memory_space<semaphore_mem>>) src(%dma_wait3A_86 : memref<80x128xf32, #tpu.memory_space<hbm>>) dst(%arg15 : memref<80x128xf32, #tpu.memory_space<vmem>>)
    %dma_wait3A_87 = arith.constant 0 : i32
    %dma_wait3A_88 = tpu.memref_slice %arg4[%dma_wait3A_87] : memref<320000xi32, #tpu.memory_space<hbm>> -> memref<80xi32, #tpu.memory_space<hbm>>
    %dma_wait3A_89 = arith.constant 0 : i32
    %dma_wait3A_90 = tpu.memref_slice %arg4[%dma_wait3A_89] : memref<320000xi32, #tpu.memory_space<hbm>> -> memref<80xi32, #tpu.memory_space<hbm>>
    tpu.wait_dma2 semaphore(%arg21 : memref<!tpu.dma_semaphore, #tpu.memory_space<semaphore_mem>>) src(%dma_wait3A_90 : memref<80xi32, #tpu.memory_space<hbm>>) dst(%arg8 : memref<80xi32, #tpu.memory_space<vmem>>)
    %dma_wait3A_91 = arith.constant 0 : i32
    %dma_wait3A_92 = tpu.memref_slice %arg5[%dma_wait3A_91] : memref<320000xi32, #tpu.memory_space<hbm>> -> memref<80xi32, #tpu.memory_space<hbm>>
    %dma_wait3A_93 = arith.constant 0 : i32
    %dma_wait3A_94 = tpu.memref_slice %arg5[%dma_wait3A_93] : memref<320000xi32, #tpu.memory_space<hbm>> -> memref<80xi32, #tpu.memory_space<hbm>>
    tpu.wait_dma2 semaphore(%arg21 : memref<!tpu.dma_semaphore, #tpu.memory_space<semaphore_mem>>) src(%dma_wait3A_94 : memref<80xi32, #tpu.memory_space<hbm>>) dst(%arg10 : memref<80xi32, #tpu.memory_space<vmem>>)
    %min3A_95 = arith.constant 1 : i32
    %min3A_96 = arith.constant 124 : i32
    %min3A_97 = arith.minsi %min3A_95, %min3A_96 : i32
    %mul3A_98 = arith.constant 80 : i32
    %mul3A_99 = arith.muli %min3A_97, %mul3A_98 : i32
    %add3A_100 = arith.addi %mul3A_2, %mul3A_99 : i32
    %dma_start3A_101 = arith.constant 0 : i32
    %dma_start3A_102 = arith.constant 0 : i32
    %dma_start3A_103 = tpu.memref_slice %arg2[%dma_start3A_101, %dma_start3A_102] : memref<10000x128xf32, #tpu.memory_space<hbm>> -> memref<10000x128xf32, #tpu.memory_space<hbm>>
    tpu.enqueue_indirect_dma source(%dma_start3A_103 : memref<10000x128xf32, #tpu.memory_space<hbm>>) target(%arg14 : memref<80x128xf32, #tpu.memory_space<vmem>>) offsets(%arg8 : memref<80xi32, #tpu.memory_space<vmem>>) semaphore(%arg19 : memref<!tpu.dma_semaphore, #tpu.memory_space<semaphore_mem>>)
    %dma_start3A_104 = arith.constant 0 : i32
    %dma_start3A_105 = tpu.memref_slice %arg3[%add3A_100, %dma_start3A_104] : memref<320000x128xf32, #tpu.memory_space<hbm>> -> memref<80x128xf32, #tpu.memory_space<hbm>>
    %dma_start3A_106 = arith.constant 0 : i32
    %dma_start3A_107 = tpu.memref_slice %arg3[%add3A_100, %dma_start3A_106] : memref<320000x128xf32, #tpu.memory_space<hbm>> -> memref<80x128xf32, #tpu.memory_space<hbm>>
    tpu.enqueue_dma source(%dma_start3A_107 : memref<80x128xf32, #tpu.memory_space<hbm>>) target(%arg16 : memref<80x128xf32, #tpu.memory_space<vmem>>) target_semaphore(%arg19 : memref<!tpu.dma_semaphore, #tpu.memory_space<semaphore_mem>>)
    %scan3A_108 = arith.constant 0 : i32
    %scan3A_109 = arith.constant 0 : i32
    %scan3A_110 = arith.constant 80 : i32
    %scan3A_111 = arith.addi %scan3A_109, %scan3A_110 : i32
    %scan3A_112 = arith.constant 1 : i32
    scf.for %scan3A_219 = %scan3A_109 to %scan3A_111 step %scan3A_112  : i32 {
      %get3A_220 = arith.index_cast %scan3A_219 : i32 to index
      %get3A_221 = arith.constant 0 : index
      %get3A_222 = tpu.vector_load %arg13[%get3A_220, %get3A_221] {strides = array<i32>} : memref<80x128xf32, #tpu.memory_space<vmem>>, vector<1x16xf32>,
      %get3A_223 = vector.shape_cast %get3A_222 : vector<1x16xf32> to vector<16xf32>
      %get3A_224 = arith.index_cast %scan3A_219 : i32 to index
      %get3A_225 = arith.constant 0 : index
      %get3A_226 = tpu.vector_load %arg15[%get3A_224, %get3A_225] {strides = array<i32>} : memref<80x128xf32, #tpu.memory_space<vmem>>, vector<1x16xf32>,
      %get3A_227 = vector.shape_cast %get3A_226 : vector<1x16xf32> to vector<16xf32>
      %mul3A_228 = arith.mulf %get3A_223, %get3A_227 : vector<16xf32>
      %swap3A_229 = arith.index_cast %scan3A_219 : i32 to index
      %swap3A_230 = arith.constant 0 : index
      %swap3A_231 = tpu.vector_load %arg13[%swap3A_229, %swap3A_230] {strides = array<i32>} : memref<80x128xf32, #tpu.memory_space<vmem>>, vector<1x16xf32>,
      %swap3A_232 = vector.shape_cast %swap3A_231 : vector<1x16xf32> to vector<16xf32>
      %swap3A_233 = vector.shape_cast %mul3A_228 : vector<16xf32> to vector<1x16xf32>
      tpu.vector_store %arg13[%swap3A_229, %swap3A_230], %swap3A_233 {strides = array<i32>} : memref<80x128xf32, #tpu.memory_space<vmem>>, vector<1x16xf32>,
      %get3A_234 = arith.index_cast %scan3A_219 : i32 to index
      %get3A_235 = arith.constant 16 : index
      %get3A_236 = tpu.vector_load %arg13[%get3A_234, %get3A_235] {strides = array<i32>} : memref<80x128xf32, #tpu.memory_space<vmem>>, vector<1x16xf32>,
      %get3A_237 = vector.shape_cast %get3A_236 : vector<1x16xf32> to vector<16xf32>
      %get3A_238 = arith.index_cast %scan3A_219 : i32 to index
      %get3A_239 = arith.constant 16 : index
      %get3A_240 = tpu.vector_load %arg15[%get3A_238, %get3A_239] {strides = array<i32>} : memref<80x128xf32, #tpu.memory_space<vmem>>, vector<1x16xf32>,
      %get3A_241 = vector.shape_cast %get3A_240 : vector<1x16xf32> to vector<16xf32>
      %mul3A_242 = arith.mulf %get3A_237, %get3A_241 : vector<16xf32>
      %swap3A_243 = arith.index_cast %scan3A_219 : i32 to index
      %swap3A_244 = arith.constant 16 : index
      %swap3A_245 = tpu.vector_load %arg13[%swap3A_243, %swap3A_244] {strides = array<i32>} : memref<80x128xf32, #tpu.memory_space<vmem>>, vector<1x16xf32>,
      %swap3A_246 = vector.shape_cast %swap3A_245 : vector<1x16xf32> to vector<16xf32>
      %swap3A_247 = vector.shape_cast %mul3A_242 : vector<16xf32> to vector<1x16xf32>
      tpu.vector_store %arg13[%swap3A_243, %swap3A_244], %swap3A_247 {strides = array<i32>} : memref<80x128xf32, #tpu.memory_space<vmem>>, vector<1x16xf32>,
      %get3A_248 = arith.index_cast %scan3A_219 : i32 to index
      %get3A_249 = arith.constant 32 : index
      %get3A_250 = tpu.vector_load %arg13[%get3A_248, %get3A_249] {strides = array<i32>} : memref<80x128xf32, #tpu.memory_space<vmem>>, vector<1x16xf32>,
      %get3A_251 = vector.shape_cast %get3A_250 : vector<1x16xf32> to vector<16xf32>
      %get3A_252 = arith.index_cast %scan3A_219 : i32 to index
      %get3A_253 = arith.constant 32 : index
      %get3A_254 = tpu.vector_load %arg15[%get3A_252, %get3A_253] {strides = array<i32>} : memref<80x128xf32, #tpu.memory_space<vmem>>, vector<1x16xf32>,
      %get3A_255 = vector.shape_cast %get3A_254 : vector<1x16xf32> to vector<16xf32>
      %mul3A_256 = arith.mulf %get3A_251, %get3A_255 : vector<16xf32>
      %swap3A_257 = arith.index_cast %scan3A_219 : i32 to index
      %swap3A_258 = arith.constant 32 : index
      %swap3A_259 = tpu.vector_load %arg13[%swap3A_257, %swap3A_258] {strides = array<i32>} : memref<80x128xf32, #tpu.memory_space<vmem>>, vector<1x16xf32>,
      %swap3A_260 = vector.shape_cast %swap3A_259 : vector<1x16xf32> to vector<16xf32>
      %swap3A_261 = vector.shape_cast %mul3A_256 : vector<16xf32> to vector<1x16xf32>
      tpu.vector_store %arg13[%swap3A_257, %swap3A_258], %swap3A_261 {strides = array<i32>} : memref<80x128xf32, #tpu.memory_space<vmem>>, vector<1x16xf32>,
      %get3A_262 = arith.index_cast %scan3A_219 : i32 to index
      %get3A_263 = arith.constant 48 : index
      %get3A_264 = tpu.vector_load %arg13[%get3A_262, %get3A_263] {strides = array<i32>} : memref<80x128xf32, #tpu.memory_space<vmem>>, vector<1x16xf32>,
      %get3A_265 = vector.shape_cast %get3A_264 : vector<1x16xf32> to vector<16xf32>
      %get3A_266 = arith.index_cast %scan3A_219 : i32 to index
      %get3A_267 = arith.constant 48 : index
      %get3A_268 = tpu.vector_load %arg15[%get3A_266, %get3A_267] {strides = array<i32>} : memref<80x128xf32, #tpu.memory_space<vmem>>, vector<1x16xf32>,
      %get3A_269 = vector.shape_cast %get3A_268 : vector<1x16xf32> to vector<16xf32>
      %mul3A_270 = arith.mulf %get3A_265, %get3A_269 : vector<16xf32>
      %swap3A_271 = arith.index_cast %scan3A_219 : i32 to index
      %swap3A_272 = arith.constant 48 : index
      %swap3A_273 = tpu.vector_load %arg13[%swap3A_271, %swap3A_272] {strides = array<i32>} : memref<80x128xf32, #tpu.memory_space<vmem>>, vector<1x16xf32>,
      %swap3A_274 = vector.shape_cast %swap3A_273 : vector<1x16xf32> to vector<16xf32>
      %swap3A_275 = vector.shape_cast %mul3A_270 : vector<16xf32> to vector<1x16xf32>
      tpu.vector_store %arg13[%swap3A_271, %swap3A_272], %swap3A_275 {strides = array<i32>} : memref<80x128xf32, #tpu.memory_space<vmem>>, vector<1x16xf32>,
      %get3A_276 = arith.index_cast %scan3A_219 : i32 to index
      %get3A_277 = arith.constant 64 : index
      %get3A_278 = tpu.vector_load %arg13[%get3A_276, %get3A_277] {strides = array<i32>} : memref<80x128xf32, #tpu.memory_space<vmem>>, vector<1x16xf32>,
      %get3A_279 = vector.shape_cast %get3A_278 : vector<1x16xf32> to vector<16xf32>
      %get3A_280 = arith.index_cast %scan3A_219 : i32 to index
      %get3A_281 = arith.constant 64 : index
      %get3A_282 = tpu.vector_load %arg15[%get3A_280, %get3A_281] {strides = array<i32>} : memref<80x128xf32, #tpu.memory_space<vmem>>, vector<1x16xf32>,
      %get3A_283 = vector.shape_cast %get3A_282 : vector<1x16xf32> to vector<16xf32>
      %mul3A_284 = arith.mulf %get3A_279, %get3A_283 : vector<16xf32>
      %swap3A_285 = arith.index_cast %scan3A_219 : i32 to index
      %swap3A_286 = arith.constant 64 : index
      %swap3A_287 = tpu.vector_load %arg13[%swap3A_285, %swap3A_286] {strides = array<i32>} : memref<80x128xf32, #tpu.memory_space<vmem>>, vector<1x16xf32>,
      %swap3A_288 = vector.shape_cast %swap3A_287 : vector<1x16xf32> to vector<16xf32>
      %swap3A_289 = vector.shape_cast %mul3A_284 : vector<16xf32> to vector<1x16xf32>
      tpu.vector_store %arg13[%swap3A_285, %swap3A_286], %swap3A_289 {strides = array<i32>} : memref<80x128xf32, #tpu.memory_space<vmem>>, vector<1x16xf32>,
      %get3A_290 = arith.index_cast %scan3A_219 : i32 to index
      %get3A_291 = arith.constant 80 : index
      %get3A_292 = tpu.vector_load %arg13[%get3A_290, %get3A_291] {strides = array<i32>} : memref<80x128xf32, #tpu.memory_space<vmem>>, vector<1x16xf32>,
      %get3A_293 = vector.shape_cast %get3A_292 : vector<1x16xf32> to vector<16xf32>
      %get3A_294 = arith.index_cast %scan3A_219 : i32 to index
      %get3A_295 = arith.constant 80 : index
      %get3A_296 = tpu.vector_load %arg15[%get3A_294, %get3A_295] {strides = array<i32>} : memref<80x128xf32, #tpu.memory_space<vmem>>, vector<1x16xf32>,
      %get3A_297 = vector.shape_cast %get3A_296 : vector<1x16xf32> to vector<16xf32>
      %mul3A_298 = arith.mulf %get3A_293, %get3A_297 : vector<16xf32>
      %swap3A_299 = arith.index_cast %scan3A_219 : i32 to index
      %swap3A_300 = arith.constant 80 : index
      %swap3A_301 = tpu.vector_load %arg13[%swap3A_299, %swap3A_300] {strides = array<i32>} : memref<80x128xf32, #tpu.memory_space<vmem>>, vector<1x16xf32>,
      %swap3A_302 = vector.shape_cast %swap3A_301 : vector<1x16xf32> to vector<16xf32>
      %swap3A_303 = vector.shape_cast %mul3A_298 : vector<16xf32> to vector<1x16xf32>
      tpu.vector_store %arg13[%swap3A_299, %swap3A_300], %swap3A_303 {strides = array<i32>} : memref<80x128xf32, #tpu.memory_space<vmem>>, vector<1x16xf32>,
      %get3A_304 = arith.index_cast %scan3A_219 : i32 to index
      %get3A_305 = arith.constant 96 : index
      %get3A_306 = tpu.vector_load %arg13[%get3A_304, %get3A_305] {strides = array<i32>} : memref<80x128xf32, #tpu.memory_space<vmem>>, vector<1x16xf32>,
      %get3A_307 = vector.shape_cast %get3A_306 : vector<1x16xf32> to vector<16xf32>
      %get3A_308 = arith.index_cast %scan3A_219 : i32 to index
      %get3A_309 = arith.constant 96 : index
      %get3A_310 = tpu.vector_load %arg15[%get3A_308, %get3A_309] {strides = array<i32>} : memref<80x128xf32, #tpu.memory_space<vmem>>, vector<1x16xf32>,
      %get3A_311 = vector.shape_cast %get3A_310 : vector<1x16xf32> to vector<16xf32>
      %mul3A_312 = arith.mulf %get3A_307, %get3A_311 : vector<16xf32>
      %swap3A_313 = arith.index_cast %scan3A_219 : i32 to index
      %swap3A_314 = arith.constant 96 : index
      %swap3A_315 = tpu.vector_load %arg13[%swap3A_313, %swap3A_314] {strides = array<i32>} : memref<80x128xf32, #tpu.memory_space<vmem>>, vector<1x16xf32>,
      %swap3A_316 = vector.shape_cast %swap3A_315 : vector<1x16xf32> to vector<16xf32>
      %swap3A_317 = vector.shape_cast %mul3A_312 : vector<16xf32> to vector<1x16xf32>
      tpu.vector_store %arg13[%swap3A_313, %swap3A_314], %swap3A_317 {strides = array<i32>} : memref<80x128xf32, #tpu.memory_space<vmem>>, vector<1x16xf32>,
      %get3A_318 = arith.index_cast %scan3A_219 : i32 to index
      %get3A_319 = arith.constant 112 : index
      %get3A_320 = tpu.vector_load %arg13[%get3A_318, %get3A_319] {strides = array<i32>} : memref<80x128xf32, #tpu.memory_space<vmem>>, vector<1x16xf32>,
      %get3A_321 = vector.shape_cast %get3A_320 : vector<1x16xf32> to vector<16xf32>
      %get3A_322 = arith.index_cast %scan3A_219 : i32 to index
      %get3A_323 = arith.constant 112 : index
      %get3A_324 = tpu.vector_load %arg15[%get3A_322, %get3A_323] {strides = array<i32>} : memref<80x128xf32, #tpu.memory_space<vmem>>, vector<1x16xf32>,
      %get3A_325 = vector.shape_cast %get3A_324 : vector<1x16xf32> to vector<16xf32>
      %mul3A_326 = arith.mulf %get3A_321, %get3A_325 : vector<16xf32>
      %swap3A_327 = arith.index_cast %scan3A_219 : i32 to index
      %swap3A_328 = arith.constant 112 : index
      %swap3A_329 = tpu.vector_load %arg13[%swap3A_327, %swap3A_328] {strides = array<i32>} : memref<80x128xf32, #tpu.memory_space<vmem>>, vector<1x16xf32>,
      %swap3A_330 = vector.shape_cast %swap3A_329 : vector<1x16xf32> to vector<16xf32>
      %swap3A_331 = vector.shape_cast %mul3A_326 : vector<16xf32> to vector<1x16xf32>
      tpu.vector_store %arg13[%swap3A_327, %swap3A_328], %swap3A_331 {strides = array<i32>} : memref<80x128xf32, #tpu.memory_space<vmem>>, vector<1x16xf32>,
    }
    %scan3A_113 = arith.constant 80 : i32
    %get3A = arith.constant 0 : index
    %get3A_114 = tpu.vector_load %arg9[%get3A] {strides = array<i32>} : memref<80xi32, #tpu.memory_space<vmem>>, vector<16xi32>,
    %get3A_115 = vector.shape_cast %get3A_114 : vector<16xi32> to vector<16xi32>
    %swap3A = arith.constant 0 : index
    %swap3A_116 = tpu.vector_load %arg11[%swap3A] {strides = array<i32>} : memref<80xi32, #tpu.memory_space<vmem>>, vector<16xi32>,
    %swap3A_117 = vector.shape_cast %swap3A_116 : vector<16xi32> to vector<16xi32>
    %swap3A_118 = vector.shape_cast %get3A_115 : vector<16xi32> to vector<16xi32>
    tpu.vector_store %arg11[%swap3A], %swap3A_118 {strides = array<i32>} : memref<80xi32, #tpu.memory_space<vmem>>, vector<16xi32>,
    %get3A_119 = arith.constant 16 : index
    %get3A_120 = tpu.vector_load %arg9[%get3A_119] {strides = array<i32>} : memref<80xi32, #tpu.memory_space<vmem>>, vector<16xi32>,
    %get3A_121 = vector.shape_cast %get3A_120 : vector<16xi32> to vector<16xi32>
    %swap3A_122 = arith.constant 16 : index
    %swap3A_123 = tpu.vector_load %arg11[%swap3A_122] {strides = array<i32>} : memref<80xi32, #tpu.memory_space<vmem>>, vector<16xi32>,
    %swap3A_124 = vector.shape_cast %swap3A_123 : vector<16xi32> to vector<16xi32>
    %swap3A_125 = vector.shape_cast %get3A_121 : vector<16xi32> to vector<16xi32>
    tpu.vector_store %arg11[%swap3A_122], %swap3A_125 {strides = array<i32>} : memref<80xi32, #tpu.memory_space<vmem>>, vector<16xi32>,
    %get3A_126 = arith.constant 32 : index
    %get3A_127 = tpu.vector_load %arg9[%get3A_126] {strides = array<i32>} : memref<80xi32, #tpu.memory_space<vmem>>, vector<16xi32>,
    %get3A_128 = vector.shape_cast %get3A_127 : vector<16xi32> to vector<16xi32>
    %swap3A_129 = arith.constant 32 : index
    %swap3A_130 = tpu.vector_load %arg11[%swap3A_129] {strides = array<i32>} : memref<80xi32, #tpu.memory_space<vmem>>, vector<16xi32>,
    %swap3A_131 = vector.shape_cast %swap3A_130 : vector<16xi32> to vector<16xi32>
    %swap3A_132 = vector.shape_cast %get3A_128 : vector<16xi32> to vector<16xi32>
    tpu.vector_store %arg11[%swap3A_129], %swap3A_132 {strides = array<i32>} : memref<80xi32, #tpu.memory_space<vmem>>, vector<16xi32>,
    %get3A_133 = arith.constant 48 : index
    %get3A_134 = tpu.vector_load %arg9[%get3A_133] {strides = array<i32>} : memref<80xi32, #tpu.memory_space<vmem>>, vector<16xi32>,
    %get3A_135 = vector.shape_cast %get3A_134 : vector<16xi32> to vector<16xi32>
    %swap3A_136 = arith.constant 48 : index
    %swap3A_137 = tpu.vector_load %arg11[%swap3A_136] {strides = array<i32>} : memref<80xi32, #tpu.memory_space<vmem>>, vector<16xi32>,
    %swap3A_138 = vector.shape_cast %swap3A_137 : vector<16xi32> to vector<16xi32>
    %swap3A_139 = vector.shape_cast %get3A_135 : vector<16xi32> to vector<16xi32>
    tpu.vector_store %arg11[%swap3A_136], %swap3A_139 {strides = array<i32>} : memref<80xi32, #tpu.memory_space<vmem>>, vector<16xi32>,
    %get3A_140 = arith.constant 64 : index
    %get3A_141 = tpu.vector_load %arg9[%get3A_140] {strides = array<i32>} : memref<80xi32, #tpu.memory_space<vmem>>, vector<16xi32>,
    %get3A_142 = vector.shape_cast %get3A_141 : vector<16xi32> to vector<16xi32>
    %swap3A_143 = arith.constant 64 : index
    %swap3A_144 = tpu.vector_load %arg11[%swap3A_143] {strides = array<i32>} : memref<80xi32, #tpu.memory_space<vmem>>, vector<16xi32>,
    %swap3A_145 = vector.shape_cast %swap3A_144 : vector<16xi32> to vector<16xi32>
    %swap3A_146 = vector.shape_cast %get3A_142 : vector<16xi32> to vector<16xi32>
    tpu.vector_store %arg11[%swap3A_143], %swap3A_146 {strides = array<i32>} : memref<80xi32, #tpu.memory_space<vmem>>, vector<16xi32>,
    %dma_start3A_147 = arith.constant 0 : i32
    %dma_start3A_148 = arith.constant 0 : i32
    %dma_start3A_149 = tpu.memref_slice %arg17[%dma_start3A_147, %dma_start3A_148] : memref<10240x128xf32, #tpu.memory_space<vmem_shared>> -> memref<10240x128xf32, #tpu.memory_space<vmem_shared>>
    tpu.enqueue_indirect_dma source(%arg13 : memref<80x128xf32, #tpu.memory_space<vmem>>) target(%dma_start3A_149 : memref<10240x128xf32, #tpu.memory_space<vmem_shared>>) offsets(%arg11 : memref<80xi32, #tpu.memory_space<vmem>>) semaphore(%arg22 : memref<!tpu.dma_semaphore, #tpu.memory_space<semaphore_mem>>) {add = true}
    %min3A_150 = arith.constant 2 : i32
    %min3A_151 = arith.constant 124 : i32
    %min3A_152 = arith.minsi %min3A_150, %min3A_151 : i32
    %mul3A_153 = arith.constant 80 : i32
    %mul3A_154 = arith.muli %min3A_152, %mul3A_153 : i32
    %add3A_155 = arith.addi %mul3A_2, %mul3A_154 : i32
    %dma_start3A_156 = tpu.memref_slice %arg4[%add3A_155] : memref<320000xi32, #tpu.memory_space<hbm>> -> memref<80xi32, #tpu.memory_space<hbm>>
    %dma_start3A_157 = tpu.memref_slice %arg4[%add3A_155] : memref<320000xi32, #tpu.memory_space<hbm>> -> memref<80xi32, #tpu.memory_space<hbm>>
    tpu.enqueue_dma source(%dma_start3A_157 : memref<80xi32, #tpu.memory_space<hbm>>) target(%arg7 : memref<80xi32, #tpu.memory_space<vmem>>) target_semaphore(%arg20 : memref<!tpu.dma_semaphore, #tpu.memory_space<semaphore_mem>>)
    %dma_start3A_158 = tpu.memref_slice %arg5[%add3A_155] : memref<320000xi32, #tpu.memory_space<hbm>> -> memref<80xi32, #tpu.memory_space<hbm>>
    %dma_start3A_159 = tpu.memref_slice %arg5[%add3A_155] : memref<320000xi32, #tpu.memory_space<hbm>> -> memref<80xi32, #tpu.memory_space<hbm>>
    tpu.enqueue_dma source(%dma_start3A_159 : memref<80xi32, #tpu.memory_space<hbm>>) target(%arg9 : memref<80xi32, #tpu.memory_space<vmem>>) target_semaphore(%arg20 : memref<!tpu.dma_semaphore, #tpu.memory_space<semaphore_mem>>)
    %scan3A_160 = arith.constant 0 : i32
    %scan3A_161 = arith.constant 0 : i32
    %scan3A_162 = arith.constant 62 : i32
    %scan3A_163 = arith.addi %scan3A_161, %scan3A_162 : i32
    %scan3A_164 = arith.constant 1 : i32
    scf.for %scan3A_219 = %scan3A_161 to %scan3A_163 step %scan3A_164  : i32 {
      %mul3A_220 = arith.constant 2 : i32
      %mul3A_221 = arith.muli %scan3A_219, %mul3A_220 : i32
      %add3A_222 = arith.constant 1 : i32
      %add3A_223 = arith.addi %mul3A_221, %add3A_222 : i32
      %dma_wait3A_224 = arith.constant 0 : i32
      %dma_wait3A_225 = arith.constant 0 : i32
      %dma_wait3A_226 = tpu.memref_slice %arg2[%dma_wait3A_224, %dma_wait3A_225] : memref<10000x128xf32, #tpu.memory_space<hbm>> -> memref<10000x128xf32, #tpu.memory_space<hbm>>
      tpu.wait_indirect_dma semaphore(%arg19 : memref<!tpu.dma_semaphore, #tpu.memory_space<semaphore_mem>>) src(%dma_wait3A_226 : memref<10000x128xf32, #tpu.memory_space<hbm>>) dst(%arg14 : memref<80x128xf32, #tpu.memory_space<vmem>>)
      %dma_wait3A_227 = arith.constant 0 : i32
      %dma_wait3A_228 = arith.constant 0 : i32
      %dma_wait3A_229 = tpu.memref_slice %arg3[%dma_wait3A_227, %dma_wait3A_228] : memref<320000x128xf32, #tpu.memory_space<hbm>> -> memref<80x128xf32, #tpu.memory_space<hbm>>
      %dma_wait3A_230 = arith.constant 0 : i32
      %dma_wait3A_231 = arith.constant 0 : i32
      %dma_wait3A_232 = tpu.memref_slice %arg3[%dma_wait3A_230, %dma_wait3A_231] : memref<320000x128xf32, #tpu.memory_space<hbm>> -> memref<80x128xf32, #tpu.memory_space<hbm>>
      tpu.wait_dma2 semaphore(%arg19 : memref<!tpu.dma_semaphore, #tpu.memory_space<semaphore_mem>>) src(%dma_wait3A_232 : memref<80x128xf32, #tpu.memory_space<hbm>>) dst(%arg16 : memref<80x128xf32, #tpu.memory_space<vmem>>)
      %dma_wait3A_233 = arith.constant 0 : i32
      %dma_wait3A_234 = arith.constant 0 : i32
      %dma_wait3A_235 = tpu.memref_slice %arg17[%dma_wait3A_233, %dma_wait3A_234] : memref<10240x128xf32, #tpu.memory_space<vmem_shared>> -> memref<10240x128xf32, #tpu.memory_space<vmem_shared>>
      tpu.wait_indirect_dma semaphore(%arg22 : memref<!tpu.dma_semaphore, #tpu.memory_space<semaphore_mem>>) src(%arg13 : memref<80x128xf32, #tpu.memory_space<vmem>>) dst(%dma_wait3A_235 : memref<10240x128xf32, #tpu.memory_space<vmem_shared>>)
      %dma_wait3A_236 = arith.constant 0 : i32
      %dma_wait3A_237 = tpu.memref_slice %arg4[%dma_wait3A_236] : memref<320000xi32, #tpu.memory_space<hbm>> -> memref<80xi32, #tpu.memory_space<hbm>>
      %dma_wait3A_238 = arith.constant 0 : i32
      %dma_wait3A_239 = tpu.memref_slice %arg4[%dma_wait3A_238] : memref<320000xi32, #tpu.memory_space<hbm>> -> memref<80xi32, #tpu.memory_space<hbm>>
      tpu.wait_dma2 semaphore(%arg20 : memref<!tpu.dma_semaphore, #tpu.memory_space<semaphore_mem>>) src(%dma_wait3A_239 : memref<80xi32, #tpu.memory_space<hbm>>) dst(%arg7 : memref<80xi32, #tpu.memory_space<vmem>>)
      %dma_wait3A_240 = arith.constant 0 : i32
      %dma_wait3A_241 = tpu.memref_slice %arg5[%dma_wait3A_240] : memref<320000xi32, #tpu.memory_space<hbm>> -> memref<80xi32, #tpu.memory_space<hbm>>
      %dma_wait3A_242 = arith.constant 0 : i32
      %dma_wait3A_243 = tpu.memref_slice %arg5[%dma_wait3A_242] : memref<320000xi32, #tpu.memory_space<hbm>> -> memref<80xi32, #tpu.memory_space<hbm>>
      tpu.wait_dma2 semaphore(%arg20 : memref<!tpu.dma_semaphore, #tpu.memory_space<semaphore_mem>>) src(%dma_wait3A_243 : memref<80xi32, #tpu.memory_space<hbm>>) dst(%arg9 : memref<80xi32, #tpu.memory_space<vmem>>)
      %add3A_244 = arith.constant 1 : i32
      %add3A_245 = arith.addi %add3A_223, %add3A_244 : i32
      %min3A_246 = arith.constant 124 : i32
      %min3A_247 = arith.minsi %add3A_245, %min3A_246 : i32
      %mul3A_248 = arith.constant 80 : i32
      %mul3A_249 = arith.muli %min3A_247, %mul3A_248 : i32
      %add3A_250 = arith.addi %mul3A_2, %mul3A_249 : i32
      %dma_start3A_251 = arith.constant 0 : i32
      %dma_start3A_252 = arith.constant 0 : i32
      %dma_start3A_253 = tpu.memref_slice %arg2[%dma_start3A_251, %dma_start3A_252] : memref<10000x128xf32, #tpu.memory_space<hbm>> -> memref<10000x128xf32, #tpu.memory_space<hbm>>
      tpu.enqueue_indirect_dma source(%dma_start3A_253 : memref<10000x128xf32, #tpu.memory_space<hbm>>) target(%arg13 : memref<80x128xf32, #tpu.memory_space<vmem>>) offsets(%arg7 : memref<80xi32, #tpu.memory_space<vmem>>) semaphore(%arg18 : memref<!tpu.dma_semaphore, #tpu.memory_space<semaphore_mem>>)
      %dma_start3A_254 = arith.constant 0 : i32
      %dma_start3A_255 = tpu.memref_slice %arg3[%add3A_250, %dma_start3A_254] : memref<320000x128xf32, #tpu.memory_space<hbm>> -> memref<80x128xf32, #tpu.memory_space<hbm>>
      %dma_start3A_256 = arith.constant 0 : i32
      %dma_start3A_257 = tpu.memref_slice %arg3[%add3A_250, %dma_start3A_256] : memref<320000x128xf32, #tpu.memory_space<hbm>> -> memref<80x128xf32, #tpu.memory_space<hbm>>
      tpu.enqueue_dma source(%dma_start3A_257 : memref<80x128xf32, #tpu.memory_space<hbm>>) target(%arg15 : memref<80x128xf32, #tpu.memory_space<vmem>>) target_semaphore(%arg18 : memref<!tpu.dma_semaphore, #tpu.memory_space<semaphore_mem>>)
      %scan3A_258 = arith.constant 0 : i32
      %scan3A_259 = arith.constant 0 : i32
      %scan3A_260 = arith.constant 80 : i32
      %scan3A_261 = arith.addi %scan3A_259, %scan3A_260 : i32
      %scan3A_262 = arith.constant 1 : i32
      scf.for %scan3A_406 = %scan3A_259 to %scan3A_261 step %scan3A_262  : i32 {
        %get3A_407 = arith.index_cast %scan3A_406 : i32 to index
        %get3A_408 = arith.constant 0 : index
        %get3A_409 = tpu.vector_load %arg14[%get3A_407, %get3A_408] {strides = array<i32>} : memref<80x128xf32, #tpu.memory_space<vmem>>, vector<1x16xf32>,
        %get3A_410 = vector.shape_cast %get3A_409 : vector<1x16xf32> to vector<16xf32>
        %get3A_411 = arith.index_cast %scan3A_406 : i32 to index
        %get3A_412 = arith.constant 0 : index
        %get3A_413 = tpu.vector_load %arg16[%get3A_411, %get3A_412] {strides = array<i32>} : memref<80x128xf32, #tpu.memory_space<vmem>>, vector<1x16xf32>,
        %get3A_414 = vector.shape_cast %get3A_413 : vector<1x16xf32> to vector<16xf32>
        %mul3A_415 = arith.mulf %get3A_410, %get3A_414 : vector<16xf32>
        %swap3A_416 = arith.index_cast %scan3A_406 : i32 to index
        %swap3A_417 = arith.constant 0 : index
        %swap3A_418 = tpu.vector_load %arg14[%swap3A_416, %swap3A_417] {strides = array<i32>} : memref<80x128xf32, #tpu.memory_space<vmem>>, vector<1x16xf32>,
        %swap3A_419 = vector.shape_cast %swap3A_418 : vector<1x16xf32> to vector<16xf32>
        %swap3A_420 = vector.shape_cast %mul3A_415 : vector<16xf32> to vector<1x16xf32>
        tpu.vector_store %arg14[%swap3A_416, %swap3A_417], %swap3A_420 {strides = array<i32>} : memref<80x128xf32, #tpu.memory_space<vmem>>, vector<1x16xf32>,
        %get3A_421 = arith.index_cast %scan3A_406 : i32 to index
        %get3A_422 = arith.constant 16 : index
        %get3A_423 = tpu.vector_load %arg14[%get3A_421, %get3A_422] {strides = array<i32>} : memref<80x128xf32, #tpu.memory_space<vmem>>, vector<1x16xf32>,
        %get3A_424 = vector.shape_cast %get3A_423 : vector<1x16xf32> to vector<16xf32>
        %get3A_425 = arith.index_cast %scan3A_406 : i32 to index
        %get3A_426 = arith.constant 16 : index
        %get3A_427 = tpu.vector_load %arg16[%get3A_425, %get3A_426] {strides = array<i32>} : memref<80x128xf32, #tpu.memory_space<vmem>>, vector<1x16xf32>,
        %get3A_428 = vector.shape_cast %get3A_427 : vector<1x16xf32> to vector<16xf32>
        %mul3A_429 = arith.mulf %get3A_424, %get3A_428 : vector<16xf32>
        %swap3A_430 = arith.index_cast %scan3A_406 : i32 to index
        %swap3A_431 = arith.constant 16 : index
        %swap3A_432 = tpu.vector_load %arg14[%swap3A_430, %swap3A_431] {strides = array<i32>} : memref<80x128xf32, #tpu.memory_space<vmem>>, vector<1x16xf32>,
        %swap3A_433 = vector.shape_cast %swap3A_432 : vector<1x16xf32> to vector<16xf32>
        %swap3A_434 = vector.shape_cast %mul3A_429 : vector<16xf32> to vector<1x16xf32>
        tpu.vector_store %arg14[%swap3A_430, %swap3A_431], %swap3A_434 {strides = array<i32>} : memref<80x128xf32, #tpu.memory_space<vmem>>, vector<1x16xf32>,
        %get3A_435 = arith.index_cast %scan3A_406 : i32 to index
        %get3A_436 = arith.constant 32 : index
        %get3A_437 = tpu.vector_load %arg14[%get3A_435, %get3A_436] {strides = array<i32>} : memref<80x128xf32, #tpu.memory_space<vmem>>, vector<1x16xf32>,
        %get3A_438 = vector.shape_cast %get3A_437 : vector<1x16xf32> to vector<16xf32>
        %get3A_439 = arith.index_cast %scan3A_406 : i32 to index
        %get3A_440 = arith.constant 32 : index
        %get3A_441 = tpu.vector_load %arg16[%get3A_439, %get3A_440] {strides = array<i32>} : memref<80x128xf32, #tpu.memory_space<vmem>>, vector<1x16xf32>,
        %get3A_442 = vector.shape_cast %get3A_441 : vector<1x16xf32> to vector<16xf32>
        %mul3A_443 = arith.mulf %get3A_438, %get3A_442 : vector<16xf32>
        %swap3A_444 = arith.index_cast %scan3A_406 : i32 to index
        %swap3A_445 = arith.constant 32 : index
        %swap3A_446 = tpu.vector_load %arg14[%swap3A_444, %swap3A_445] {strides = array<i32>} : memref<80x128xf32, #tpu.memory_space<vmem>>, vector<1x16xf32>,
        %swap3A_447 = vector.shape_cast %swap3A_446 : vector<1x16xf32> to vector<16xf32>
        %swap3A_448 = vector.shape_cast %mul3A_443 : vector<16xf32> to vector<1x16xf32>
        tpu.vector_store %arg14[%swap3A_444, %swap3A_445], %swap3A_448 {strides = array<i32>} : memref<80x128xf32, #tpu.memory_space<vmem>>, vector<1x16xf32>,
        %get3A_449 = arith.index_cast %scan3A_406 : i32 to index
        %get3A_450 = arith.constant 48 : index
        %get3A_451 = tpu.vector_load %arg14[%get3A_449, %get3A_450] {strides = array<i32>} : memref<80x128xf32, #tpu.memory_space<vmem>>, vector<1x16xf32>,
        %get3A_452 = vector.shape_cast %get3A_451 : vector<1x16xf32> to vector<16xf32>
        %get3A_453 = arith.index_cast %scan3A_406 : i32 to index
        %get3A_454 = arith.constant 48 : index
        %get3A_455 = tpu.vector_load %arg16[%get3A_453, %get3A_454] {strides = array<i32>} : memref<80x128xf32, #tpu.memory_space<vmem>>, vector<1x16xf32>,
        %get3A_456 = vector.shape_cast %get3A_455 : vector<1x16xf32> to vector<16xf32>
        %mul3A_457 = arith.mulf %get3A_452, %get3A_456 : vector<16xf32>
        %swap3A_458 = arith.index_cast %scan3A_406 : i32 to index
        %swap3A_459 = arith.constant 48 : index
        %swap3A_460 = tpu.vector_load %arg14[%swap3A_458, %swap3A_459] {strides = array<i32>} : memref<80x128xf32, #tpu.memory_space<vmem>>, vector<1x16xf32>,
        %swap3A_461 = vector.shape_cast %swap3A_460 : vector<1x16xf32> to vector<16xf32>
        %swap3A_462 = vector.shape_cast %mul3A_457 : vector<16xf32> to vector<1x16xf32>
        tpu.vector_store %arg14[%swap3A_458, %swap3A_459], %swap3A_462 {strides = array<i32>} : memref<80x128xf32, #tpu.memory_space<vmem>>, vector<1x16xf32>,
        %get3A_463 = arith.index_cast %scan3A_406 : i32 to index
        %get3A_464 = arith.constant 64 : index
        %get3A_465 = tpu.vector_load %arg14[%get3A_463, %get3A_464] {strides = array<i32>} : memref<80x128xf32, #tpu.memory_space<vmem>>, vector<1x16xf32>,
        %get3A_466 = vector.shape_cast %get3A_465 : vector<1x16xf32> to vector<16xf32>
        %get3A_467 = arith.index_cast %scan3A_406 : i32 to index
        %get3A_468 = arith.constant 64 : index
        %get3A_469 = tpu.vector_load %arg16[%get3A_467, %get3A_468] {strides = array<i32>} : memref<80x128xf32, #tpu.memory_space<vmem>>, vector<1x16xf32>,
        %get3A_470 = vector.shape_cast %get3A_469 : vector<1x16xf32> to vector<16xf32>
        %mul3A_471 = arith.mulf %get3A_466, %get3A_470 : vector<16xf32>
        %swap3A_472 = arith.index_cast %scan3A_406 : i32 to index
        %swap3A_473 = arith.constant 64 : index
        %swap3A_474 = tpu.vector_load %arg14[%swap3A_472, %swap3A_473] {strides = array<i32>} : memref<80x128xf32, #tpu.memory_space<vmem>>, vector<1x16xf32>,
        %swap3A_475 = vector.shape_cast %swap3A_474 : vector<1x16xf32> to vector<16xf32>
        %swap3A_476 = vector.shape_cast %mul3A_471 : vector<16xf32> to vector<1x16xf32>
        tpu.vector_store %arg14[%swap3A_472, %swap3A_473], %swap3A_476 {strides = array<i32>} : memref<80x128xf32, #tpu.memory_space<vmem>>, vector<1x16xf32>,
        %get3A_477 = arith.index_cast %scan3A_406 : i32 to index
        %get3A_478 = arith.constant 80 : index
        %get3A_479 = tpu.vector_load %arg14[%get3A_477, %get3A_478] {strides = array<i32>} : memref<80x128xf32, #tpu.memory_space<vmem>>, vector<1x16xf32>,
        %get3A_480 = vector.shape_cast %get3A_479 : vector<1x16xf32> to vector<16xf32>
        %get3A_481 = arith.index_cast %scan3A_406 : i32 to index
        %get3A_482 = arith.constant 80 : index
        %get3A_483 = tpu.vector_load %arg16[%get3A_481, %get3A_482] {strides = array<i32>} : memref<80x128xf32, #tpu.memory_space<vmem>>, vector<1x16xf32>,
        %get3A_484 = vector.shape_cast %get3A_483 : vector<1x16xf32> to vector<16xf32>
        %mul3A_485 = arith.mulf %get3A_480, %get3A_484 : vector<16xf32>
        %swap3A_486 = arith.index_cast %scan3A_406 : i32 to index
        %swap3A_487 = arith.constant 80 : index
        %swap3A_488 = tpu.vector_load %arg14[%swap3A_486, %swap3A_487] {strides = array<i32>} : memref<80x128xf32, #tpu.memory_space<vmem>>, vector<1x16xf32>,
        %swap3A_489 = vector.shape_cast %swap3A_488 : vector<1x16xf32> to vector<16xf32>
        %swap3A_490 = vector.shape_cast %mul3A_485 : vector<16xf32> to vector<1x16xf32>
        tpu.vector_store %arg14[%swap3A_486, %swap3A_487], %swap3A_490 {strides = array<i32>} : memref<80x128xf32, #tpu.memory_space<vmem>>, vector<1x16xf32>,
        %get3A_491 = arith.index_cast %scan3A_406 : i32 to index
        %get3A_492 = arith.constant 96 : index
        %get3A_493 = tpu.vector_load %arg14[%get3A_491, %get3A_492] {strides = array<i32>} : memref<80x128xf32, #tpu.memory_space<vmem>>, vector<1x16xf32>,
        %get3A_494 = vector.shape_cast %get3A_493 : vector<1x16xf32> to vector<16xf32>
        %get3A_495 = arith.index_cast %scan3A_406 : i32 to index
        %get3A_496 = arith.constant 96 : index
        %get3A_497 = tpu.vector_load %arg16[%get3A_495, %get3A_496] {strides = array<i32>} : memref<80x128xf32, #tpu.memory_space<vmem>>, vector<1x16xf32>,
        %get3A_498 = vector.shape_cast %get3A_497 : vector<1x16xf32> to vector<16xf32>
        %mul3A_499 = arith.mulf %get3A_494, %get3A_498 : vector<16xf32>
        %swap3A_500 = arith.index_cast %scan3A_406 : i32 to index
        %swap3A_501 = arith.constant 96 : index
        %swap3A_502 = tpu.vector_load %arg14[%swap3A_500, %swap3A_501] {strides = array<i32>} : memref<80x128xf32, #tpu.memory_space<vmem>>, vector<1x16xf32>,
        %swap3A_503 = vector.shape_cast %swap3A_502 : vector<1x16xf32> to vector<16xf32>
        %swap3A_504 = vector.shape_cast %mul3A_499 : vector<16xf32> to vector<1x16xf32>
        tpu.vector_store %arg14[%swap3A_500, %swap3A_501], %swap3A_504 {strides = array<i32>} : memref<80x128xf32, #tpu.memory_space<vmem>>, vector<1x16xf32>,
        %get3A_505 = arith.index_cast %scan3A_406 : i32 to index
        %get3A_506 = arith.constant 112 : index
        %get3A_507 = tpu.vector_load %arg14[%get3A_505, %get3A_506] {strides = array<i32>} : memref<80x128xf32, #tpu.memory_space<vmem>>, vector<1x16xf32>,
        %get3A_508 = vector.shape_cast %get3A_507 : vector<1x16xf32> to vector<16xf32>
        %get3A_509 = arith.index_cast %scan3A_406 : i32 to index
        %get3A_510 = arith.constant 112 : index
        %get3A_511 = tpu.vector_load %arg16[%get3A_509, %get3A_510] {strides = array<i32>} : memref<80x128xf32, #tpu.memory_space<vmem>>, vector<1x16xf32>,
        %get3A_512 = vector.shape_cast %get3A_511 : vector<1x16xf32> to vector<16xf32>
        %mul3A_513 = arith.mulf %get3A_508, %get3A_512 : vector<16xf32>
        %swap3A_514 = arith.index_cast %scan3A_406 : i32 to index
        %swap3A_515 = arith.constant 112 : index
        %swap3A_516 = tpu.vector_load %arg14[%swap3A_514, %swap3A_515] {strides = array<i32>} : memref<80x128xf32, #tpu.memory_space<vmem>>, vector<1x16xf32>,
        %swap3A_517 = vector.shape_cast %swap3A_516 : vector<1x16xf32> to vector<16xf32>
        %swap3A_518 = vector.shape_cast %mul3A_513 : vector<16xf32> to vector<1x16xf32>
        tpu.vector_store %arg14[%swap3A_514, %swap3A_515], %swap3A_518 {strides = array<i32>} : memref<80x128xf32, #tpu.memory_space<vmem>>, vector<1x16xf32>,
      }
      %scan3A_263 = arith.constant 80 : i32
      %get3A_264 = arith.constant 0 : index
      %get3A_265 = tpu.vector_load %arg10[%get3A_264] {strides = array<i32>} : memref<80xi32, #tpu.memory_space<vmem>>, vector<16xi32>,
      %get3A_266 = vector.shape_cast %get3A_265 : vector<16xi32> to vector<16xi32>
      %swap3A_267 = arith.constant 0 : index
      %swap3A_268 = tpu.vector_load %arg12[%swap3A_267] {strides = array<i32>} : memref<80xi32, #tpu.memory_space<vmem>>, vector<16xi32>,
      %swap3A_269 = vector.shape_cast %swap3A_268 : vector<16xi32> to vector<16xi32>
      %swap3A_270 = vector.shape_cast %get3A_266 : vector<16xi32> to vector<16xi32>
      tpu.vector_store %arg12[%swap3A_267], %swap3A_270 {strides = array<i32>} : memref<80xi32, #tpu.memory_space<vmem>>, vector<16xi32>,
      %get3A_271 = arith.constant 16 : index
      %get3A_272 = tpu.vector_load %arg10[%get3A_271] {strides = array<i32>} : memref<80xi32, #tpu.memory_space<vmem>>, vector<16xi32>,
      %get3A_273 = vector.shape_cast %get3A_272 : vector<16xi32> to vector<16xi32>
      %swap3A_274 = arith.constant 16 : index
      %swap3A_275 = tpu.vector_load %arg12[%swap3A_274] {strides = array<i32>} : memref<80xi32, #tpu.memory_space<vmem>>, vector<16xi32>,
      %swap3A_276 = vector.shape_cast %swap3A_275 : vector<16xi32> to vector<16xi32>
      %swap3A_277 = vector.shape_cast %get3A_273 : vector<16xi32> to vector<16xi32>
      tpu.vector_store %arg12[%swap3A_274], %swap3A_277 {strides = array<i32>} : memref<80xi32, #tpu.memory_space<vmem>>, vector<16xi32>,
      %get3A_278 = arith.constant 32 : index
      %get3A_279 = tpu.vector_load %arg10[%get3A_278] {strides = array<i32>} : memref<80xi32, #tpu.memory_space<vmem>>, vector<16xi32>,
      %get3A_280 = vector.shape_cast %get3A_279 : vector<16xi32> to vector<16xi32>
      %swap3A_281 = arith.constant 32 : index
      %swap3A_282 = tpu.vector_load %arg12[%swap3A_281] {strides = array<i32>} : memref<80xi32, #tpu.memory_space<vmem>>, vector<16xi32>,
      %swap3A_283 = vector.shape_cast %swap3A_282 : vector<16xi32> to vector<16xi32>
      %swap3A_284 = vector.shape_cast %get3A_280 : vector<16xi32> to vector<16xi32>
      tpu.vector_store %arg12[%swap3A_281], %swap3A_284 {strides = array<i32>} : memref<80xi32, #tpu.memory_space<vmem>>, vector<16xi32>,
      %get3A_285 = arith.constant 48 : index
      %get3A_286 = tpu.vector_load %arg10[%get3A_285] {strides = array<i32>} : memref<80xi32, #tpu.memory_space<vmem>>, vector<16xi32>,
      %get3A_287 = vector.shape_cast %get3A_286 : vector<16xi32> to vector<16xi32>
      %swap3A_288 = arith.constant 48 : index
      %swap3A_289 = tpu.vector_load %arg12[%swap3A_288] {strides = array<i32>} : memref<80xi32, #tpu.memory_space<vmem>>, vector<16xi32>,
      %swap3A_290 = vector.shape_cast %swap3A_289 : vector<16xi32> to vector<16xi32>
      %swap3A_291 = vector.shape_cast %get3A_287 : vector<16xi32> to vector<16xi32>
      tpu.vector_store %arg12[%swap3A_288], %swap3A_291 {strides = array<i32>} : memref<80xi32, #tpu.memory_space<vmem>>, vector<16xi32>,
      %get3A_292 = arith.constant 64 : index
      %get3A_293 = tpu.vector_load %arg10[%get3A_292] {strides = array<i32>} : memref<80xi32, #tpu.memory_space<vmem>>, vector<16xi32>,
      %get3A_294 = vector.shape_cast %get3A_293 : vector<16xi32> to vector<16xi32>
      %swap3A_295 = arith.constant 64 : index
      %swap3A_296 = tpu.vector_load %arg12[%swap3A_295] {strides = array<i32>} : memref<80xi32, #tpu.memory_space<vmem>>, vector<16xi32>,
      %swap3A_297 = vector.shape_cast %swap3A_296 : vector<16xi32> to vector<16xi32>
      %swap3A_298 = vector.shape_cast %get3A_294 : vector<16xi32> to vector<16xi32>
      tpu.vector_store %arg12[%swap3A_295], %swap3A_298 {strides = array<i32>} : memref<80xi32, #tpu.memory_space<vmem>>, vector<16xi32>,
      %dma_start3A_299 = arith.constant 0 : i32
      %dma_start3A_300 = arith.constant 0 : i32
      %dma_start3A_301 = tpu.memref_slice %arg17[%dma_start3A_299, %dma_start3A_300] : memref<10240x128xf32, #tpu.memory_space<vmem_shared>> -> memref<10240x128xf32, #tpu.memory_space<vmem_shared>>
      tpu.enqueue_indirect_dma source(%arg14 : memref<80x128xf32, #tpu.memory_space<vmem>>) target(%dma_start3A_301 : memref<10240x128xf32, #tpu.memory_space<vmem_shared>>) offsets(%arg12 : memref<80xi32, #tpu.memory_space<vmem>>) semaphore(%arg23 : memref<!tpu.dma_semaphore, #tpu.memory_space<semaphore_mem>>) {add = true}
      %add3A_302 = arith.constant 2 : i32
      %add3A_303 = arith.addi %add3A_223, %add3A_302 : i32
      %min3A_304 = arith.constant 124 : i32
      %min3A_305 = arith.minsi %add3A_303, %min3A_304 : i32
      %mul3A_306 = arith.constant 80 : i32
      %mul3A_307 = arith.muli %min3A_305, %mul3A_306 : i32
      %add3A_308 = arith.addi %mul3A_2, %mul3A_307 : i32
      %dma_start3A_309 = tpu.memref_slice %arg4[%add3A_308] : memref<320000xi32, #tpu.memory_space<hbm>> -> memref<80xi32, #tpu.memory_space<hbm>>
      %dma_start3A_310 = tpu.memref_slice %arg4[%add3A_308] : memref<320000xi32, #tpu.memory_space<hbm>> -> memref<80xi32, #tpu.memory_space<hbm>>
      tpu.enqueue_dma source(%dma_start3A_310 : memref<80xi32, #tpu.memory_space<hbm>>) target(%arg8 : memref<80xi32, #tpu.memory_space<vmem>>) target_semaphore(%arg21 : memref<!tpu.dma_semaphore, #tpu.memory_space<semaphore_mem>>)
      %dma_start3A_311 = tpu.memref_slice %arg5[%add3A_308] : memref<320000xi32, #tpu.memory_space<hbm>> -> memref<80xi32, #tpu.memory_space<hbm>>
      %dma_start3A_312 = tpu.memref_slice %arg5[%add3A_308] : memref<320000xi32, #tpu.memory_space<hbm>> -> memref<80xi32, #tpu.memory_space<hbm>>
      tpu.enqueue_dma source(%dma_start3A_312 : memref<80xi32, #tpu.memory_space<hbm>>) target(%arg10 : memref<80xi32, #tpu.memory_space<vmem>>) target_semaphore(%arg21 : memref<!tpu.dma_semaphore, #tpu.memory_space<semaphore_mem>>)
      %mul3A_313 = arith.constant 2 : i32
      %mul3A_314 = arith.muli %scan3A_219, %mul3A_313 : i32
      %add3A_315 = arith.constant 2 : i32
      %add3A_316 = arith.addi %mul3A_314, %add3A_315 : i32
      %dma_wait3A_317 = arith.constant 0 : i32
      %dma_wait3A_318 = arith.constant 0 : i32
      %dma_wait3A_319 = tpu.memref_slice %arg2[%dma_wait3A_317, %dma_wait3A_318] : memref<10000x128xf32, #tpu.memory_space<hbm>> -> memref<10000x128xf32, #tpu.memory_space<hbm>>
      tpu.wait_indirect_dma semaphore(%arg18 : memref<!tpu.dma_semaphore, #tpu.memory_space<semaphore_mem>>) src(%dma_wait3A_319 : memref<10000x128xf32, #tpu.memory_space<hbm>>) dst(%arg13 : memref<80x128xf32, #tpu.memory_space<vmem>>)
      %dma_wait3A_320 = arith.constant 0 : i32
      %dma_wait3A_321 = arith.constant 0 : i32
      %dma_wait3A_322 = tpu.memref_slice %arg3[%dma_wait3A_320, %dma_wait3A_321] : memref<320000x128xf32, #tpu.memory_space<hbm>> -> memref<80x128xf32, #tpu.memory_space<hbm>>
      %dma_wait3A_323 = arith.constant 0 : i32
      %dma_wait3A_324 = arith.constant 0 : i32
      %dma_wait3A_325 = tpu.memref_slice %arg3[%dma_wait3A_323, %dma_wait3A_324] : memref<320000x128xf32, #tpu.memory_space<hbm>> -> memref<80x128xf32, #tpu.memory_space<hbm>>
      tpu.wait_dma2 semaphore(%arg18 : memref<!tpu.dma_semaphore, #tpu.memory_space<semaphore_mem>>) src(%dma_wait3A_325 : memref<80x128xf32, #tpu.memory_space<hbm>>) dst(%arg15 : memref<80x128xf32, #tpu.memory_space<vmem>>)
      %dma_wait3A_326 = arith.constant 0 : i32
      %dma_wait3A_327 = arith.constant 0 : i32
      %dma_wait3A_328 = tpu.memref_slice %arg17[%dma_wait3A_326, %dma_wait3A_327] : memref<10240x128xf32, #tpu.memory_space<vmem_shared>> -> memref<10240x128xf32, #tpu.memory_space<vmem_shared>>
      tpu.wait_indirect_dma semaphore(%arg23 : memref<!tpu.dma_semaphore, #tpu.memory_space<semaphore_mem>>) src(%arg14 : memref<80x128xf32, #tpu.memory_space<vmem>>) dst(%dma_wait3A_328 : memref<10240x128xf32, #tpu.memory_space<vmem_shared>>)
      %dma_wait3A_329 = arith.constant 0 : i32
      %dma_wait3A_330 = tpu.memref_slice %arg4[%dma_wait3A_329] : memref<320000xi32, #tpu.memory_space<hbm>> -> memref<80xi32, #tpu.memory_space<hbm>>
      %dma_wait3A_331 = arith.constant 0 : i32
      %dma_wait3A_332 = tpu.memref_slice %arg4[%dma_wait3A_331] : memref<320000xi32, #tpu.memory_space<hbm>> -> memref<80xi32, #tpu.memory_space<hbm>>
      tpu.wait_dma2 semaphore(%arg21 : memref<!tpu.dma_semaphore, #tpu.memory_space<semaphore_mem>>) src(%dma_wait3A_332 : memref<80xi32, #tpu.memory_space<hbm>>) dst(%arg8 : memref<80xi32, #tpu.memory_space<vmem>>)
      %dma_wait3A_333 = arith.constant 0 : i32
      %dma_wait3A_334 = tpu.memref_slice %arg5[%dma_wait3A_333] : memref<320000xi32, #tpu.memory_space<hbm>> -> memref<80xi32, #tpu.memory_space<hbm>>
      %dma_wait3A_335 = arith.constant 0 : i32
      %dma_wait3A_336 = tpu.memref_slice %arg5[%dma_wait3A_335] : memref<320000xi32, #tpu.memory_space<hbm>> -> memref<80xi32, #tpu.memory_space<hbm>>
      tpu.wait_dma2 semaphore(%arg21 : memref<!tpu.dma_semaphore, #tpu.memory_space<semaphore_mem>>) src(%dma_wait3A_336 : memref<80xi32, #tpu.memory_space<hbm>>) dst(%arg10 : memref<80xi32, #tpu.memory_space<vmem>>)
      %add3A_337 = arith.constant 1 : i32
      %add3A_338 = arith.addi %add3A_316, %add3A_337 : i32
      %min3A_339 = arith.constant 124 : i32
      %min3A_340 = arith.minsi %add3A_338, %min3A_339 : i32
      %mul3A_341 = arith.constant 80 : i32
      %mul3A_342 = arith.muli %min3A_340, %mul3A_341 : i32
      %add3A_343 = arith.addi %mul3A_2, %mul3A_342 : i32
      %dma_start3A_344 = arith.constant 0 : i32
      %dma_start3A_345 = arith.constant 0 : i32
      %dma_start3A_346 = tpu.memref_slice %arg2[%dma_start3A_344, %dma_start3A_345] : memref<10000x128xf32, #tpu.memory_space<hbm>> -> memref<10000x128xf32, #tpu.memory_space<hbm>>
      tpu.enqueue_indirect_dma source(%dma_start3A_346 : memref<10000x128xf32, #tpu.memory_space<hbm>>) target(%arg14 : memref<80x128xf32, #tpu.memory_space<vmem>>) offsets(%arg8 : memref<80xi32, #tpu.memory_space<vmem>>) semaphore(%arg19 : memref<!tpu.dma_semaphore, #tpu.memory_space<semaphore_mem>>)
      %dma_start3A_347 = arith.constant 0 : i32
      %dma_start3A_348 = tpu.memref_slice %arg3[%add3A_343, %dma_start3A_347] : memref<320000x128xf32, #tpu.memory_space<hbm>> -> memref<80x128xf32, #tpu.memory_space<hbm>>
      %dma_start3A_349 = arith.constant 0 : i32
      %dma_start3A_350 = tpu.memref_slice %arg3[%add3A_343, %dma_start3A_349] : memref<320000x128xf32, #tpu.memory_space<hbm>> -> memref<80x128xf32, #tpu.memory_space<hbm>>
      tpu.enqueue_dma source(%dma_start3A_350 : memref<80x128xf32, #tpu.memory_space<hbm>>) target(%arg16 : memref<80x128xf32, #tpu.memory_space<vmem>>) target_semaphore(%arg19 : memref<!tpu.dma_semaphore, #tpu.memory_space<semaphore_mem>>)
      %scan3A_351 = arith.constant 0 : i32
      %scan3A_352 = arith.constant 0 : i32
      %scan3A_353 = arith.constant 80 : i32
      %scan3A_354 = arith.addi %scan3A_352, %scan3A_353 : i32
      %scan3A_355 = arith.constant 1 : i32
      scf.for %scan3A_406 = %scan3A_352 to %scan3A_354 step %scan3A_355  : i32 {
        %get3A_407 = arith.index_cast %scan3A_406 : i32 to index
        %get3A_408 = arith.constant 0 : index
        %get3A_409 = tpu.vector_load %arg13[%get3A_407, %get3A_408] {strides = array<i32>} : memref<80x128xf32, #tpu.memory_space<vmem>>, vector<1x16xf32>,
        %get3A_410 = vector.shape_cast %get3A_409 : vector<1x16xf32> to vector<16xf32>
        %get3A_411 = arith.index_cast %scan3A_406 : i32 to index
        %get3A_412 = arith.constant 0 : index
        %get3A_413 = tpu.vector_load %arg15[%get3A_411, %get3A_412] {strides = array<i32>} : memref<80x128xf32, #tpu.memory_space<vmem>>, vector<1x16xf32>,
        %get3A_414 = vector.shape_cast %get3A_413 : vector<1x16xf32> to vector<16xf32>
        %mul3A_415 = arith.mulf %get3A_410, %get3A_414 : vector<16xf32>
        %swap3A_416 = arith.index_cast %scan3A_406 : i32 to index
        %swap3A_417 = arith.constant 0 : index
        %swap3A_418 = tpu.vector_load %arg13[%swap3A_416, %swap3A_417] {strides = array<i32>} : memref<80x128xf32, #tpu.memory_space<vmem>>, vector<1x16xf32>,
        %swap3A_419 = vector.shape_cast %swap3A_418 : vector<1x16xf32> to vector<16xf32>
        %swap3A_420 = vector.shape_cast %mul3A_415 : vector<16xf32> to vector<1x16xf32>
        tpu.vector_store %arg13[%swap3A_416, %swap3A_417], %swap3A_420 {strides = array<i32>} : memref<80x128xf32, #tpu.memory_space<vmem>>, vector<1x16xf32>,
        %get3A_421 = arith.index_cast %scan3A_406 : i32 to index
        %get3A_422 = arith.constant 16 : index
        %get3A_423 = tpu.vector_load %arg13[%get3A_421, %get3A_422] {strides = array<i32>} : memref<80x128xf32, #tpu.memory_space<vmem>>, vector<1x16xf32>,
        %get3A_424 = vector.shape_cast %get3A_423 : vector<1x16xf32> to vector<16xf32>
        %get3A_425 = arith.index_cast %scan3A_406 : i32 to index
        %get3A_426 = arith.constant 16 : index
        %get3A_427 = tpu.vector_load %arg15[%get3A_425, %get3A_426] {strides = array<i32>} : memref<80x128xf32, #tpu.memory_space<vmem>>, vector<1x16xf32>,
        %get3A_428 = vector.shape_cast %get3A_427 : vector<1x16xf32> to vector<16xf32>
        %mul3A_429 = arith.mulf %get3A_424, %get3A_428 : vector<16xf32>
        %swap3A_430 = arith.index_cast %scan3A_406 : i32 to index
        %swap3A_431 = arith.constant 16 : index
        %swap3A_432 = tpu.vector_load %arg13[%swap3A_430, %swap3A_431] {strides = array<i32>} : memref<80x128xf32, #tpu.memory_space<vmem>>, vector<1x16xf32>,
        %swap3A_433 = vector.shape_cast %swap3A_432 : vector<1x16xf32> to vector<16xf32>
        %swap3A_434 = vector.shape_cast %mul3A_429 : vector<16xf32> to vector<1x16xf32>
        tpu.vector_store %arg13[%swap3A_430, %swap3A_431], %swap3A_434 {strides = array<i32>} : memref<80x128xf32, #tpu.memory_space<vmem>>, vector<1x16xf32>,
        %get3A_435 = arith.index_cast %scan3A_406 : i32 to index
        %get3A_436 = arith.constant 32 : index
        %get3A_437 = tpu.vector_load %arg13[%get3A_435, %get3A_436] {strides = array<i32>} : memref<80x128xf32, #tpu.memory_space<vmem>>, vector<1x16xf32>,
        %get3A_438 = vector.shape_cast %get3A_437 : vector<1x16xf32> to vector<16xf32>
        %get3A_439 = arith.index_cast %scan3A_406 : i32 to index
        %get3A_440 = arith.constant 32 : index
        %get3A_441 = tpu.vector_load %arg15[%get3A_439, %get3A_440] {strides = array<i32>} : memref<80x128xf32, #tpu.memory_space<vmem>>, vector<1x16xf32>,
        %get3A_442 = vector.shape_cast %get3A_441 : vector<1x16xf32> to vector<16xf32>
        %mul3A_443 = arith.mulf %get3A_438, %get3A_442 : vector<16xf32>
        %swap3A_444 = arith.index_cast %scan3A_406 : i32 to index
        %swap3A_445 = arith.constant 32 : index
        %swap3A_446 = tpu.vector_load %arg13[%swap3A_444, %swap3A_445] {strides = array<i32>} : memref<80x128xf32, #tpu.memory_space<vmem>>, vector<1x16xf32>,
        %swap3A_447 = vector.shape_cast %swap3A_446 : vector<1x16xf32> to vector<16xf32>
        %swap3A_448 = vector.shape_cast %mul3A_443 : vector<16xf32> to vector<1x16xf32>
        tpu.vector_store %arg13[%swap3A_444, %swap3A_445], %swap3A_448 {strides = array<i32>} : memref<80x128xf32, #tpu.memory_space<vmem>>, vector<1x16xf32>,
        %get3A_449 = arith.index_cast %scan3A_406 : i32 to index
        %get3A_450 = arith.constant 48 : index
        %get3A_451 = tpu.vector_load %arg13[%get3A_449, %get3A_450] {strides = array<i32>} : memref<80x128xf32, #tpu.memory_space<vmem>>, vector<1x16xf32>,
        %get3A_452 = vector.shape_cast %get3A_451 : vector<1x16xf32> to vector<16xf32>
        %get3A_453 = arith.index_cast %scan3A_406 : i32 to index
        %get3A_454 = arith.constant 48 : index
        %get3A_455 = tpu.vector_load %arg15[%get3A_453, %get3A_454] {strides = array<i32>} : memref<80x128xf32, #tpu.memory_space<vmem>>, vector<1x16xf32>,
        %get3A_456 = vector.shape_cast %get3A_455 : vector<1x16xf32> to vector<16xf32>
        %mul3A_457 = arith.mulf %get3A_452, %get3A_456 : vector<16xf32>
        %swap3A_458 = arith.index_cast %scan3A_406 : i32 to index
        %swap3A_459 = arith.constant 48 : index
        %swap3A_460 = tpu.vector_load %arg13[%swap3A_458, %swap3A_459] {strides = array<i32>} : memref<80x128xf32, #tpu.memory_space<vmem>>, vector<1x16xf32>,
        %swap3A_461 = vector.shape_cast %swap3A_460 : vector<1x16xf32> to vector<16xf32>
        %swap3A_462 = vector.shape_cast %mul3A_457 : vector<16xf32> to vector<1x16xf32>
        tpu.vector_store %arg13[%swap3A_458, %swap3A_459], %swap3A_462 {strides = array<i32>} : memref<80x128xf32, #tpu.memory_space<vmem>>, vector<1x16xf32>,
        %get3A_463 = arith.index_cast %scan3A_406 : i32 to index
        %get3A_464 = arith.constant 64 : index
        %get3A_465 = tpu.vector_load %arg13[%get3A_463, %get3A_464] {strides = array<i32>} : memref<80x128xf32, #tpu.memory_space<vmem>>, vector<1x16xf32>,
        %get3A_466 = vector.shape_cast %get3A_465 : vector<1x16xf32> to vector<16xf32>
        %get3A_467 = arith.index_cast %scan3A_406 : i32 to index
        %get3A_468 = arith.constant 64 : index
        %get3A_469 = tpu.vector_load %arg15[%get3A_467, %get3A_468] {strides = array<i32>} : memref<80x128xf32, #tpu.memory_space<vmem>>, vector<1x16xf32>,
        %get3A_470 = vector.shape_cast %get3A_469 : vector<1x16xf32> to vector<16xf32>
        %mul3A_471 = arith.mulf %get3A_466, %get3A_470 : vector<16xf32>
        %swap3A_472 = arith.index_cast %scan3A_406 : i32 to index
        %swap3A_473 = arith.constant 64 : index
        %swap3A_474 = tpu.vector_load %arg13[%swap3A_472, %swap3A_473] {strides = array<i32>} : memref<80x128xf32, #tpu.memory_space<vmem>>, vector<1x16xf32>,
        %swap3A_475 = vector.shape_cast %swap3A_474 : vector<1x16xf32> to vector<16xf32>
        %swap3A_476 = vector.shape_cast %mul3A_471 : vector<16xf32> to vector<1x16xf32>
        tpu.vector_store %arg13[%swap3A_472, %swap3A_473], %swap3A_476 {strides = array<i32>} : memref<80x128xf32, #tpu.memory_space<vmem>>, vector<1x16xf32>,
        %get3A_477 = arith.index_cast %scan3A_406 : i32 to index
        %get3A_478 = arith.constant 80 : index
        %get3A_479 = tpu.vector_load %arg13[%get3A_477, %get3A_478] {strides = array<i32>} : memref<80x128xf32, #tpu.memory_space<vmem>>, vector<1x16xf32>,
        %get3A_480 = vector.shape_cast %get3A_479 : vector<1x16xf32> to vector<16xf32>
        %get3A_481 = arith.index_cast %scan3A_406 : i32 to index
        %get3A_482 = arith.constant 80 : index
        %get3A_483 = tpu.vector_load %arg15[%get3A_481, %get3A_482] {strides = array<i32>} : memref<80x128xf32, #tpu.memory_space<vmem>>, vector<1x16xf32>,
        %get3A_484 = vector.shape_cast %get3A_483 : vector<1x16xf32> to vector<16xf32>
        %mul3A_485 = arith.mulf %get3A_480, %get3A_484 : vector<16xf32>
        %swap3A_486 = arith.index_cast %scan3A_406 : i32 to index
        %swap3A_487 = arith.constant 80 : index
        %swap3A_488 = tpu.vector_load %arg13[%swap3A_486, %swap3A_487] {strides = array<i32>} : memref<80x128xf32, #tpu.memory_space<vmem>>, vector<1x16xf32>,
        %swap3A_489 = vector.shape_cast %swap3A_488 : vector<1x16xf32> to vector<16xf32>
        %swap3A_490 = vector.shape_cast %mul3A_485 : vector<16xf32> to vector<1x16xf32>
        tpu.vector_store %arg13[%swap3A_486, %swap3A_487], %swap3A_490 {strides = array<i32>} : memref<80x128xf32, #tpu.memory_space<vmem>>, vector<1x16xf32>,
        %get3A_491 = arith.index_cast %scan3A_406 : i32 to index
        %get3A_492 = arith.constant 96 : index
        %get3A_493 = tpu.vector_load %arg13[%get3A_491, %get3A_492] {strides = array<i32>} : memref<80x128xf32, #tpu.memory_space<vmem>>, vector<1x16xf32>,
        %get3A_494 = vector.shape_cast %get3A_493 : vector<1x16xf32> to vector<16xf32>
        %get3A_495 = arith.index_cast %scan3A_406 : i32 to index
        %get3A_496 = arith.constant 96 : index
        %get3A_497 = tpu.vector_load %arg15[%get3A_495, %get3A_496] {strides = array<i32>} : memref<80x128xf32, #tpu.memory_space<vmem>>, vector<1x16xf32>,
        %get3A_498 = vector.shape_cast %get3A_497 : vector<1x16xf32> to vector<16xf32>
        %mul3A_499 = arith.mulf %get3A_494, %get3A_498 : vector<16xf32>
        %swap3A_500 = arith.index_cast %scan3A_406 : i32 to index
        %swap3A_501 = arith.constant 96 : index
        %swap3A_502 = tpu.vector_load %arg13[%swap3A_500, %swap3A_501] {strides = array<i32>} : memref<80x128xf32, #tpu.memory_space<vmem>>, vector<1x16xf32>,
        %swap3A_503 = vector.shape_cast %swap3A_502 : vector<1x16xf32> to vector<16xf32>
        %swap3A_504 = vector.shape_cast %mul3A_499 : vector<16xf32> to vector<1x16xf32>
        tpu.vector_store %arg13[%swap3A_500, %swap3A_501], %swap3A_504 {strides = array<i32>} : memref<80x128xf32, #tpu.memory_space<vmem>>, vector<1x16xf32>,
        %get3A_505 = arith.index_cast %scan3A_406 : i32 to index
        %get3A_506 = arith.constant 112 : index
        %get3A_507 = tpu.vector_load %arg13[%get3A_505, %get3A_506] {strides = array<i32>} : memref<80x128xf32, #tpu.memory_space<vmem>>, vector<1x16xf32>,
        %get3A_508 = vector.shape_cast %get3A_507 : vector<1x16xf32> to vector<16xf32>
        %get3A_509 = arith.index_cast %scan3A_406 : i32 to index
        %get3A_510 = arith.constant 112 : index
        %get3A_511 = tpu.vector_load %arg15[%get3A_509, %get3A_510] {strides = array<i32>} : memref<80x128xf32, #tpu.memory_space<vmem>>, vector<1x16xf32>,
        %get3A_512 = vector.shape_cast %get3A_511 : vector<1x16xf32> to vector<16xf32>
        %mul3A_513 = arith.mulf %get3A_508, %get3A_512 : vector<16xf32>
        %swap3A_514 = arith.index_cast %scan3A_406 : i32 to index
        %swap3A_515 = arith.constant 112 : index
        %swap3A_516 = tpu.vector_load %arg13[%swap3A_514, %swap3A_515] {strides = array<i32>} : memref<80x128xf32, #tpu.memory_space<vmem>>, vector<1x16xf32>,
        %swap3A_517 = vector.shape_cast %swap3A_516 : vector<1x16xf32> to vector<16xf32>
        %swap3A_518 = vector.shape_cast %mul3A_513 : vector<16xf32> to vector<1x16xf32>
        tpu.vector_store %arg13[%swap3A_514, %swap3A_515], %swap3A_518 {strides = array<i32>} : memref<80x128xf32, #tpu.memory_space<vmem>>, vector<1x16xf32>,
      }
      %scan3A_356 = arith.constant 80 : i32
      %get3A_357 = arith.constant 0 : index
      %get3A_358 = tpu.vector_load %arg9[%get3A_357] {strides = array<i32>} : memref<80xi32, #tpu.memory_space<vmem>>, vector<16xi32>,
      %get3A_359 = vector.shape_cast %get3A_358 : vector<16xi32> to vector<16xi32>
      %swap3A_360 = arith.constant 0 : index
      %swap3A_361 = tpu.vector_load %arg11[%swap3A_360] {strides = array<i32>} : memref<80xi32, #tpu.memory_space<vmem>>, vector<16xi32>,
      %swap3A_362 = vector.shape_cast %swap3A_361 : vector<16xi32> to vector<16xi32>
      %swap3A_363 = vector.shape_cast %get3A_359 : vector<16xi32> to vector<16xi32>
      tpu.vector_store %arg11[%swap3A_360], %swap3A_363 {strides = array<i32>} : memref<80xi32, #tpu.memory_space<vmem>>, vector<16xi32>,
      %get3A_364 = arith.constant 16 : index
      %get3A_365 = tpu.vector_load %arg9[%get3A_364] {strides = array<i32>} : memref<80xi32, #tpu.memory_space<vmem>>, vector<16xi32>,
      %get3A_366 = vector.shape_cast %get3A_365 : vector<16xi32> to vector<16xi32>
      %swap3A_367 = arith.constant 16 : index
      %swap3A_368 = tpu.vector_load %arg11[%swap3A_367] {strides = array<i32>} : memref<80xi32, #tpu.memory_space<vmem>>, vector<16xi32>,
      %swap3A_369 = vector.shape_cast %swap3A_368 : vector<16xi32> to vector<16xi32>
      %swap3A_370 = vector.shape_cast %get3A_366 : vector<16xi32> to vector<16xi32>
      tpu.vector_store %arg11[%swap3A_367], %swap3A_370 {strides = array<i32>} : memref<80xi32, #tpu.memory_space<vmem>>, vector<16xi32>,
      %get3A_371 = arith.constant 32 : index
      %get3A_372 = tpu.vector_load %arg9[%get3A_371] {strides = array<i32>} : memref<80xi32, #tpu.memory_space<vmem>>, vector<16xi32>,
      %get3A_373 = vector.shape_cast %get3A_372 : vector<16xi32> to vector<16xi32>
      %swap3A_374 = arith.constant 32 : index
      %swap3A_375 = tpu.vector_load %arg11[%swap3A_374] {strides = array<i32>} : memref<80xi32, #tpu.memory_space<vmem>>, vector<16xi32>,
      %swap3A_376 = vector.shape_cast %swap3A_375 : vector<16xi32> to vector<16xi32>
      %swap3A_377 = vector.shape_cast %get3A_373 : vector<16xi32> to vector<16xi32>
      tpu.vector_store %arg11[%swap3A_374], %swap3A_377 {strides = array<i32>} : memref<80xi32, #tpu.memory_space<vmem>>, vector<16xi32>,
      %get3A_378 = arith.constant 48 : index
      %get3A_379 = tpu.vector_load %arg9[%get3A_378] {strides = array<i32>} : memref<80xi32, #tpu.memory_space<vmem>>, vector<16xi32>,
      %get3A_380 = vector.shape_cast %get3A_379 : vector<16xi32> to vector<16xi32>
      %swap3A_381 = arith.constant 48 : index
      %swap3A_382 = tpu.vector_load %arg11[%swap3A_381] {strides = array<i32>} : memref<80xi32, #tpu.memory_space<vmem>>, vector<16xi32>,
      %swap3A_383 = vector.shape_cast %swap3A_382 : vector<16xi32> to vector<16xi32>
      %swap3A_384 = vector.shape_cast %get3A_380 : vector<16xi32> to vector<16xi32>
      tpu.vector_store %arg11[%swap3A_381], %swap3A_384 {strides = array<i32>} : memref<80xi32, #tpu.memory_space<vmem>>, vector<16xi32>,
      %get3A_385 = arith.constant 64 : index
      %get3A_386 = tpu.vector_load %arg9[%get3A_385] {strides = array<i32>} : memref<80xi32, #tpu.memory_space<vmem>>, vector<16xi32>,
      %get3A_387 = vector.shape_cast %get3A_386 : vector<16xi32> to vector<16xi32>
      %swap3A_388 = arith.constant 64 : index
      %swap3A_389 = tpu.vector_load %arg11[%swap3A_388] {strides = array<i32>} : memref<80xi32, #tpu.memory_space<vmem>>, vector<16xi32>,
      %swap3A_390 = vector.shape_cast %swap3A_389 : vector<16xi32> to vector<16xi32>
      %swap3A_391 = vector.shape_cast %get3A_387 : vector<16xi32> to vector<16xi32>
      tpu.vector_store %arg11[%swap3A_388], %swap3A_391 {strides = array<i32>} : memref<80xi32, #tpu.memory_space<vmem>>, vector<16xi32>,
      %dma_start3A_392 = arith.constant 0 : i32
      %dma_start3A_393 = arith.constant 0 : i32
      %dma_start3A_394 = tpu.memref_slice %arg17[%dma_start3A_392, %dma_start3A_393] : memref<10240x128xf32, #tpu.memory_space<vmem_shared>> -> memref<10240x128xf32, #tpu.memory_space<vmem_shared>>
      tpu.enqueue_indirect_dma source(%arg13 : memref<80x128xf32, #tpu.memory_space<vmem>>) target(%dma_start3A_394 : memref<10240x128xf32, #tpu.memory_space<vmem_shared>>) offsets(%arg11 : memref<80xi32, #tpu.memory_space<vmem>>) semaphore(%arg22 : memref<!tpu.dma_semaphore, #tpu.memory_space<semaphore_mem>>) {add = true}
      %add3A_395 = arith.constant 2 : i32
      %add3A_396 = arith.addi %add3A_316, %add3A_395 : i32
      %min3A_397 = arith.constant 124 : i32
      %min3A_398 = arith.minsi %add3A_396, %min3A_397 : i32
      %mul3A_399 = arith.constant 80 : i32
      %mul3A_400 = arith.muli %min3A_398, %mul3A_399 : i32
      %add3A_401 = arith.addi %mul3A_2, %mul3A_400 : i32
      %dma_start3A_402 = tpu.memref_slice %arg4[%add3A_401] : memref<320000xi32, #tpu.memory_space<hbm>> -> memref<80xi32, #tpu.memory_space<hbm>>
      %dma_start3A_403 = tpu.memref_slice %arg4[%add3A_401] : memref<320000xi32, #tpu.memory_space<hbm>> -> memref<80xi32, #tpu.memory_space<hbm>>
      tpu.enqueue_dma source(%dma_start3A_403 : memref<80xi32, #tpu.memory_space<hbm>>) target(%arg7 : memref<80xi32, #tpu.memory_space<vmem>>) target_semaphore(%arg20 : memref<!tpu.dma_semaphore, #tpu.memory_space<semaphore_mem>>)
      %dma_start3A_404 = tpu.memref_slice %arg5[%add3A_401] : memref<320000xi32, #tpu.memory_space<hbm>> -> memref<80xi32, #tpu.memory_space<hbm>>
      %dma_start3A_405 = tpu.memref_slice %arg5[%add3A_401] : memref<320000xi32, #tpu.memory_space<hbm>> -> memref<80xi32, #tpu.memory_space<hbm>>
      tpu.enqueue_dma source(%dma_start3A_405 : memref<80xi32, #tpu.memory_space<hbm>>) target(%arg9 : memref<80xi32, #tpu.memory_space<vmem>>) target_semaphore(%arg20 : memref<!tpu.dma_semaphore, #tpu.memory_space<semaphore_mem>>)
    }
    %scan3A_165 = arith.constant 62 : i32
    %dma_wait3A_166 = arith.constant 0 : i32
    %dma_wait3A_167 = arith.constant 0 : i32
    %dma_wait3A_168 = tpu.memref_slice %arg17[%dma_wait3A_166, %dma_wait3A_167] : memref<10240x128xf32, #tpu.memory_space<vmem_shared>> -> memref<10240x128xf32, #tpu.memory_space<vmem_shared>>
    tpu.wait_indirect_dma semaphore(%arg22 : memref<!tpu.dma_semaphore, #tpu.memory_space<semaphore_mem>>) src(%arg13 : memref<80x128xf32, #tpu.memory_space<vmem>>) dst(%dma_wait3A_168 : memref<10240x128xf32, #tpu.memory_space<vmem_shared>>)
    %dma_wait3A_169 = arith.constant 0 : i32
    %dma_wait3A_170 = arith.constant 0 : i32
    %dma_wait3A_171 = tpu.memref_slice %arg2[%dma_wait3A_169, %dma_wait3A_170] : memref<10000x128xf32, #tpu.memory_space<hbm>> -> memref<10000x128xf32, #tpu.memory_space<hbm>>
    tpu.wait_indirect_dma semaphore(%arg19 : memref<!tpu.dma_semaphore, #tpu.memory_space<semaphore_mem>>) src(%dma_wait3A_171 : memref<10000x128xf32, #tpu.memory_space<hbm>>) dst(%arg14 : memref<80x128xf32, #tpu.memory_space<vmem>>)
    %dma_wait3A_172 = arith.constant 0 : i32
    %dma_wait3A_173 = arith.constant 0 : i32
    %dma_wait3A_174 = tpu.memref_slice %arg3[%dma_wait3A_172, %dma_wait3A_173] : memref<320000x128xf32, #tpu.memory_space<hbm>> -> memref<80x128xf32, #tpu.memory_space<hbm>>
    %dma_wait3A_175 = arith.constant 0 : i32
    %dma_wait3A_176 = arith.constant 0 : i32
    %dma_wait3A_177 = tpu.memref_slice %arg3[%dma_wait3A_175, %dma_wait3A_176] : memref<320000x128xf32, #tpu.memory_space<hbm>> -> memref<80x128xf32, #tpu.memory_space<hbm>>
    tpu.wait_dma2 semaphore(%arg19 : memref<!tpu.dma_semaphore, #tpu.memory_space<semaphore_mem>>) src(%dma_wait3A_177 : memref<80x128xf32, #tpu.memory_space<hbm>>) dst(%arg16 : memref<80x128xf32, #tpu.memory_space<vmem>>)
    %dma_wait3A_178 = arith.constant 0 : i32
    %dma_wait3A_179 = tpu.memref_slice %arg4[%dma_wait3A_178] : memref<320000xi32, #tpu.memory_space<hbm>> -> memref<80xi32, #tpu.memory_space<hbm>>
    %dma_wait3A_180 = arith.constant 0 : i32
    %dma_wait3A_181 = tpu.memref_slice %arg4[%dma_wait3A_180] : memref<320000xi32, #tpu.memory_space<hbm>> -> memref<80xi32, #tpu.memory_space<hbm>>
    tpu.wait_dma2 semaphore(%arg20 : memref<!tpu.dma_semaphore, #tpu.memory_space<semaphore_mem>>) src(%dma_wait3A_181 : memref<80xi32, #tpu.memory_space<hbm>>) dst(%arg7 : memref<80xi32, #tpu.memory_space<vmem>>)
    %dma_wait3A_182 = arith.constant 0 : i32
    %dma_wait3A_183 = tpu.memref_slice %arg5[%dma_wait3A_182] : memref<320000xi32, #tpu.memory_space<hbm>> -> memref<80xi32, #tpu.memory_space<hbm>>
    %dma_wait3A_184 = arith.constant 0 : i32
    %dma_wait3A_185 = tpu.memref_slice %arg5[%dma_wait3A_184] : memref<320000xi32, #tpu.memory_space<hbm>> -> memref<80xi32, #tpu.memory_space<hbm>>
    tpu.wait_dma2 semaphore(%arg20 : memref<!tpu.dma_semaphore, #tpu.memory_space<semaphore_mem>>) src(%dma_wait3A_185 : memref<80xi32, #tpu.memory_space<hbm>>) dst(%arg9 : memref<80xi32, #tpu.memory_space<vmem>>)
    %barrier3A_186 = arith.constant 0 : index
    tpu.barrier barrier_id(%barrier3A_186)
    %mul3A_187 = arith.constant 640 : i32
    %mul3A_188 = arith.muli %arg1, %mul3A_187 : i32
    %add3A_189 = arith.constant 0 : i32
    %add3A_190 = arith.addi %mul3A_188, %add3A_189 : i32
    "tpu.region"() ({
      %run_scoped3A = tpu.sem_alloc : memref<!tpu.dma_semaphore, #tpu.memory_space<semaphore_mem>>
      %dma_start3A_219 = arith.constant 0 : i32
      %dma_start3A_220 = tpu.memref_slice %arg17[%add3A_190, %dma_start3A_219] : memref<10240x128xf32, #tpu.memory_space<vmem_shared>> -> memref<80x128xf32, #tpu.memory_space<vmem_shared>>
      %dma_start3A_221 = arith.constant 0 : i32
      %dma_start3A_222 = tpu.memref_slice %arg17[%add3A_190, %dma_start3A_221] : memref<10240x128xf32, #tpu.memory_space<vmem_shared>> -> memref<80x128xf32, #tpu.memory_space<vmem_shared>>
      tpu.enqueue_dma source(%dma_start3A_222 : memref<80x128xf32, #tpu.memory_space<vmem_shared>>) target(%arg13 : memref<80x128xf32, #tpu.memory_space<vmem>>) target_semaphore(%run_scoped3A : memref<!tpu.dma_semaphore, #tpu.memory_space<semaphore_mem>>)
      %dma_wait3A_223 = arith.constant 0 : i32
      %dma_wait3A_224 = tpu.memref_slice %arg17[%add3A_190, %dma_wait3A_223] : memref<10240x128xf32, #tpu.memory_space<vmem_shared>> -> memref<80x128xf32, #tpu.memory_space<vmem_shared>>
      %dma_wait3A_225 = arith.constant 0 : i32
      %dma_wait3A_226 = tpu.memref_slice %arg17[%add3A_190, %dma_wait3A_225] : memref<10240x128xf32, #tpu.memory_space<vmem_shared>> -> memref<80x128xf32, #tpu.memory_space<vmem_shared>>
      tpu.wait_dma2 semaphore(%run_scoped3A : memref<!tpu.dma_semaphore, #tpu.memory_space<semaphore_mem>>) src(%dma_wait3A_226 : memref<80x128xf32, #tpu.memory_space<vmem_shared>>) dst(%arg13 : memref<80x128xf32, #tpu.memory_space<vmem>>)
      tpu.yield
    }) : () -> ()
    "tpu.region"() ({
      %run_scoped3A = tpu.sem_alloc : memref<!tpu.dma_semaphore, #tpu.memory_space<semaphore_mem>>
      %dma_start3A_219 = arith.constant 0 : i32
      %dma_start3A_220 = tpu.memref_slice %arg6[%arg0, %add3A_190, %dma_start3A_219] : memref<2x10240x128xf32, #tpu.memory_space<hbm>> -> memref<1x80x128xf32, #tpu.memory_space<hbm>>
      %dma_start3A_221 = tpu.memref_squeeze %dma_start3A_220 : memref<1x80x128xf32, #tpu.memory_space<hbm>> -> memref<80x128xf32, #tpu.memory_space<hbm>>
      %dma_start3A_222 = arith.constant 0 : i32
      %dma_start3A_223 = tpu.memref_slice %arg6[%arg0, %add3A_190, %dma_start3A_222] : memref<2x10240x128xf32, #tpu.memory_space<hbm>> -> memref<1x80x128xf32, #tpu.memory_space<hbm>>
      %dma_start3A_224 = tpu.memref_squeeze %dma_start3A_223 : memref<1x80x128xf32, #tpu.memory_space<hbm>> -> memref<80x128xf32, #tpu.memory_space<hbm>>
      tpu.enqueue_dma source(%arg13 : memref<80x128xf32, #tpu.memory_space<vmem>>) target(%dma_start3A_224 : memref<80x128xf32, #tpu.memory_space<hbm>>) target_semaphore(%run_scoped3A : memref<!tpu.dma_semaphore, #tpu.memory_space<semaphore_mem>>)
      %dma_wait3A_225 = arith.constant 0 : i32
      %dma_wait3A_226 = tpu.memref_slice %arg6[%arg0, %add3A_190, %dma_wait3A_225] : memref<2x10240x128xf32, #tpu.memory_space<hbm>> -> memref<1x80x128xf32, #tpu.memory_space<hbm>>
      %dma_wait3A_227 = tpu.memref_squeeze %dma_wait3A_226 : memref<1x80x128xf32, #tpu.memory_space<hbm>> -> memref<80x128xf32, #tpu.memory_space<hbm>>
      %dma_wait3A_228 = arith.constant 0 : i32
      %dma_wait3A_229 = tpu.memref_slice %arg6[%arg0, %add3A_190, %dma_wait3A_228] : memref<2x10240x128xf32, #tpu.memory_space<hbm>> -> memref<1x80x128xf32, #tpu.memory_space<hbm>>
      %dma_wait3A_230 = tpu.memref_squeeze %dma_wait3A_229 : memref<1x80x128xf32, #tpu.memory_space<hbm>> -> memref<80x128xf32, #tpu.memory_space<hbm>>
      tpu.wait_dma2 semaphore(%run_scoped3A : memref<!tpu.dma_semaphore, #tpu.memory_space<semaphore_mem>>) src(%arg13 : memref<80x128xf32, #tpu.memory_space<vmem>>) dst(%dma_wait3A_230 : memref<80x128xf32, #tpu.memory_space<hbm>>)
      tpu.yield
    }) : () -> ()
    %mul3A_191 = arith.constant 640 : i32
    %mul3A_192 = arith.muli %arg1, %mul3A_191 : i32
    %add3A_193 = arith.constant 80 : i32
    %add3A_194 = arith.addi %mul3A_192, %add3A_193 : i32
    "tpu.region"() ({
      %run_scoped3A = tpu.sem_alloc : memref<!tpu.dma_semaphore, #tpu.memory_space<semaphore_mem>>
      %dma_start3A_219 = arith.constant 0 : i32
      %dma_start3A_220 = tpu.memref_slice %arg17[%add3A_194, %dma_start3A_219] : memref<10240x128xf32, #tpu.memory_space<vmem_shared>> -> memref<80x128xf32, #tpu.memory_space<vmem_shared>>
      %dma_start3A_221 = arith.constant 0 : i32
      %dma_start3A_222 = tpu.memref_slice %arg17[%add3A_194, %dma_start3A_221] : memref<10240x128xf32, #tpu.memory_space<vmem_shared>> -> memref<80x128xf32, #tpu.memory_space<vmem_shared>>
      tpu.enqueue_dma source(%dma_start3A_222 : memref<80x128xf32, #tpu.memory_space<vmem_shared>>) target(%arg13 : memref<80x128xf32, #tpu.memory_space<vmem>>) target_semaphore(%run_scoped3A : memref<!tpu.dma_semaphore, #tpu.memory_space<semaphore_mem>>)
      %dma_wait3A_223 = arith.constant 0 : i32
      %dma_wait3A_224 = tpu.memref_slice %arg17[%add3A_194, %dma_wait3A_223] : memref<10240x128xf32, #tpu.memory_space<vmem_shared>> -> memref<80x128xf32, #tpu.memory_space<vmem_shared>>
      %dma_wait3A_225 = arith.constant 0 : i32
      %dma_wait3A_226 = tpu.memref_slice %arg17[%add3A_194, %dma_wait3A_225] : memref<10240x128xf32, #tpu.memory_space<vmem_shared>> -> memref<80x128xf32, #tpu.memory_space<vmem_shared>>
      tpu.wait_dma2 semaphore(%run_scoped3A : memref<!tpu.dma_semaphore, #tpu.memory_space<semaphore_mem>>) src(%dma_wait3A_226 : memref<80x128xf32, #tpu.memory_space<vmem_shared>>) dst(%arg13 : memref<80x128xf32, #tpu.memory_space<vmem>>)
      tpu.yield
    }) : () -> ()
    "tpu.region"() ({
      %run_scoped3A = tpu.sem_alloc : memref<!tpu.dma_semaphore, #tpu.memory_space<semaphore_mem>>
      %dma_start3A_219 = arith.constant 0 : i32
      %dma_start3A_220 = tpu.memref_slice %arg6[%arg0, %add3A_194, %dma_start3A_219] : memref<2x10240x128xf32, #tpu.memory_space<hbm>> -> memref<1x80x128xf32, #tpu.memory_space<hbm>>
      %dma_start3A_221 = tpu.memref_squeeze %dma_start3A_220 : memref<1x80x128xf32, #tpu.memory_space<hbm>> -> memref<80x128xf32, #tpu.memory_space<hbm>>
      %dma_start3A_222 = arith.constant 0 : i32
      %dma_start3A_223 = tpu.memref_slice %arg6[%arg0, %add3A_194, %dma_start3A_222] : memref<2x10240x128xf32, #tpu.memory_space<hbm>> -> memref<1x80x128xf32, #tpu.memory_space<hbm>>
      %dma_start3A_224 = tpu.memref_squeeze %dma_start3A_223 : memref<1x80x128xf32, #tpu.memory_space<hbm>> -> memref<80x128xf32, #tpu.memory_space<hbm>>
      tpu.enqueue_dma source(%arg13 : memref<80x128xf32, #tpu.memory_space<vmem>>) target(%dma_start3A_224 : memref<80x128xf32, #tpu.memory_space<hbm>>) target_semaphore(%run_scoped3A : memref<!tpu.dma_semaphore, #tpu.memory_space<semaphore_mem>>)
      %dma_wait3A_225 = arith.constant 0 : i32
      %dma_wait3A_226 = tpu.memref_slice %arg6[%arg0, %add3A_194, %dma_wait3A_225] : memref<2x10240x128xf32, #tpu.memory_space<hbm>> -> memref<1x80x128xf32, #tpu.memory_space<hbm>>
      %dma_wait3A_227 = tpu.memref_squeeze %dma_wait3A_226 : memref<1x80x128xf32, #tpu.memory_space<hbm>> -> memref<80x128xf32, #tpu.memory_space<hbm>>
      %dma_wait3A_228 = arith.constant 0 : i32
      %dma_wait3A_229 = tpu.memref_slice %arg6[%arg0, %add3A_194, %dma_wait3A_228] : memref<2x10240x128xf32, #tpu.memory_space<hbm>> -> memref<1x80x128xf32, #tpu.memory_space<hbm>>
      %dma_wait3A_230 = tpu.memref_squeeze %dma_wait3A_229 : memref<1x80x128xf32, #tpu.memory_space<hbm>> -> memref<80x128xf32, #tpu.memory_space<hbm>>
      tpu.wait_dma2 semaphore(%run_scoped3A : memref<!tpu.dma_semaphore, #tpu.memory_space<semaphore_mem>>) src(%arg13 : memref<80x128xf32, #tpu.memory_space<vmem>>) dst(%dma_wait3A_230 : memref<80x128xf32, #tpu.memory_space<hbm>>)
      tpu.yield
    }) : () -> ()
    %mul3A_195 = arith.constant 640 : i32
    %mul3A_196 = arith.muli %arg1, %mul3A_195 : i32
    %add3A_197 = arith.constant 160 : i32
    %add3A_198 = arith.addi %mul3A_196, %add3A_197 : i32
    "tpu.region"() ({
      %run_scoped3A = tpu.sem_alloc : memref<!tpu.dma_semaphore, #tpu.memory_space<semaphore_mem>>
      %dma_start3A_219 = arith.constant 0 : i32
      %dma_start3A_220 = tpu.memref_slice %arg17[%add3A_198, %dma_start3A_219] : memref<10240x128xf32, #tpu.memory_space<vmem_shared>> -> memref<80x128xf32, #tpu.memory_space<vmem_shared>>
      %dma_start3A_221 = arith.constant 0 : i32
      %dma_start3A_222 = tpu.memref_slice %arg17[%add3A_198, %dma_start3A_221] : memref<10240x128xf32, #tpu.memory_space<vmem_shared>> -> memref<80x128xf32, #tpu.memory_space<vmem_shared>>
      tpu.enqueue_dma source(%dma_start3A_222 : memref<80x128xf32, #tpu.memory_space<vmem_shared>>) target(%arg13 : memref<80x128xf32, #tpu.memory_space<vmem>>) target_semaphore(%run_scoped3A : memref<!tpu.dma_semaphore, #tpu.memory_space<semaphore_mem>>)
      %dma_wait3A_223 = arith.constant 0 : i32
      %dma_wait3A_224 = tpu.memref_slice %arg17[%add3A_198, %dma_wait3A_223] : memref<10240x128xf32, #tpu.memory_space<vmem_shared>> -> memref<80x128xf32, #tpu.memory_space<vmem_shared>>
      %dma_wait3A_225 = arith.constant 0 : i32
      %dma_wait3A_226 = tpu.memref_slice %arg17[%add3A_198, %dma_wait3A_225] : memref<10240x128xf32, #tpu.memory_space<vmem_shared>> -> memref<80x128xf32, #tpu.memory_space<vmem_shared>>
      tpu.wait_dma2 semaphore(%run_scoped3A : memref<!tpu.dma_semaphore, #tpu.memory_space<semaphore_mem>>) src(%dma_wait3A_226 : memref<80x128xf32, #tpu.memory_space<vmem_shared>>) dst(%arg13 : memref<80x128xf32, #tpu.memory_space<vmem>>)
      tpu.yield
    }) : () -> ()
    "tpu.region"() ({
      %run_scoped3A = tpu.sem_alloc : memref<!tpu.dma_semaphore, #tpu.memory_space<semaphore_mem>>
      %dma_start3A_219 = arith.constant 0 : i32
      %dma_start3A_220 = tpu.memref_slice %arg6[%arg0, %add3A_198, %dma_start3A_219] : memref<2x10240x128xf32, #tpu.memory_space<hbm>> -> memref<1x80x128xf32, #tpu.memory_space<hbm>>
      %dma_start3A_221 = tpu.memref_squeeze %dma_start3A_220 : memref<1x80x128xf32, #tpu.memory_space<hbm>> -> memref<80x128xf32, #tpu.memory_space<hbm>>
      %dma_start3A_222 = arith.constant 0 : i32
      %dma_start3A_223 = tpu.memref_slice %arg6[%arg0, %add3A_198, %dma_start3A_222] : memref<2x10240x128xf32, #tpu.memory_space<hbm>> -> memref<1x80x128xf32, #tpu.memory_space<hbm>>
      %dma_start3A_224 = tpu.memref_squeeze %dma_start3A_223 : memref<1x80x128xf32, #tpu.memory_space<hbm>> -> memref<80x128xf32, #tpu.memory_space<hbm>>
      tpu.enqueue_dma source(%arg13 : memref<80x128xf32, #tpu.memory_space<vmem>>) target(%dma_start3A_224 : memref<80x128xf32, #tpu.memory_space<hbm>>) target_semaphore(%run_scoped3A : memref<!tpu.dma_semaphore, #tpu.memory_space<semaphore_mem>>)
      %dma_wait3A_225 = arith.constant 0 : i32
      %dma_wait3A_226 = tpu.memref_slice %arg6[%arg0, %add3A_198, %dma_wait3A_225] : memref<2x10240x128xf32, #tpu.memory_space<hbm>> -> memref<1x80x128xf32, #tpu.memory_space<hbm>>
      %dma_wait3A_227 = tpu.memref_squeeze %dma_wait3A_226 : memref<1x80x128xf32, #tpu.memory_space<hbm>> -> memref<80x128xf32, #tpu.memory_space<hbm>>
      %dma_wait3A_228 = arith.constant 0 : i32
      %dma_wait3A_229 = tpu.memref_slice %arg6[%arg0, %add3A_198, %dma_wait3A_228] : memref<2x10240x128xf32, #tpu.memory_space<hbm>> -> memref<1x80x128xf32, #tpu.memory_space<hbm>>
      %dma_wait3A_230 = tpu.memref_squeeze %dma_wait3A_229 : memref<1x80x128xf32, #tpu.memory_space<hbm>> -> memref<80x128xf32, #tpu.memory_space<hbm>>
      tpu.wait_dma2 semaphore(%run_scoped3A : memref<!tpu.dma_semaphore, #tpu.memory_space<semaphore_mem>>) src(%arg13 : memref<80x128xf32, #tpu.memory_space<vmem>>) dst(%dma_wait3A_230 : memref<80x128xf32, #tpu.memory_space<hbm>>)
      tpu.yield
    }) : () -> ()
    %mul3A_199 = arith.constant 640 : i32
    %mul3A_200 = arith.muli %arg1, %mul3A_199 : i32
    %add3A_201 = arith.constant 240 : i32
    %add3A_202 = arith.addi %mul3A_200, %add3A_201 : i32
    "tpu.region"() ({
      %run_scoped3A = tpu.sem_alloc : memref<!tpu.dma_semaphore, #tpu.memory_space<semaphore_mem>>
      %dma_start3A_219 = arith.constant 0 : i32
      %dma_start3A_220 = tpu.memref_slice %arg17[%add3A_202, %dma_start3A_219] : memref<10240x128xf32, #tpu.memory_space<vmem_shared>> -> memref<80x128xf32, #tpu.memory_space<vmem_shared>>
      %dma_start3A_221 = arith.constant 0 : i32
      %dma_start3A_222 = tpu.memref_slice %arg17[%add3A_202, %dma_start3A_221] : memref<10240x128xf32, #tpu.memory_space<vmem_shared>> -> memref<80x128xf32, #tpu.memory_space<vmem_shared>>
      tpu.enqueue_dma source(%dma_start3A_222 : memref<80x128xf32, #tpu.memory_space<vmem_shared>>) target(%arg13 : memref<80x128xf32, #tpu.memory_space<vmem>>) target_semaphore(%run_scoped3A : memref<!tpu.dma_semaphore, #tpu.memory_space<semaphore_mem>>)
      %dma_wait3A_223 = arith.constant 0 : i32
      %dma_wait3A_224 = tpu.memref_slice %arg17[%add3A_202, %dma_wait3A_223] : memref<10240x128xf32, #tpu.memory_space<vmem_shared>> -> memref<80x128xf32, #tpu.memory_space<vmem_shared>>
      %dma_wait3A_225 = arith.constant 0 : i32
      %dma_wait3A_226 = tpu.memref_slice %arg17[%add3A_202, %dma_wait3A_225] : memref<10240x128xf32, #tpu.memory_space<vmem_shared>> -> memref<80x128xf32, #tpu.memory_space<vmem_shared>>
      tpu.wait_dma2 semaphore(%run_scoped3A : memref<!tpu.dma_semaphore, #tpu.memory_space<semaphore_mem>>) src(%dma_wait3A_226 : memref<80x128xf32, #tpu.memory_space<vmem_shared>>) dst(%arg13 : memref<80x128xf32, #tpu.memory_space<vmem>>)
      tpu.yield
    }) : () -> ()
    "tpu.region"() ({
      %run_scoped3A = tpu.sem_alloc : memref<!tpu.dma_semaphore, #tpu.memory_space<semaphore_mem>>
      %dma_start3A_219 = arith.constant 0 : i32
      %dma_start3A_220 = tpu.memref_slice %arg6[%arg0, %add3A_202, %dma_start3A_219] : memref<2x10240x128xf32, #tpu.memory_space<hbm>> -> memref<1x80x128xf32, #tpu.memory_space<hbm>>
      %dma_start3A_221 = tpu.memref_squeeze %dma_start3A_220 : memref<1x80x128xf32, #tpu.memory_space<hbm>> -> memref<80x128xf32, #tpu.memory_space<hbm>>
      %dma_start3A_222 = arith.constant 0 : i32
      %dma_start3A_223 = tpu.memref_slice %arg6[%arg0, %add3A_202, %dma_start3A_222] : memref<2x10240x128xf32, #tpu.memory_space<hbm>> -> memref<1x80x128xf32, #tpu.memory_space<hbm>>
      %dma_start3A_224 = tpu.memref_squeeze %dma_start3A_223 : memref<1x80x128xf32, #tpu.memory_space<hbm>> -> memref<80x128xf32, #tpu.memory_space<hbm>>
      tpu.enqueue_dma source(%arg13 : memref<80x128xf32, #tpu.memory_space<vmem>>) target(%dma_start3A_224 : memref<80x128xf32, #tpu.memory_space<hbm>>) target_semaphore(%run_scoped3A : memref<!tpu.dma_semaphore, #tpu.memory_space<semaphore_mem>>)
      %dma_wait3A_225 = arith.constant 0 : i32
      %dma_wait3A_226 = tpu.memref_slice %arg6[%arg0, %add3A_202, %dma_wait3A_225] : memref<2x10240x128xf32, #tpu.memory_space<hbm>> -> memref<1x80x128xf32, #tpu.memory_space<hbm>>
      %dma_wait3A_227 = tpu.memref_squeeze %dma_wait3A_226 : memref<1x80x128xf32, #tpu.memory_space<hbm>> -> memref<80x128xf32, #tpu.memory_space<hbm>>
      %dma_wait3A_228 = arith.constant 0 : i32
      %dma_wait3A_229 = tpu.memref_slice %arg6[%arg0, %add3A_202, %dma_wait3A_228] : memref<2x10240x128xf32, #tpu.memory_space<hbm>> -> memref<1x80x128xf32, #tpu.memory_space<hbm>>
      %dma_wait3A_230 = tpu.memref_squeeze %dma_wait3A_229 : memref<1x80x128xf32, #tpu.memory_space<hbm>> -> memref<80x128xf32, #tpu.memory_space<hbm>>
      tpu.wait_dma2 semaphore(%run_scoped3A : memref<!tpu.dma_semaphore, #tpu.memory_space<semaphore_mem>>) src(%arg13 : memref<80x128xf32, #tpu.memory_space<vmem>>) dst(%dma_wait3A_230 : memref<80x128xf32, #tpu.memory_space<hbm>>)
      tpu.yield
    }) : () -> ()
    %mul3A_203 = arith.constant 640 : i32
    %mul3A_204 = arith.muli %arg1, %mul3A_203 : i32
    %add3A_205 = arith.constant 320 : i32
    %add3A_206 = arith.addi %mul3A_204, %add3A_205 : i32
    "tpu.region"() ({
      %run_scoped3A = tpu.sem_alloc : memref<!tpu.dma_semaphore, #tpu.memory_space<semaphore_mem>>
      %dma_start3A_219 = arith.constant 0 : i32
      %dma_start3A_220 = tpu.memref_slice %arg17[%add3A_206, %dma_start3A_219] : memref<10240x128xf32, #tpu.memory_space<vmem_shared>> -> memref<80x128xf32, #tpu.memory_space<vmem_shared>>
      %dma_start3A_221 = arith.constant 0 : i32
      %dma_start3A_222 = tpu.memref_slice %arg17[%add3A_206, %dma_start3A_221] : memref<10240x128xf32, #tpu.memory_space<vmem_shared>> -> memref<80x128xf32, #tpu.memory_space<vmem_shared>>
      tpu.enqueue_dma source(%dma_start3A_222 : memref<80x128xf32, #tpu.memory_space<vmem_shared>>) target(%arg13 : memref<80x128xf32, #tpu.memory_space<vmem>>) target_semaphore(%run_scoped3A : memref<!tpu.dma_semaphore, #tpu.memory_space<semaphore_mem>>)
      %dma_wait3A_223 = arith.constant 0 : i32
      %dma_wait3A_224 = tpu.memref_slice %arg17[%add3A_206, %dma_wait3A_223] : memref<10240x128xf32, #tpu.memory_space<vmem_shared>> -> memref<80x128xf32, #tpu.memory_space<vmem_shared>>
      %dma_wait3A_225 = arith.constant 0 : i32
      %dma_wait3A_226 = tpu.memref_slice %arg17[%add3A_206, %dma_wait3A_225] : memref<10240x128xf32, #tpu.memory_space<vmem_shared>> -> memref<80x128xf32, #tpu.memory_space<vmem_shared>>
      tpu.wait_dma2 semaphore(%run_scoped3A : memref<!tpu.dma_semaphore, #tpu.memory_space<semaphore_mem>>) src(%dma_wait3A_226 : memref<80x128xf32, #tpu.memory_space<vmem_shared>>) dst(%arg13 : memref<80x128xf32, #tpu.memory_space<vmem>>)
      tpu.yield
    }) : () -> ()
    "tpu.region"() ({
      %run_scoped3A = tpu.sem_alloc : memref<!tpu.dma_semaphore, #tpu.memory_space<semaphore_mem>>
      %dma_start3A_219 = arith.constant 0 : i32
      %dma_start3A_220 = tpu.memref_slice %arg6[%arg0, %add3A_206, %dma_start3A_219] : memref<2x10240x128xf32, #tpu.memory_space<hbm>> -> memref<1x80x128xf32, #tpu.memory_space<hbm>>
      %dma_start3A_221 = tpu.memref_squeeze %dma_start3A_220 : memref<1x80x128xf32, #tpu.memory_space<hbm>> -> memref<80x128xf32, #tpu.memory_space<hbm>>
      %dma_start3A_222 = arith.constant 0 : i32
      %dma_start3A_223 = tpu.memref_slice %arg6[%arg0, %add3A_206, %dma_start3A_222] : memref<2x10240x128xf32, #tpu.memory_space<hbm>> -> memref<1x80x128xf32, #tpu.memory_space<hbm>>
      %dma_start3A_224 = tpu.memref_squeeze %dma_start3A_223 : memref<1x80x128xf32, #tpu.memory_space<hbm>> -> memref<80x128xf32, #tpu.memory_space<hbm>>
      tpu.enqueue_dma source(%arg13 : memref<80x128xf32, #tpu.memory_space<vmem>>) target(%dma_start3A_224 : memref<80x128xf32, #tpu.memory_space<hbm>>) target_semaphore(%run_scoped3A : memref<!tpu.dma_semaphore, #tpu.memory_space<semaphore_mem>>)
      %dma_wait3A_225 = arith.constant 0 : i32
      %dma_wait3A_226 = tpu.memref_slice %arg6[%arg0, %add3A_206, %dma_wait3A_225] : memref<2x10240x128xf32, #tpu.memory_space<hbm>> -> memref<1x80x128xf32, #tpu.memory_space<hbm>>
      %dma_wait3A_227 = tpu.memref_squeeze %dma_wait3A_226 : memref<1x80x128xf32, #tpu.memory_space<hbm>> -> memref<80x128xf32, #tpu.memory_space<hbm>>
      %dma_wait3A_228 = arith.constant 0 : i32
      %dma_wait3A_229 = tpu.memref_slice %arg6[%arg0, %add3A_206, %dma_wait3A_228] : memref<2x10240x128xf32, #tpu.memory_space<hbm>> -> memref<1x80x128xf32, #tpu.memory_space<hbm>>
      %dma_wait3A_230 = tpu.memref_squeeze %dma_wait3A_229 : memref<1x80x128xf32, #tpu.memory_space<hbm>> -> memref<80x128xf32, #tpu.memory_space<hbm>>
      tpu.wait_dma2 semaphore(%run_scoped3A : memref<!tpu.dma_semaphore, #tpu.memory_space<semaphore_mem>>) src(%arg13 : memref<80x128xf32, #tpu.memory_space<vmem>>) dst(%dma_wait3A_230 : memref<80x128xf32, #tpu.memory_space<hbm>>)
      tpu.yield
    }) : () -> ()
    %mul3A_207 = arith.constant 640 : i32
    %mul3A_208 = arith.muli %arg1, %mul3A_207 : i32
    %add3A_209 = arith.constant 400 : i32
    %add3A_210 = arith.addi %mul3A_208, %add3A_209 : i32
    "tpu.region"() ({
      %run_scoped3A = tpu.sem_alloc : memref<!tpu.dma_semaphore, #tpu.memory_space<semaphore_mem>>
      %dma_start3A_219 = arith.constant 0 : i32
      %dma_start3A_220 = tpu.memref_slice %arg17[%add3A_210, %dma_start3A_219] : memref<10240x128xf32, #tpu.memory_space<vmem_shared>> -> memref<80x128xf32, #tpu.memory_space<vmem_shared>>
      %dma_start3A_221 = arith.constant 0 : i32
      %dma_start3A_222 = tpu.memref_slice %arg17[%add3A_210, %dma_start3A_221] : memref<10240x128xf32, #tpu.memory_space<vmem_shared>> -> memref<80x128xf32, #tpu.memory_space<vmem_shared>>
      tpu.enqueue_dma source(%dma_start3A_222 : memref<80x128xf32, #tpu.memory_space<vmem_shared>>) target(%arg13 : memref<80x128xf32, #tpu.memory_space<vmem>>) target_semaphore(%run_scoped3A : memref<!tpu.dma_semaphore, #tpu.memory_space<semaphore_mem>>)
      %dma_wait3A_223 = arith.constant 0 : i32
      %dma_wait3A_224 = tpu.memref_slice %arg17[%add3A_210, %dma_wait3A_223] : memref<10240x128xf32, #tpu.memory_space<vmem_shared>> -> memref<80x128xf32, #tpu.memory_space<vmem_shared>>
      %dma_wait3A_225 = arith.constant 0 : i32
      %dma_wait3A_226 = tpu.memref_slice %arg17[%add3A_210, %dma_wait3A_225] : memref<10240x128xf32, #tpu.memory_space<vmem_shared>> -> memref<80x128xf32, #tpu.memory_space<vmem_shared>>
      tpu.wait_dma2 semaphore(%run_scoped3A : memref<!tpu.dma_semaphore, #tpu.memory_space<semaphore_mem>>) src(%dma_wait3A_226 : memref<80x128xf32, #tpu.memory_space<vmem_shared>>) dst(%arg13 : memref<80x128xf32, #tpu.memory_space<vmem>>)
      tpu.yield
    }) : () -> ()
    "tpu.region"() ({
      %run_scoped3A = tpu.sem_alloc : memref<!tpu.dma_semaphore, #tpu.memory_space<semaphore_mem>>
      %dma_start3A_219 = arith.constant 0 : i32
      %dma_start3A_220 = tpu.memref_slice %arg6[%arg0, %add3A_210, %dma_start3A_219] : memref<2x10240x128xf32, #tpu.memory_space<hbm>> -> memref<1x80x128xf32, #tpu.memory_space<hbm>>
      %dma_start3A_221 = tpu.memref_squeeze %dma_start3A_220 : memref<1x80x128xf32, #tpu.memory_space<hbm>> -> memref<80x128xf32, #tpu.memory_space<hbm>>
      %dma_start3A_222 = arith.constant 0 : i32
      %dma_start3A_223 = tpu.memref_slice %arg6[%arg0, %add3A_210, %dma_start3A_222] : memref<2x10240x128xf32, #tpu.memory_space<hbm>> -> memref<1x80x128xf32, #tpu.memory_space<hbm>>
      %dma_start3A_224 = tpu.memref_squeeze %dma_start3A_223 : memref<1x80x128xf32, #tpu.memory_space<hbm>> -> memref<80x128xf32, #tpu.memory_space<hbm>>
      tpu.enqueue_dma source(%arg13 : memref<80x128xf32, #tpu.memory_space<vmem>>) target(%dma_start3A_224 : memref<80x128xf32, #tpu.memory_space<hbm>>) target_semaphore(%run_scoped3A : memref<!tpu.dma_semaphore, #tpu.memory_space<semaphore_mem>>)
      %dma_wait3A_225 = arith.constant 0 : i32
      %dma_wait3A_226 = tpu.memref_slice %arg6[%arg0, %add3A_210, %dma_wait3A_225] : memref<2x10240x128xf32, #tpu.memory_space<hbm>> -> memref<1x80x128xf32, #tpu.memory_space<hbm>>
      %dma_wait3A_227 = tpu.memref_squeeze %dma_wait3A_226 : memref<1x80x128xf32, #tpu.memory_space<hbm>> -> memref<80x128xf32, #tpu.memory_space<hbm>>
      %dma_wait3A_228 = arith.constant 0 : i32
      %dma_wait3A_229 = tpu.memref_slice %arg6[%arg0, %add3A_210, %dma_wait3A_228] : memref<2x10240x128xf32, #tpu.memory_space<hbm>> -> memref<1x80x128xf32, #tpu.memory_space<hbm>>
      %dma_wait3A_230 = tpu.memref_squeeze %dma_wait3A_229 : memref<1x80x128xf32, #tpu.memory_space<hbm>> -> memref<80x128xf32, #tpu.memory_space<hbm>>
      tpu.wait_dma2 semaphore(%run_scoped3A : memref<!tpu.dma_semaphore, #tpu.memory_space<semaphore_mem>>) src(%arg13 : memref<80x128xf32, #tpu.memory_space<vmem>>) dst(%dma_wait3A_230 : memref<80x128xf32, #tpu.memory_space<hbm>>)
      tpu.yield
    }) : () -> ()
    %mul3A_211 = arith.constant 640 : i32
    %mul3A_212 = arith.muli %arg1, %mul3A_211 : i32
    %add3A_213 = arith.constant 480 : i32
    %add3A_214 = arith.addi %mul3A_212, %add3A_213 : i32
    "tpu.region"() ({
      %run_scoped3A = tpu.sem_alloc : memref<!tpu.dma_semaphore, #tpu.memory_space<semaphore_mem>>
      %dma_start3A_219 = arith.constant 0 : i32
      %dma_start3A_220 = tpu.memref_slice %arg17[%add3A_214, %dma_start3A_219] : memref<10240x128xf32, #tpu.memory_space<vmem_shared>> -> memref<80x128xf32, #tpu.memory_space<vmem_shared>>
      %dma_start3A_221 = arith.constant 0 : i32
      %dma_start3A_222 = tpu.memref_slice %arg17[%add3A_214, %dma_start3A_221] : memref<10240x128xf32, #tpu.memory_space<vmem_shared>> -> memref<80x128xf32, #tpu.memory_space<vmem_shared>>
      tpu.enqueue_dma source(%dma_start3A_222 : memref<80x128xf32, #tpu.memory_space<vmem_shared>>) target(%arg13 : memref<80x128xf32, #tpu.memory_space<vmem>>) target_semaphore(%run_scoped3A : memref<!tpu.dma_semaphore, #tpu.memory_space<semaphore_mem>>)
      %dma_wait3A_223 = arith.constant 0 : i32
      %dma_wait3A_224 = tpu.memref_slice %arg17[%add3A_214, %dma_wait3A_223] : memref<10240x128xf32, #tpu.memory_space<vmem_shared>> -> memref<80x128xf32, #tpu.memory_space<vmem_shared>>
      %dma_wait3A_225 = arith.constant 0 : i32
      %dma_wait3A_226 = tpu.memref_slice %arg17[%add3A_214, %dma_wait3A_225] : memref<10240x128xf32, #tpu.memory_space<vmem_shared>> -> memref<80x128xf32, #tpu.memory_space<vmem_shared>>
      tpu.wait_dma2 semaphore(%run_scoped3A : memref<!tpu.dma_semaphore, #tpu.memory_space<semaphore_mem>>) src(%dma_wait3A_226 : memref<80x128xf32, #tpu.memory_space<vmem_shared>>) dst(%arg13 : memref<80x128xf32, #tpu.memory_space<vmem>>)
      tpu.yield
    }) : () -> ()
    "tpu.region"() ({
      %run_scoped3A = tpu.sem_alloc : memref<!tpu.dma_semaphore, #tpu.memory_space<semaphore_mem>>
      %dma_start3A_219 = arith.constant 0 : i32
      %dma_start3A_220 = tpu.memref_slice %arg6[%arg0, %add3A_214, %dma_start3A_219] : memref<2x10240x128xf32, #tpu.memory_space<hbm>> -> memref<1x80x128xf32, #tpu.memory_space<hbm>>
      %dma_start3A_221 = tpu.memref_squeeze %dma_start3A_220 : memref<1x80x128xf32, #tpu.memory_space<hbm>> -> memref<80x128xf32, #tpu.memory_space<hbm>>
      %dma_start3A_222 = arith.constant 0 : i32
      %dma_start3A_223 = tpu.memref_slice %arg6[%arg0, %add3A_214, %dma_start3A_222] : memref<2x10240x128xf32, #tpu.memory_space<hbm>> -> memref<1x80x128xf32, #tpu.memory_space<hbm>>
      %dma_start3A_224 = tpu.memref_squeeze %dma_start3A_223 : memref<1x80x128xf32, #tpu.memory_space<hbm>> -> memref<80x128xf32, #tpu.memory_space<hbm>>
      tpu.enqueue_dma source(%arg13 : memref<80x128xf32, #tpu.memory_space<vmem>>) target(%dma_start3A_224 : memref<80x128xf32, #tpu.memory_space<hbm>>) target_semaphore(%run_scoped3A : memref<!tpu.dma_semaphore, #tpu.memory_space<semaphore_mem>>)
      %dma_wait3A_225 = arith.constant 0 : i32
      %dma_wait3A_226 = tpu.memref_slice %arg6[%arg0, %add3A_214, %dma_wait3A_225] : memref<2x10240x128xf32, #tpu.memory_space<hbm>> -> memref<1x80x128xf32, #tpu.memory_space<hbm>>
      %dma_wait3A_227 = tpu.memref_squeeze %dma_wait3A_226 : memref<1x80x128xf32, #tpu.memory_space<hbm>> -> memref<80x128xf32, #tpu.memory_space<hbm>>
      %dma_wait3A_228 = arith.constant 0 : i32
      %dma_wait3A_229 = tpu.memref_slice %arg6[%arg0, %add3A_214, %dma_wait3A_228] : memref<2x10240x128xf32, #tpu.memory_space<hbm>> -> memref<1x80x128xf32, #tpu.memory_space<hbm>>
      %dma_wait3A_230 = tpu.memref_squeeze %dma_wait3A_229 : memref<1x80x128xf32, #tpu.memory_space<hbm>> -> memref<80x128xf32, #tpu.memory_space<hbm>>
      tpu.wait_dma2 semaphore(%run_scoped3A : memref<!tpu.dma_semaphore, #tpu.memory_space<semaphore_mem>>) src(%arg13 : memref<80x128xf32, #tpu.memory_space<vmem>>) dst(%dma_wait3A_230 : memref<80x128xf32, #tpu.memory_space<hbm>>)
      tpu.yield
    }) : () -> ()
    %mul3A_215 = arith.constant 640 : i32
    %mul3A_216 = arith.muli %arg1, %mul3A_215 : i32
    %add3A_217 = arith.constant 560 : i32
    %add3A_218 = arith.addi %mul3A_216, %add3A_217 : i32
    "tpu.region"() ({
      %run_scoped3A = tpu.sem_alloc : memref<!tpu.dma_semaphore, #tpu.memory_space<semaphore_mem>>
      %dma_start3A_219 = arith.constant 0 : i32
      %dma_start3A_220 = tpu.memref_slice %arg17[%add3A_218, %dma_start3A_219] : memref<10240x128xf32, #tpu.memory_space<vmem_shared>> -> memref<80x128xf32, #tpu.memory_space<vmem_shared>>
      %dma_start3A_221 = arith.constant 0 : i32
      %dma_start3A_222 = tpu.memref_slice %arg17[%add3A_218, %dma_start3A_221] : memref<10240x128xf32, #tpu.memory_space<vmem_shared>> -> memref<80x128xf32, #tpu.memory_space<vmem_shared>>
      tpu.enqueue_dma source(%dma_start3A_222 : memref<80x128xf32, #tpu.memory_space<vmem_shared>>) target(%arg13 : memref<80x128xf32, #tpu.memory_space<vmem>>) target_semaphore(%run_scoped3A : memref<!tpu.dma_semaphore, #tpu.memory_space<semaphore_mem>>)
      %dma_wait3A_223 = arith.constant 0 : i32
      %dma_wait3A_224 = tpu.memref_slice %arg17[%add3A_218, %dma_wait3A_223] : memref<10240x128xf32, #tpu.memory_space<vmem_shared>> -> memref<80x128xf32, #tpu.memory_space<vmem_shared>>
      %dma_wait3A_225 = arith.constant 0 : i32
      %dma_wait3A_226 = tpu.memref_slice %arg17[%add3A_218, %dma_wait3A_225] : memref<10240x128xf32, #tpu.memory_space<vmem_shared>> -> memref<80x128xf32, #tpu.memory_space<vmem_shared>>
      tpu.wait_dma2 semaphore(%run_scoped3A : memref<!tpu.dma_semaphore, #tpu.memory_space<semaphore_mem>>) src(%dma_wait3A_226 : memref<80x128xf32, #tpu.memory_space<vmem_shared>>) dst(%arg13 : memref<80x128xf32, #tpu.memory_space<vmem>>)
      tpu.yield
    }) : () -> ()
    "tpu.region"() ({
      %run_scoped3A = tpu.sem_alloc : memref<!tpu.dma_semaphore, #tpu.memory_space<semaphore_mem>>
      %dma_start3A_219 = arith.constant 0 : i32
      %dma_start3A_220 = tpu.memref_slice %arg6[%arg0, %add3A_218, %dma_start3A_219] : memref<2x10240x128xf32, #tpu.memory_space<hbm>> -> memref<1x80x128xf32, #tpu.memory_space<hbm>>
      %dma_start3A_221 = tpu.memref_squeeze %dma_start3A_220 : memref<1x80x128xf32, #tpu.memory_space<hbm>> -> memref<80x128xf32, #tpu.memory_space<hbm>>
      %dma_start3A_222 = arith.constant 0 : i32
      %dma_start3A_223 = tpu.memref_slice %arg6[%arg0, %add3A_218, %dma_start3A_222] : memref<2x10240x128xf32, #tpu.memory_space<hbm>> -> memref<1x80x128xf32, #tpu.memory_space<hbm>>
      %dma_start3A_224 = tpu.memref_squeeze %dma_start3A_223 : memref<1x80x128xf32, #tpu.memory_space<hbm>> -> memref<80x128xf32, #tpu.memory_space<hbm>>
      tpu.enqueue_dma source(%arg13 : memref<80x128xf32, #tpu.memory_space<vmem>>) target(%dma_start3A_224 : memref<80x128xf32, #tpu.memory_space<hbm>>) target_semaphore(%run_scoped3A : memref<!tpu.dma_semaphore, #tpu.memory_space<semaphore_mem>>)
      %dma_wait3A_225 = arith.constant 0 : i32
      %dma_wait3A_226 = tpu.memref_slice %arg6[%arg0, %add3A_218, %dma_wait3A_225] : memref<2x10240x128xf32, #tpu.memory_space<hbm>> -> memref<1x80x128xf32, #tpu.memory_space<hbm>>
      %dma_wait3A_227 = tpu.memref_squeeze %dma_wait3A_226 : memref<1x80x128xf32, #tpu.memory_space<hbm>> -> memref<80x128xf32, #tpu.memory_space<hbm>>
      %dma_wait3A_228 = arith.constant 0 : i32
      %dma_wait3A_229 = tpu.memref_slice %arg6[%arg0, %add3A_218, %dma_wait3A_228] : memref<2x10240x128xf32, #tpu.memory_space<hbm>> -> memref<1x80x128xf32, #tpu.memory_space<hbm>>
      %dma_wait3A_230 = tpu.memref_squeeze %dma_wait3A_229 : memref<1x80x128xf32, #tpu.memory_space<hbm>> -> memref<80x128xf32, #tpu.memory_space<hbm>>
      tpu.wait_dma2 semaphore(%run_scoped3A : memref<!tpu.dma_semaphore, #tpu.memory_space<semaphore_mem>>) src(%arg13 : memref<80x128xf32, #tpu.memory_space<vmem>>) dst(%dma_wait3A_230 : memref<80x128xf32, #tpu.memory_space<hbm>>)
      tpu.yield
    }) : () -> ()
    return
  }
}

module attributes {stable_mosaic.version = 14 : i64} {
  func.func @_h_body(%arg0: i32, %arg1: memref<2000x128xf32, #tpu.memory_space<vmem>>, %arg2: memref<128x128xf32, #tpu.memory_space<vmem>>, %arg3: memref<2000x128xf32, #tpu.memory_space<vmem>>) attributes {dimension_semantics = [#tpu.dimension_semantics<arbitrary>], iteration_bounds = array<i64: 5>, scalar_prefetch = 0 : i64, scratch_operands = 0 : i64, tpu.core_type = #tpu.core_type<tc>, window_params = [{transform_indices = @transform_0, window_bounds = array<i64: 2000, 128>}, {pipeline_mode = #tpu.pipeline_mode<synchronous>, transform_indices = @transform_1, window_bounds = array<i64: 128, 128>}, {transform_indices = @transform_2, window_bounds = array<i64: 2000, 128>}]} {
    %get3A = arith.constant 0 : index
    %get3A_0 = arith.constant 0 : index
    %get3A_1 = vector.load %arg1[%get3A, %get3A_0] : memref<2000x128xf32, #tpu.memory_space<vmem>>, vector<2000x128xf32>
    %get3A_2 = arith.constant 0 : index
    %get3A_3 = arith.constant 0 : index
    %get3A_4 = vector.load %arg2[%get3A_2, %get3A_3] : memref<128x128xf32, #tpu.memory_space<vmem>>, vector<128x128xf32>
    %dot_general3A = arith.constant dense<0.000000e+00> : vector<2000x128xf32>
    %dot_general3A_5 = tpu.matmul %get3A_1, %get3A_4, %dot_general3A {dimension_numbers = #tpu.dot_dimension_numbers<[1], [0], [0], [1], [0, 0, 1, 1], [], []>, transpose_lhs_hint = false} : vector<2000x128xf32>, vector<128x128xf32>, vector<2000x128xf32> -> vector<2000x128xf32>
    %swap3A = arith.constant 0 : index
    %swap3A_6 = arith.constant 0 : index
    %swap3A_7 = vector.load %arg3[%swap3A, %swap3A_6] : memref<2000x128xf32, #tpu.memory_space<vmem>>, vector<2000x128xf32>
    tpu.vector_store %arg3[%swap3A, %swap3A_6], %dot_general3A_5 {strides = array<i32>} : memref<2000x128xf32, #tpu.memory_space<vmem>>, vector<2000x128xf32>,
    return
  }
  func.func @transform_0(%arg0: i32) -> (i32, i32) {
    %c0_i32 = arith.constant 0 : i32
    %c0_i32_0 = arith.constant 0 : i32
    return %arg0, %c0_i32 : i32, i32
  }
  func.func @transform_1(%arg0: i32) -> (i32, i32) {
    %c0_i32 = arith.constant 0 : i32
    %c0_i32_0 = arith.constant 0 : i32
    %c0_i32_1 = arith.constant 0 : i32
    return %c0_i32, %c0_i32_0 : i32, i32
  }
  func.func @transform_2(%arg0: i32) -> (i32, i32) {
    %c0_i32 = arith.constant 0 : i32
    %c0_i32_0 = arith.constant 0 : i32
    return %arg0, %c0_i32 : i32, i32
  }
}

module attributes {stable_mosaic.version = 14 : i64} {
  func.func @_edge_body(%arg0: i32, %arg1: memref<800x128xf32, #tpu.memory_space<vmem>>, %arg2: memref<800x128xf32, #tpu.memory_space<vmem>>, %arg3: memref<128x128xf32, #tpu.memory_space<vmem>>, %arg4: memref<8x128xf32, #tpu.memory_space<vmem>>, %arg5: memref<12800x128xf32, #tpu.memory_space<vmem>>) attributes {dimension_semantics = [#tpu.dimension_semantics<arbitrary>], iteration_bounds = array<i64: 25>, scalar_prefetch = 0 : i64, scratch_operands = 0 : i64, tpu.core_type = #tpu.core_type<tc>, window_params = [{transform_indices = @transform_0, window_bounds = array<i64: 800, 128>}, {transform_indices = @transform_1, window_bounds = array<i64: 800, 128>}, {pipeline_mode = #tpu.pipeline_mode<synchronous>, transform_indices = @transform_2, window_bounds = array<i64: 128, 128>}, {pipeline_mode = #tpu.pipeline_mode<synchronous>, transform_indices = @transform_3, window_bounds = array<i64: 8, 128>}, {transform_indices = @transform_4, window_bounds = array<i64: 12800, 128>}]} {
    %get3A = arith.constant 0 : index
    %get3A_0 = arith.constant 0 : index
    %get3A_1 = vector.load %arg1[%get3A, %get3A_0] : memref<800x128xf32, #tpu.memory_space<vmem>>, vector<800x128xf32>
    %get3A_2 = arith.constant 0 : index
    %get3A_3 = arith.constant 0 : index
    %get3A_4 = vector.load %arg3[%get3A_2, %get3A_3] : memref<128x128xf32, #tpu.memory_space<vmem>>, vector<128x128xf32>
    %dot_general3A = arith.constant dense<0.000000e+00> : vector<800x128xf32>
    %dot_general3A_5 = tpu.matmul %get3A_1, %get3A_4, %dot_general3A {dimension_numbers = #tpu.dot_dimension_numbers<[1], [0], [0], [1], [0, 0, 1, 1], [], []>, transpose_lhs_hint = false} : vector<800x128xf32>, vector<128x128xf32>, vector<800x128xf32> -> vector<800x128xf32>
    %logistic3A = arith.negf %dot_general3A_5 : vector<800x128xf32>
    %logistic3A_6 = math.exp %logistic3A : vector<800x128xf32>
    %logistic3A_7 = arith.constant 1.000000e+00 : f32
    %logistic3A_8 = vector.broadcast %logistic3A_7 : f32 to vector<800x128xf32>
    %logistic3A_9 = arith.addf %logistic3A_8, %logistic3A_6 : vector<800x128xf32>
    %logistic3A_10 = arith.divf %logistic3A_8, %logistic3A_9 : vector<800x128xf32>
    %mul3A = arith.mulf %dot_general3A_5, %logistic3A_10 : vector<800x128xf32>
    %get3A_11 = arith.constant 0 : index
    %get3A_12 = arith.constant 0 : index
    %get3A_13 = vector.load %arg2[%get3A_11, %get3A_12] : memref<800x128xf32, #tpu.memory_space<vmem>>, vector<800x128xf32>
    %mul3A_14 = arith.mulf %mul3A, %get3A_13 : vector<800x128xf32>
    %slice3A = vector.extract_strided_slice %mul3A_14 {offsets = [0, 0], sizes = [800, 8], strides = [1, 1]} : vector<800x128xf32> to vector<800x8xf32>
    %slice3A_15 = vector.extract_strided_slice %mul3A_14 {offsets = [0, 8], sizes = [800, 8], strides = [1, 1]} : vector<800x128xf32> to vector<800x8xf32>
    %slice3A_16 = vector.extract_strided_slice %mul3A_14 {offsets = [0, 16], sizes = [800, 8], strides = [1, 1]} : vector<800x128xf32> to vector<800x8xf32>
    %slice3A_17 = vector.extract_strided_slice %mul3A_14 {offsets = [0, 24], sizes = [800, 8], strides = [1, 1]} : vector<800x128xf32> to vector<800x8xf32>
    %slice3A_18 = vector.extract_strided_slice %mul3A_14 {offsets = [0, 32], sizes = [800, 8], strides = [1, 1]} : vector<800x128xf32> to vector<800x8xf32>
    %slice3A_19 = vector.extract_strided_slice %mul3A_14 {offsets = [0, 40], sizes = [800, 8], strides = [1, 1]} : vector<800x128xf32> to vector<800x8xf32>
    %slice3A_20 = vector.extract_strided_slice %mul3A_14 {offsets = [0, 48], sizes = [800, 8], strides = [1, 1]} : vector<800x128xf32> to vector<800x8xf32>
    %slice3A_21 = vector.extract_strided_slice %mul3A_14 {offsets = [0, 56], sizes = [800, 8], strides = [1, 1]} : vector<800x128xf32> to vector<800x8xf32>
    %slice3A_22 = vector.extract_strided_slice %mul3A_14 {offsets = [0, 64], sizes = [800, 8], strides = [1, 1]} : vector<800x128xf32> to vector<800x8xf32>
    %slice3A_23 = vector.extract_strided_slice %mul3A_14 {offsets = [0, 72], sizes = [800, 8], strides = [1, 1]} : vector<800x128xf32> to vector<800x8xf32>
    %slice3A_24 = vector.extract_strided_slice %mul3A_14 {offsets = [0, 80], sizes = [800, 8], strides = [1, 1]} : vector<800x128xf32> to vector<800x8xf32>
    %slice3A_25 = vector.extract_strided_slice %mul3A_14 {offsets = [0, 88], sizes = [800, 8], strides = [1, 1]} : vector<800x128xf32> to vector<800x8xf32>
    %slice3A_26 = vector.extract_strided_slice %mul3A_14 {offsets = [0, 96], sizes = [800, 8], strides = [1, 1]} : vector<800x128xf32> to vector<800x8xf32>
    %slice3A_27 = vector.extract_strided_slice %mul3A_14 {offsets = [0, 104], sizes = [800, 8], strides = [1, 1]} : vector<800x128xf32> to vector<800x8xf32>
    %slice3A_28 = vector.extract_strided_slice %mul3A_14 {offsets = [0, 112], sizes = [800, 8], strides = [1, 1]} : vector<800x128xf32> to vector<800x8xf32>
    %slice3A_29 = vector.extract_strided_slice %mul3A_14 {offsets = [0, 120], sizes = [800, 8], strides = [1, 1]} : vector<800x128xf32> to vector<800x8xf32>
    %concatenate3A = tpu.concatenate %slice3A, %slice3A_15, %slice3A_16, %slice3A_17, %slice3A_18, %slice3A_19, %slice3A_20, %slice3A_21, %slice3A_22, %slice3A_23, %slice3A_24, %slice3A_25, %slice3A_26, %slice3A_27, %slice3A_28, %slice3A_29 in 0 : vector<800x8xf32>, vector<800x8xf32>, vector<800x8xf32>, vector<800x8xf32>, vector<800x8xf32>, vector<800x8xf32>, vector<800x8xf32>, vector<800x8xf32>, vector<800x8xf32>, vector<800x8xf32>, vector<800x8xf32>, vector<800x8xf32>, vector<800x8xf32>, vector<800x8xf32>, vector<800x8xf32>, vector<800x8xf32> -> vector<12800x8xf32>
    %get3A_30 = arith.constant 0 : index
    %get3A_31 = arith.constant 0 : index
    %get3A_32 = vector.load %arg4[%get3A_30, %get3A_31] : memref<8x128xf32, #tpu.memory_space<vmem>>, vector<8x128xf32>
    %dot_general3A_33 = arith.constant dense<0.000000e+00> : vector<12800x128xf32>
    %dot_general3A_34 = tpu.matmul %concatenate3A, %get3A_32, %dot_general3A_33 {dimension_numbers = #tpu.dot_dimension_numbers<[1], [0], [0], [1], [0, 0, 1, 1], [], []>, transpose_lhs_hint = false} : vector<12800x8xf32>, vector<8x128xf32>, vector<12800x128xf32> -> vector<12800x128xf32>
    %swap3A = arith.constant 0 : index
    %swap3A_35 = arith.constant 0 : index
    %swap3A_36 = vector.load %arg5[%swap3A, %swap3A_35] : memref<12800x128xf32, #tpu.memory_space<vmem>>, vector<12800x128xf32>
    tpu.vector_store %arg5[%swap3A, %swap3A_35], %dot_general3A_34 {strides = array<i32>} : memref<12800x128xf32, #tpu.memory_space<vmem>>, vector<12800x128xf32>,
    return
  }
  func.func @transform_0(%arg0: i32) -> (i32, i32) {
    %c0_i32 = arith.constant 0 : i32
    %c0_i32_0 = arith.constant 0 : i32
    return %arg0, %c0_i32 : i32, i32
  }
  func.func @transform_1(%arg0: i32) -> (i32, i32) {
    %c0_i32 = arith.constant 0 : i32
    %c0_i32_0 = arith.constant 0 : i32
    return %arg0, %c0_i32 : i32, i32
  }
  func.func @transform_2(%arg0: i32) -> (i32, i32) {
    %c0_i32 = arith.constant 0 : i32
    %c0_i32_0 = arith.constant 0 : i32
    %c0_i32_1 = arith.constant 0 : i32
    return %c0_i32, %c0_i32_0 : i32, i32
  }
  func.func @transform_3(%arg0: i32) -> (i32, i32) {
    %c0_i32 = arith.constant 0 : i32
    %c0_i32_0 = arith.constant 0 : i32
    %c0_i32_1 = arith.constant 0 : i32
    return %c0_i32, %c0_i32_0 : i32, i32
  }
  func.func @transform_4(%arg0: i32) -> (i32, i32) {
    %c0_i32 = arith.constant 0 : i32
    %c0_i32_0 = arith.constant 0 : i32
    return %arg0, %c0_i32 : i32, i32
  }
}

module attributes {stable_mosaic.version = 14 : i64} {
  func.func @_node_out_body(%arg0: i32, %arg1: memref<1x2000x128xf32, #tpu.memory_space<vmem>>, %arg2: memref<1x2000x128xf32, #tpu.memory_space<vmem>>, %arg3: memref<2000x128xf32, #tpu.memory_space<vmem>>, %arg4: memref<2000x16xf32, #tpu.memory_space<vmem>>, %arg5: memref<16x128x128xbf16, #tpu.memory_space<vmem>>, %arg6: memref<128x128xf32, #tpu.memory_space<vmem>>, %arg7: memref<2000x128xf32, #tpu.memory_space<vmem>>) attributes {dimension_semantics = [#tpu.dimension_semantics<arbitrary>], iteration_bounds = array<i64: 5>, scalar_prefetch = 0 : i64, scratch_operands = 0 : i64, tpu.core_type = #tpu.core_type<tc>, window_params = [{transform_indices = @transform_0, window_bounds = array<i64: 1, 2000, 128>}, {transform_indices = @transform_1, window_bounds = array<i64: 1, 2000, 128>}, {transform_indices = @transform_2, window_bounds = array<i64: 2000, 128>}, {transform_indices = @transform_3, window_bounds = array<i64: 2000, 16>}, {pipeline_mode = #tpu.pipeline_mode<synchronous>, transform_indices = @transform_4, window_bounds = array<i64: 16, 128, 128>}, {pipeline_mode = #tpu.pipeline_mode<synchronous>, transform_indices = @transform_5, window_bounds = array<i64: 128, 128>}, {transform_indices = @transform_6, window_bounds = array<i64: 2000, 128>}]} {
    %get3A = arith.constant 0 : index
    %get3A_0 = arith.constant 0 : index
    %get3A_1 = arith.constant 0 : index
    %get3A_2 = vector.load %arg1[%get3A, %get3A_0, %get3A_1] : memref<1x2000x128xf32, #tpu.memory_space<vmem>>, vector<1x2000x128xf32>
    %get3A_3 = vector.shape_cast %get3A_2 : vector<1x2000x128xf32> to vector<2000x128xf32>
    %get3A_4 = arith.constant 0 : index
    %get3A_5 = arith.constant 0 : index
    %get3A_6 = arith.constant 0 : index
    %get3A_7 = vector.load %arg2[%get3A_4, %get3A_5, %get3A_6] : memref<1x2000x128xf32, #tpu.memory_space<vmem>>, vector<1x2000x128xf32>
    %get3A_8 = vector.shape_cast %get3A_7 : vector<1x2000x128xf32> to vector<2000x128xf32>
    %add3A = arith.addf %get3A_3, %get3A_8 : vector<2000x128xf32>
    %get3A_9 = arith.constant 0 : index
    %get3A_10 = arith.constant 0 : index
    %get3A_11 = vector.load %arg6[%get3A_9, %get3A_10] : memref<128x128xf32, #tpu.memory_space<vmem>>, vector<128x128xf32>
    %dot_general3A = arith.constant dense<0.000000e+00> : vector<2000x128xf32>
    %dot_general3A_12 = tpu.matmul %add3A, %get3A_11, %dot_general3A {dimension_numbers = #tpu.dot_dimension_numbers<[1], [0], [0], [1], [0, 0, 1, 1], [], []>, transpose_lhs_hint = false} : vector<2000x128xf32>, vector<128x128xf32>, vector<2000x128xf32> -> vector<2000x128xf32>
    %get3A_13 = arith.constant 0 : index
    %get3A_14 = arith.constant 0 : index
    %get3A_15 = vector.load %arg3[%get3A_13, %get3A_14] : memref<2000x128xf32, #tpu.memory_space<vmem>>, vector<2000x128xf32>
    %convert_element_type3A = arith.truncf %get3A_15 : vector<2000x128xf32> to vector<2000x128xbf16>
    %get3A_16 = arith.constant 0 : index
    %get3A_17 = arith.constant 0 : index
    %get3A_18 = arith.constant 0 : index
    %get3A_19 = vector.load %arg5[%get3A_16, %get3A_17, %get3A_18] : memref<16x128x128xbf16, #tpu.memory_space<vmem>>, vector<1x128x128xbf16>
    %get3A_20 = vector.shape_cast %get3A_19 : vector<1x128x128xbf16> to vector<128x128xbf16>
    %dot_general3A_21 = arith.constant dense<0.000000e+00> : vector<2000x128xf32>
    %dot_general3A_22 = tpu.matmul %convert_element_type3A, %get3A_20, %dot_general3A_21 {dimension_numbers = #tpu.dot_dimension_numbers<[1], [0], [0], [1], [0, 0, 1, 1], [], []>, transpose_lhs_hint = false} : vector<2000x128xbf16>, vector<128x128xbf16>, vector<2000x128xf32> -> vector<2000x128xf32>
    %get3A_23 = arith.constant 0 : index
    %get3A_24 = arith.constant 0 : index
    %get3A_25 = vector.load %arg4[%get3A_23, %get3A_24] : memref<2000x16xf32, #tpu.memory_space<vmem>>, vector<2000x1xf32>
    %mul3A = vector.broadcast %get3A_25 : vector<2000x1xf32> to vector<2000x128xf32>
    %mul3A_26 = arith.mulf %dot_general3A_22, %mul3A : vector<2000x128xf32>
    %add3A_27 = arith.addf %dot_general3A_12, %mul3A_26 : vector<2000x128xf32>
    %get3A_28 = arith.constant 1 : index
    %get3A_29 = arith.constant 0 : index
    %get3A_30 = arith.constant 0 : index
    %get3A_31 = vector.load %arg5[%get3A_28, %get3A_29, %get3A_30] : memref<16x128x128xbf16, #tpu.memory_space<vmem>>, vector<1x128x128xbf16>
    %get3A_32 = vector.shape_cast %get3A_31 : vector<1x128x128xbf16> to vector<128x128xbf16>
    %dot_general3A_33 = arith.constant dense<0.000000e+00> : vector<2000x128xf32>
    %dot_general3A_34 = tpu.matmul %convert_element_type3A, %get3A_32, %dot_general3A_33 {dimension_numbers = #tpu.dot_dimension_numbers<[1], [0], [0], [1], [0, 0, 1, 1], [], []>, transpose_lhs_hint = false} : vector<2000x128xbf16>, vector<128x128xbf16>, vector<2000x128xf32> -> vector<2000x128xf32>
    %get3A_35 = arith.constant 0 : index
    %get3A_36 = arith.constant 1 : index
    %get3A_37 = vector.load %arg4[%get3A_35, %get3A_36] : memref<2000x16xf32, #tpu.memory_space<vmem>>, vector<2000x1xf32>
    %mul3A_38 = vector.broadcast %get3A_37 : vector<2000x1xf32> to vector<2000x128xf32>
    %mul3A_39 = arith.mulf %dot_general3A_34, %mul3A_38 : vector<2000x128xf32>
    %add3A_40 = arith.addf %add3A_27, %mul3A_39 : vector<2000x128xf32>
    %get3A_41 = arith.constant 2 : index
    %get3A_42 = arith.constant 0 : index
    %get3A_43 = arith.constant 0 : index
    %get3A_44 = vector.load %arg5[%get3A_41, %get3A_42, %get3A_43] : memref<16x128x128xbf16, #tpu.memory_space<vmem>>, vector<1x128x128xbf16>
    %get3A_45 = vector.shape_cast %get3A_44 : vector<1x128x128xbf16> to vector<128x128xbf16>
    %dot_general3A_46 = arith.constant dense<0.000000e+00> : vector<2000x128xf32>
    %dot_general3A_47 = tpu.matmul %convert_element_type3A, %get3A_45, %dot_general3A_46 {dimension_numbers = #tpu.dot_dimension_numbers<[1], [0], [0], [1], [0, 0, 1, 1], [], []>, transpose_lhs_hint = false} : vector<2000x128xbf16>, vector<128x128xbf16>, vector<2000x128xf32> -> vector<2000x128xf32>
    %get3A_48 = arith.constant 0 : index
    %get3A_49 = arith.constant 2 : index
    %get3A_50 = vector.load %arg4[%get3A_48, %get3A_49] : memref<2000x16xf32, #tpu.memory_space<vmem>>, vector<2000x1xf32>
    %mul3A_51 = vector.broadcast %get3A_50 : vector<2000x1xf32> to vector<2000x128xf32>
    %mul3A_52 = arith.mulf %dot_general3A_47, %mul3A_51 : vector<2000x128xf32>
    %add3A_53 = arith.addf %add3A_40, %mul3A_52 : vector<2000x128xf32>
    %get3A_54 = arith.constant 3 : index
    %get3A_55 = arith.constant 0 : index
    %get3A_56 = arith.constant 0 : index
    %get3A_57 = vector.load %arg5[%get3A_54, %get3A_55, %get3A_56] : memref<16x128x128xbf16, #tpu.memory_space<vmem>>, vector<1x128x128xbf16>
    %get3A_58 = vector.shape_cast %get3A_57 : vector<1x128x128xbf16> to vector<128x128xbf16>
    %dot_general3A_59 = arith.constant dense<0.000000e+00> : vector<2000x128xf32>
    %dot_general3A_60 = tpu.matmul %convert_element_type3A, %get3A_58, %dot_general3A_59 {dimension_numbers = #tpu.dot_dimension_numbers<[1], [0], [0], [1], [0, 0, 1, 1], [], []>, transpose_lhs_hint = false} : vector<2000x128xbf16>, vector<128x128xbf16>, vector<2000x128xf32> -> vector<2000x128xf32>
    %get3A_61 = arith.constant 0 : index
    %get3A_62 = arith.constant 3 : index
    %get3A_63 = vector.load %arg4[%get3A_61, %get3A_62] : memref<2000x16xf32, #tpu.memory_space<vmem>>, vector<2000x1xf32>
    %mul3A_64 = vector.broadcast %get3A_63 : vector<2000x1xf32> to vector<2000x128xf32>
    %mul3A_65 = arith.mulf %dot_general3A_60, %mul3A_64 : vector<2000x128xf32>
    %add3A_66 = arith.addf %add3A_53, %mul3A_65 : vector<2000x128xf32>
    %get3A_67 = arith.constant 4 : index
    %get3A_68 = arith.constant 0 : index
    %get3A_69 = arith.constant 0 : index
    %get3A_70 = vector.load %arg5[%get3A_67, %get3A_68, %get3A_69] : memref<16x128x128xbf16, #tpu.memory_space<vmem>>, vector<1x128x128xbf16>
    %get3A_71 = vector.shape_cast %get3A_70 : vector<1x128x128xbf16> to vector<128x128xbf16>
    %dot_general3A_72 = arith.constant dense<0.000000e+00> : vector<2000x128xf32>
    %dot_general3A_73 = tpu.matmul %convert_element_type3A, %get3A_71, %dot_general3A_72 {dimension_numbers = #tpu.dot_dimension_numbers<[1], [0], [0], [1], [0, 0, 1, 1], [], []>, transpose_lhs_hint = false} : vector<2000x128xbf16>, vector<128x128xbf16>, vector<2000x128xf32> -> vector<2000x128xf32>
    %get3A_74 = arith.constant 0 : index
    %get3A_75 = arith.constant 4 : index
    %get3A_76 = vector.load %arg4[%get3A_74, %get3A_75] : memref<2000x16xf32, #tpu.memory_space<vmem>>, vector<2000x1xf32>
    %mul3A_77 = vector.broadcast %get3A_76 : vector<2000x1xf32> to vector<2000x128xf32>
    %mul3A_78 = arith.mulf %dot_general3A_73, %mul3A_77 : vector<2000x128xf32>
    %add3A_79 = arith.addf %add3A_66, %mul3A_78 : vector<2000x128xf32>
    %get3A_80 = arith.constant 5 : index
    %get3A_81 = arith.constant 0 : index
    %get3A_82 = arith.constant 0 : index
    %get3A_83 = vector.load %arg5[%get3A_80, %get3A_81, %get3A_82] : memref<16x128x128xbf16, #tpu.memory_space<vmem>>, vector<1x128x128xbf16>
    %get3A_84 = vector.shape_cast %get3A_83 : vector<1x128x128xbf16> to vector<128x128xbf16>
    %dot_general3A_85 = arith.constant dense<0.000000e+00> : vector<2000x128xf32>
    %dot_general3A_86 = tpu.matmul %convert_element_type3A, %get3A_84, %dot_general3A_85 {dimension_numbers = #tpu.dot_dimension_numbers<[1], [0], [0], [1], [0, 0, 1, 1], [], []>, transpose_lhs_hint = false} : vector<2000x128xbf16>, vector<128x128xbf16>, vector<2000x128xf32> -> vector<2000x128xf32>
    %get3A_87 = arith.constant 0 : index
    %get3A_88 = arith.constant 5 : index
    %get3A_89 = vector.load %arg4[%get3A_87, %get3A_88] : memref<2000x16xf32, #tpu.memory_space<vmem>>, vector<2000x1xf32>
    %mul3A_90 = vector.broadcast %get3A_89 : vector<2000x1xf32> to vector<2000x128xf32>
    %mul3A_91 = arith.mulf %dot_general3A_86, %mul3A_90 : vector<2000x128xf32>
    %add3A_92 = arith.addf %add3A_79, %mul3A_91 : vector<2000x128xf32>
    %get3A_93 = arith.constant 6 : index
    %get3A_94 = arith.constant 0 : index
    %get3A_95 = arith.constant 0 : index
    %get3A_96 = vector.load %arg5[%get3A_93, %get3A_94, %get3A_95] : memref<16x128x128xbf16, #tpu.memory_space<vmem>>, vector<1x128x128xbf16>
    %get3A_97 = vector.shape_cast %get3A_96 : vector<1x128x128xbf16> to vector<128x128xbf16>
    %dot_general3A_98 = arith.constant dense<0.000000e+00> : vector<2000x128xf32>
    %dot_general3A_99 = tpu.matmul %convert_element_type3A, %get3A_97, %dot_general3A_98 {dimension_numbers = #tpu.dot_dimension_numbers<[1], [0], [0], [1], [0, 0, 1, 1], [], []>, transpose_lhs_hint = false} : vector<2000x128xbf16>, vector<128x128xbf16>, vector<2000x128xf32> -> vector<2000x128xf32>
    %get3A_100 = arith.constant 0 : index
    %get3A_101 = arith.constant 6 : index
    %get3A_102 = vector.load %arg4[%get3A_100, %get3A_101] : memref<2000x16xf32, #tpu.memory_space<vmem>>, vector<2000x1xf32>
    %mul3A_103 = vector.broadcast %get3A_102 : vector<2000x1xf32> to vector<2000x128xf32>
    %mul3A_104 = arith.mulf %dot_general3A_99, %mul3A_103 : vector<2000x128xf32>
    %add3A_105 = arith.addf %add3A_92, %mul3A_104 : vector<2000x128xf32>
    %get3A_106 = arith.constant 7 : index
    %get3A_107 = arith.constant 0 : index
    %get3A_108 = arith.constant 0 : index
    %get3A_109 = vector.load %arg5[%get3A_106, %get3A_107, %get3A_108] : memref<16x128x128xbf16, #tpu.memory_space<vmem>>, vector<1x128x128xbf16>
    %get3A_110 = vector.shape_cast %get3A_109 : vector<1x128x128xbf16> to vector<128x128xbf16>
    %dot_general3A_111 = arith.constant dense<0.000000e+00> : vector<2000x128xf32>
    %dot_general3A_112 = tpu.matmul %convert_element_type3A, %get3A_110, %dot_general3A_111 {dimension_numbers = #tpu.dot_dimension_numbers<[1], [0], [0], [1], [0, 0, 1, 1], [], []>, transpose_lhs_hint = false} : vector<2000x128xbf16>, vector<128x128xbf16>, vector<2000x128xf32> -> vector<2000x128xf32>
    %get3A_113 = arith.constant 0 : index
    %get3A_114 = arith.constant 7 : index
    %get3A_115 = vector.load %arg4[%get3A_113, %get3A_114] : memref<2000x16xf32, #tpu.memory_space<vmem>>, vector<2000x1xf32>
    %mul3A_116 = vector.broadcast %get3A_115 : vector<2000x1xf32> to vector<2000x128xf32>
    %mul3A_117 = arith.mulf %dot_general3A_112, %mul3A_116 : vector<2000x128xf32>
    %add3A_118 = arith.addf %add3A_105, %mul3A_117 : vector<2000x128xf32>
    %get3A_119 = arith.constant 8 : index
    %get3A_120 = arith.constant 0 : index
    %get3A_121 = arith.constant 0 : index
    %get3A_122 = vector.load %arg5[%get3A_119, %get3A_120, %get3A_121] : memref<16x128x128xbf16, #tpu.memory_space<vmem>>, vector<1x128x128xbf16>
    %get3A_123 = vector.shape_cast %get3A_122 : vector<1x128x128xbf16> to vector<128x128xbf16>
    %dot_general3A_124 = arith.constant dense<0.000000e+00> : vector<2000x128xf32>
    %dot_general3A_125 = tpu.matmul %convert_element_type3A, %get3A_123, %dot_general3A_124 {dimension_numbers = #tpu.dot_dimension_numbers<[1], [0], [0], [1], [0, 0, 1, 1], [], []>, transpose_lhs_hint = false} : vector<2000x128xbf16>, vector<128x128xbf16>, vector<2000x128xf32> -> vector<2000x128xf32>
    %get3A_126 = arith.constant 0 : index
    %get3A_127 = arith.constant 8 : index
    %get3A_128 = vector.load %arg4[%get3A_126, %get3A_127] : memref<2000x16xf32, #tpu.memory_space<vmem>>, vector<2000x1xf32>
    %mul3A_129 = vector.broadcast %get3A_128 : vector<2000x1xf32> to vector<2000x128xf32>
    %mul3A_130 = arith.mulf %dot_general3A_125, %mul3A_129 : vector<2000x128xf32>
    %add3A_131 = arith.addf %add3A_118, %mul3A_130 : vector<2000x128xf32>
    %get3A_132 = arith.constant 9 : index
    %get3A_133 = arith.constant 0 : index
    %get3A_134 = arith.constant 0 : index
    %get3A_135 = vector.load %arg5[%get3A_132, %get3A_133, %get3A_134] : memref<16x128x128xbf16, #tpu.memory_space<vmem>>, vector<1x128x128xbf16>
    %get3A_136 = vector.shape_cast %get3A_135 : vector<1x128x128xbf16> to vector<128x128xbf16>
    %dot_general3A_137 = arith.constant dense<0.000000e+00> : vector<2000x128xf32>
    %dot_general3A_138 = tpu.matmul %convert_element_type3A, %get3A_136, %dot_general3A_137 {dimension_numbers = #tpu.dot_dimension_numbers<[1], [0], [0], [1], [0, 0, 1, 1], [], []>, transpose_lhs_hint = false} : vector<2000x128xbf16>, vector<128x128xbf16>, vector<2000x128xf32> -> vector<2000x128xf32>
    %get3A_139 = arith.constant 0 : index
    %get3A_140 = arith.constant 9 : index
    %get3A_141 = vector.load %arg4[%get3A_139, %get3A_140] : memref<2000x16xf32, #tpu.memory_space<vmem>>, vector<2000x1xf32>
    %mul3A_142 = vector.broadcast %get3A_141 : vector<2000x1xf32> to vector<2000x128xf32>
    %mul3A_143 = arith.mulf %dot_general3A_138, %mul3A_142 : vector<2000x128xf32>
    %add3A_144 = arith.addf %add3A_131, %mul3A_143 : vector<2000x128xf32>
    %get3A_145 = arith.constant 10 : index
    %get3A_146 = arith.constant 0 : index
    %get3A_147 = arith.constant 0 : index
    %get3A_148 = vector.load %arg5[%get3A_145, %get3A_146, %get3A_147] : memref<16x128x128xbf16, #tpu.memory_space<vmem>>, vector<1x128x128xbf16>
    %get3A_149 = vector.shape_cast %get3A_148 : vector<1x128x128xbf16> to vector<128x128xbf16>
    %dot_general3A_150 = arith.constant dense<0.000000e+00> : vector<2000x128xf32>
    %dot_general3A_151 = tpu.matmul %convert_element_type3A, %get3A_149, %dot_general3A_150 {dimension_numbers = #tpu.dot_dimension_numbers<[1], [0], [0], [1], [0, 0, 1, 1], [], []>, transpose_lhs_hint = false} : vector<2000x128xbf16>, vector<128x128xbf16>, vector<2000x128xf32> -> vector<2000x128xf32>
    %get3A_152 = arith.constant 0 : index
    %get3A_153 = arith.constant 10 : index
    %get3A_154 = vector.load %arg4[%get3A_152, %get3A_153] : memref<2000x16xf32, #tpu.memory_space<vmem>>, vector<2000x1xf32>
    %mul3A_155 = vector.broadcast %get3A_154 : vector<2000x1xf32> to vector<2000x128xf32>
    %mul3A_156 = arith.mulf %dot_general3A_151, %mul3A_155 : vector<2000x128xf32>
    %add3A_157 = arith.addf %add3A_144, %mul3A_156 : vector<2000x128xf32>
    %get3A_158 = arith.constant 11 : index
    %get3A_159 = arith.constant 0 : index
    %get3A_160 = arith.constant 0 : index
    %get3A_161 = vector.load %arg5[%get3A_158, %get3A_159, %get3A_160] : memref<16x128x128xbf16, #tpu.memory_space<vmem>>, vector<1x128x128xbf16>
    %get3A_162 = vector.shape_cast %get3A_161 : vector<1x128x128xbf16> to vector<128x128xbf16>
    %dot_general3A_163 = arith.constant dense<0.000000e+00> : vector<2000x128xf32>
    %dot_general3A_164 = tpu.matmul %convert_element_type3A, %get3A_162, %dot_general3A_163 {dimension_numbers = #tpu.dot_dimension_numbers<[1], [0], [0], [1], [0, 0, 1, 1], [], []>, transpose_lhs_hint = false} : vector<2000x128xbf16>, vector<128x128xbf16>, vector<2000x128xf32> -> vector<2000x128xf32>
    %get3A_165 = arith.constant 0 : index
    %get3A_166 = arith.constant 11 : index
    %get3A_167 = vector.load %arg4[%get3A_165, %get3A_166] : memref<2000x16xf32, #tpu.memory_space<vmem>>, vector<2000x1xf32>
    %mul3A_168 = vector.broadcast %get3A_167 : vector<2000x1xf32> to vector<2000x128xf32>
    %mul3A_169 = arith.mulf %dot_general3A_164, %mul3A_168 : vector<2000x128xf32>
    %add3A_170 = arith.addf %add3A_157, %mul3A_169 : vector<2000x128xf32>
    %get3A_171 = arith.constant 12 : index
    %get3A_172 = arith.constant 0 : index
    %get3A_173 = arith.constant 0 : index
    %get3A_174 = vector.load %arg5[%get3A_171, %get3A_172, %get3A_173] : memref<16x128x128xbf16, #tpu.memory_space<vmem>>, vector<1x128x128xbf16>
    %get3A_175 = vector.shape_cast %get3A_174 : vector<1x128x128xbf16> to vector<128x128xbf16>
    %dot_general3A_176 = arith.constant dense<0.000000e+00> : vector<2000x128xf32>
    %dot_general3A_177 = tpu.matmul %convert_element_type3A, %get3A_175, %dot_general3A_176 {dimension_numbers = #tpu.dot_dimension_numbers<[1], [0], [0], [1], [0, 0, 1, 1], [], []>, transpose_lhs_hint = false} : vector<2000x128xbf16>, vector<128x128xbf16>, vector<2000x128xf32> -> vector<2000x128xf32>
    %get3A_178 = arith.constant 0 : index
    %get3A_179 = arith.constant 12 : index
    %get3A_180 = vector.load %arg4[%get3A_178, %get3A_179] : memref<2000x16xf32, #tpu.memory_space<vmem>>, vector<2000x1xf32>
    %mul3A_181 = vector.broadcast %get3A_180 : vector<2000x1xf32> to vector<2000x128xf32>
    %mul3A_182 = arith.mulf %dot_general3A_177, %mul3A_181 : vector<2000x128xf32>
    %add3A_183 = arith.addf %add3A_170, %mul3A_182 : vector<2000x128xf32>
    %get3A_184 = arith.constant 13 : index
    %get3A_185 = arith.constant 0 : index
    %get3A_186 = arith.constant 0 : index
    %get3A_187 = vector.load %arg5[%get3A_184, %get3A_185, %get3A_186] : memref<16x128x128xbf16, #tpu.memory_space<vmem>>, vector<1x128x128xbf16>
    %get3A_188 = vector.shape_cast %get3A_187 : vector<1x128x128xbf16> to vector<128x128xbf16>
    %dot_general3A_189 = arith.constant dense<0.000000e+00> : vector<2000x128xf32>
    %dot_general3A_190 = tpu.matmul %convert_element_type3A, %get3A_188, %dot_general3A_189 {dimension_numbers = #tpu.dot_dimension_numbers<[1], [0], [0], [1], [0, 0, 1, 1], [], []>, transpose_lhs_hint = false} : vector<2000x128xbf16>, vector<128x128xbf16>, vector<2000x128xf32> -> vector<2000x128xf32>
    %get3A_191 = arith.constant 0 : index
    %get3A_192 = arith.constant 13 : index
    %get3A_193 = vector.load %arg4[%get3A_191, %get3A_192] : memref<2000x16xf32, #tpu.memory_space<vmem>>, vector<2000x1xf32>
    %mul3A_194 = vector.broadcast %get3A_193 : vector<2000x1xf32> to vector<2000x128xf32>
    %mul3A_195 = arith.mulf %dot_general3A_190, %mul3A_194 : vector<2000x128xf32>
    %add3A_196 = arith.addf %add3A_183, %mul3A_195 : vector<2000x128xf32>
    %get3A_197 = arith.constant 14 : index
    %get3A_198 = arith.constant 0 : index
    %get3A_199 = arith.constant 0 : index
    %get3A_200 = vector.load %arg5[%get3A_197, %get3A_198, %get3A_199] : memref<16x128x128xbf16, #tpu.memory_space<vmem>>, vector<1x128x128xbf16>
    %get3A_201 = vector.shape_cast %get3A_200 : vector<1x128x128xbf16> to vector<128x128xbf16>
    %dot_general3A_202 = arith.constant dense<0.000000e+00> : vector<2000x128xf32>
    %dot_general3A_203 = tpu.matmul %convert_element_type3A, %get3A_201, %dot_general3A_202 {dimension_numbers = #tpu.dot_dimension_numbers<[1], [0], [0], [1], [0, 0, 1, 1], [], []>, transpose_lhs_hint = false} : vector<2000x128xbf16>, vector<128x128xbf16>, vector<2000x128xf32> -> vector<2000x128xf32>
    %get3A_204 = arith.constant 0 : index
    %get3A_205 = arith.constant 14 : index
    %get3A_206 = vector.load %arg4[%get3A_204, %get3A_205] : memref<2000x16xf32, #tpu.memory_space<vmem>>, vector<2000x1xf32>
    %mul3A_207 = vector.broadcast %get3A_206 : vector<2000x1xf32> to vector<2000x128xf32>
    %mul3A_208 = arith.mulf %dot_general3A_203, %mul3A_207 : vector<2000x128xf32>
    %add3A_209 = arith.addf %add3A_196, %mul3A_208 : vector<2000x128xf32>
    %get3A_210 = arith.constant 15 : index
    %get3A_211 = arith.constant 0 : index
    %get3A_212 = arith.constant 0 : index
    %get3A_213 = vector.load %arg5[%get3A_210, %get3A_211, %get3A_212] : memref<16x128x128xbf16, #tpu.memory_space<vmem>>, vector<1x128x128xbf16>
    %get3A_214 = vector.shape_cast %get3A_213 : vector<1x128x128xbf16> to vector<128x128xbf16>
    %dot_general3A_215 = arith.constant dense<0.000000e+00> : vector<2000x128xf32>
    %dot_general3A_216 = tpu.matmul %convert_element_type3A, %get3A_214, %dot_general3A_215 {dimension_numbers = #tpu.dot_dimension_numbers<[1], [0], [0], [1], [0, 0, 1, 1], [], []>, transpose_lhs_hint = false} : vector<2000x128xbf16>, vector<128x128xbf16>, vector<2000x128xf32> -> vector<2000x128xf32>
    %get3A_217 = arith.constant 0 : index
    %get3A_218 = arith.constant 15 : index
    %get3A_219 = vector.load %arg4[%get3A_217, %get3A_218] : memref<2000x16xf32, #tpu.memory_space<vmem>>, vector<2000x1xf32>
    %mul3A_220 = vector.broadcast %get3A_219 : vector<2000x1xf32> to vector<2000x128xf32>
    %mul3A_221 = arith.mulf %dot_general3A_216, %mul3A_220 : vector<2000x128xf32>
    %add3A_222 = arith.addf %add3A_209, %mul3A_221 : vector<2000x128xf32>
    %swap3A = arith.constant 0 : index
    %swap3A_223 = arith.constant 0 : index
    %swap3A_224 = vector.load %arg7[%swap3A, %swap3A_223] : memref<2000x128xf32, #tpu.memory_space<vmem>>, vector<2000x128xf32>
    tpu.vector_store %arg7[%swap3A, %swap3A_223], %add3A_222 {strides = array<i32>} : memref<2000x128xf32, #tpu.memory_space<vmem>>, vector<2000x128xf32>,
    return
  }
  func.func @transform_0(%arg0: i32) -> (i32, i32, i32) {
    %c0_i32 = arith.constant 0 : i32
    %c0_i32_0 = arith.constant 0 : i32
    %c0_i32_1 = arith.constant 0 : i32
    return %c0_i32, %arg0, %c0_i32_0 : i32, i32, i32
  }
  func.func @transform_1(%arg0: i32) -> (i32, i32, i32) {
    %c1_i32 = arith.constant 1 : i32
    %c0_i32 = arith.constant 0 : i32
    %c0_i32_0 = arith.constant 0 : i32
    return %c1_i32, %arg0, %c0_i32 : i32, i32, i32
  }
  func.func @transform_2(%arg0: i32) -> (i32, i32) {
    %c0_i32 = arith.constant 0 : i32
    %c0_i32_0 = arith.constant 0 : i32
    return %arg0, %c0_i32 : i32, i32
  }
  func.func @transform_3(%arg0: i32) -> (i32, i32) {
    %c0_i32 = arith.constant 0 : i32
    %c0_i32_0 = arith.constant 0 : i32
    return %arg0, %c0_i32 : i32, i32
  }
  func.func @transform_4(%arg0: i32) -> (i32, i32, i32) {
    %c0_i32 = arith.constant 0 : i32
    %c0_i32_0 = arith.constant 0 : i32
    %c0_i32_1 = arith.constant 0 : i32
    %c0_i32_2 = arith.constant 0 : i32
    return %c0_i32, %c0_i32_0, %c0_i32_1 : i32, i32, i32
  }
  func.func @transform_5(%arg0: i32) -> (i32, i32) {
    %c0_i32 = arith.constant 0 : i32
    %c0_i32_0 = arith.constant 0 : i32
    %c0_i32_1 = arith.constant 0 : i32
    return %c0_i32, %c0_i32_0 : i32, i32
  }
  func.func @transform_6(%arg0: i32) -> (i32, i32) {
    %c0_i32 = arith.constant 0 : i32
    %c0_i32_0 = arith.constant 0 : i32
    return %arg0, %c0_i32 : i32, i32
  }
}

</mosaic_0001>

<sc_bundles>
// kernel: kernel.6.cloned.1.call-start
scs
__scs_entry_jumppad:
0x0: {  	(pc) =	sbr.rel $0x88, $3  }
0x1: {  	(tag) =	ssettag $0x0;
	lr =	simm.s32 $0x1  }
0x2: {  	[smem:$0x3F97] =	sst lr;
	_ =	strace $0xD0000000  }
0x3: {  	_ = 	snop  }
0x4: {  	_ = 	snop  }
0x5: {  	_ = 	snop  }
0x6: {  	_ = 	snop  }
0x7: {  	_ = 	snop  }
__scs_overlays_trampoline_lowered:
0x8: {  	[smem:$0x3FA6] =	sst s0  }
0x9: {  	[smem:$0x3FA7] =	sst s1  }
0xa: {  	[smem:$0x3FA8] =	sst s2  }
0xb: {  	[smem:$0x3FA9] =	sst s3  }
0xc: {  	[smem:$0x3FAA] =	sst s4  }
0xd: {  	[smem:$0x3FAB] =	sst s5  }
0xe: {  	[smem:$0x3FAC] =	sst s6  }
0xf: {  	[smem:$0x3FAD] =	sst s7  }
0x10: {  	[smem:$0x3FAE] =	sst s8  }
0x11: {  	[smem:$0x3FAF] =	sst s9;
	s0 =	simm.s32 @!p0 $0x0  }
0x12: {  	s1 =	sld [smem:$0x3F95];
	s0 =	simm.s32 @p0 $0x1  }
0x13: {  	[smem:$0x3FB0] =	sst s0;
	s0 =	simm.s32 @!p1 $0x0  }
0x14: {  	s2 =	sld [smem:$0x3F94];
	s0 =	simm.s32 @p1 $0x1  }
0x15: {  	[smem:$0x3FB1] =	sst s0;
	s0 =	simm.s32 @!p2 $0x0  }
0x16: {  	s3 =	sld [smem:$0x3FDB];
	s0 =	simm.s32 @p2 $0x1  }
0x17: {  	s4 =	simm.s32 $0x1BF5;
	[smem:$0x3FB3] =	sst s0  }
0x18: {  	s0 =	sld [smem:$0x3F96];
	_ =	swait.ge [sflag:s4], $0x0  }
0x19: {  	s7 =	sld [smem:$0x3F97]  }
0x1a: {  	s8 =	sadd.s32 $0xFFFFE003, lr  }
0x1b: {  	s9 =	sadd.s32 $0xFFFFFEF7, lr;
	s5 =	simm.s32 $0xFFFFFFFF;
	p2 =	slt.u32 s8, $0xFFFFF086  }
0x1c: {  	p1 =	slt.u32 s9, $0xF7A;
	s5 =	simm.s32 @!p2 $0x0  }
0x1d: {  	s5 =	simm.s32 @p1 $0x1;
	p0 =	seq.s32 s7, s2  }
0x1e: {  	s7 =	smul.u32 @!p0 $0xF7A, s2;
	p2 =	seq.s32 @!p0 s5, $0x0  }
0x1f: {  	s9 =	smul.u32 $0xF7A, s1;
	s8 =	simm.s32 @!p0 $0x1BF5;
	p2 =	por !p2, p0  }
0x20: {  	[sflag:s8] =	ssyncset.s32 @!p0 $0xFFFFF086;
	s6 =	sadd.s32 @!p0 s3, s7;
	s7 =	simm.s32 @!p0 $0x108  }
0x21: {  	s3 =	sadd.s32 s3, s9;
	s6 =	sadd.s32 @!p0 $0x88, s6;
	s7 =	simm.s32 @p2 $0x1082  }
0x22: {  	[simem:s7], [sflag:s8] =	dma.local @!p0 [hbm:s6], $0xF7A  }
0x23: {  	s9 =	sor.u32 $0xD0000000, s2;
	s6 =	simm.s32 $0x108;
	_ =	swait.ge @!p0 [sflag:s8], $0x0  }
0x24: {  	s3 =	sadd.s32 $0x88, s3;
	s6 =	simm.s32 @!p1 $0x1082;
	[sflag:s4] =	ssyncset.s32 $0xFFFFF086  }
0x25: {  	[simem:s6], [sflag:s4] =	dma.local [hbm:s3], $0xF7A  }
0x26: {  	[smem:$0x3F97] =	sst s1;
	(tag) =	ssettag s2;
	_ =	strace s9  }
0x27: {  	s1 =	sld [smem:$0x3FA7]  }
0x28: {  	s2 =	sld [smem:$0x3FA8]  }
0x29: {  	s4 =	sld [smem:$0x3FAA]  }
0x2a: {  	p0 =	seq.s32 s5, $0x0;
	s5 =	sld [smem:$0x3FAB]  }
0x2b: {  	s6 =	sld [smem:$0x3FAC]  }
0x2c: {  	s7 =	sld [smem:$0x3FAD]  }
0x2d: {  	s3 =	simm.s32 $0x108;
	s8 =	sld [smem:$0x3FAE]  }
0x2e: {  	s3 =	simm.s32 @!p0 $0x1082;
	s9 =	sld [smem:$0x3FAF]  }
0x2f: {  	lr =	sadd.s32 s0, s3;
	s0 =	sld [smem:$0x3FA6]  }
0x30: {  	s3 =	sld [smem:$0x3FA9]  }
0x31: {  	[smem:$0x3FB2] =	sst s10  }
0x32: {  	s10 =	sld [smem:$0x3FB0];
	_ =	sdelay $0x3  }
0x33: {  	p0 =	seq.s32 s10, $0x1;
	s10 =	sld [smem:$0x3FB2];
	_ =	sdelay $0x3  }
0x34: {  	[smem:$0x3FB2] =	sst s10  }
0x35: {  	s10 =	sld [smem:$0x3FB1];
	_ =	sdelay $0x3  }
0x36: {  	p1 =	seq.s32 s10, $0x1;
	s10 =	sld [smem:$0x3FB2];
	_ =	sdelay $0x3  }
0x37: {  	[smem:$0x3FB2] =	sst s10  }
0x38: {  	s10 =	sld [smem:$0x3FB3]  }
0x39: {  	_ = 	snop;
	(pc) =	sbr.ind lr, $3  }
0x3a: {  	_ = 	snop  }
0x3b: {  	_ = 	snop  }
0x3c: {  	p2 =	seq.s32 s10, $0x1;
	s10 =	sld [smem:$0x3FB2]  }
0x3d: {  	_ =	shalt  }
0x3e: {  	_ =	shalt  }
0x3f: {  	_ =	shalt  }
0x40: {  	_ =	shalt  }
0x41: {  	_ =	shalt  }
0x42: {  	_ =	shalt  }
0x43: {  	_ =	shalt  }
0x44: {  	_ =	shalt  }
0x45: {  	_ =	shalt  }
0x46: {  	_ =	shalt  }
0x47: {  	_ =	shalt  }
0x48: {  	_ =	shalt  }
0x49: {  	_ =	shalt  }
0x4a: {  	_ =	shalt  }
0x4b: {  	_ =	shalt  }
0x4c: {  	_ =	shalt  }
0x4d: {  	_ =	shalt  }
0x4e: {  	_ =	shalt  }
0x4f: {  	_ =	shalt  }
0x50: {  	_ =	shalt  }
0x51: {  	_ =	shalt  }
0x52: {  	_ =	shalt  }
0x53: {  	_ =	shalt  }
0x54: {  	_ =	shalt  }
0x55: {  	_ =	shalt  }
0x56: {  	_ =	shalt  }
0x57: {  	_ =	shalt  }
0x58: {  	_ =	shalt  }
0x59: {  	_ =	shalt  }
0x5a: {  	_ =	shalt  }
0x5b: {  	_ =	shalt  }
0x5c: {  	_ =	shalt  }
0x5d: {  	_ =	shalt  }
0x5e: {  	_ =	shalt  }
0x5f: {  	_ =	shalt  }
0x60: {  	_ =	shalt  }
0x61: {  	_ =	shalt  }
0x62: {  	_ =	shalt  }
0x63: {  	_ =	shalt  }
0x64: {  	_ =	shalt  }
0x65: {  	_ =	shalt  }
0x66: {  	_ =	shalt  }
0x67: {  	_ =	shalt  }
0x68: {  	_ =	shalt  }
0x69: {  	_ =	shalt  }
0x6a: {  	_ =	shalt  }
0x6b: {  	_ =	shalt  }
0x6c: {  	_ =	shalt  }
0x6d: {  	_ =	shalt  }
0x6e: {  	_ =	shalt  }
0x6f: {  	_ =	shalt  }
0x70: {  	_ =	shalt  }
0x71: {  	_ =	shalt  }
0x72: {  	_ =	shalt  }
0x73: {  	_ =	shalt  }
0x74: {  	_ =	shalt  }
0x75: {  	_ =	shalt  }
0x76: {  	_ =	shalt  }
0x77: {  	_ =	shalt  }
0x78: {  	_ =	shalt  }
0x79: {  	_ =	shalt  }
0x7a: {  	_ =	shalt  }
0x7b: {  	_ =	shalt  }
0x7c: {  	_ =	shalt  }
0x7d: {  	_ =	shalt  }
0x7e: {  	_ =	shalt  }
0x7f: {  	_ =	shalt  }
0x80: {  	_ =	shalt  }
0x81: {  	_ =	shalt  }
0x82: {  	_ =	shalt  }
0x83: {  	_ =	shalt  }
0x84: {  	_ =	shalt  }
0x85: {  	_ =	shalt  }
0x86: {  	_ =	shalt  }
0x87: {  	_ =	shalt  }
.Lfunc_end0:
.L_simem_size_0:
called_computation_lowered:
.L_overlay_start_0:
0x88: {  	s2 =	sld [smem:$0x3FD9]  }
0x89: {  	s3 =	sld [smem:$0x3FFE];
	_ =	sdelay $0x1  }
0x8a: {  	s1 =	srdreg.scid  }
0x8b: {  	s0 =	sand.u32 $0x1, s1  }
0x8c: {  	s17 =	sshll.u32 s0, $0xA;
	s2 =	sadd.s32 s3, s2  }
0x8d: {  	s2 =	sadd.s32 s2, s17  }
0x8e: {  	[smem:$0x3FBE] =	sst s2  }
0x8f: {  	_ = 	snop  }
0x90: {  	s2 =	sld [smem:$0x3FD0];
	(tm) =	ssettm $0x1  }
0x91: {  	s18 =	sld [smem:$0x3FFB];
	_ =	sdelay $0x3  }
0x92: {  	_ =	strace s18  }
0x93: {  	s3 =	sld [smem:$0x3FFC];
	_ =	sdelay $0x3  }
0x94: {  	_ =	strace s3  }
0x95: {  	s3 =	sld [smem:$0x3FFD];
	_ =	sdelay $0x3  }
0x96: {  	_ =	strace s3  }
0x97: {  	_ =	strace $0x8FFFFFFF  }
0x98: {  	s19 =	sld [smem:$0x3FDB];
	_ =	sdelay $0x1  }
0x99: {  	s4 =	simm.s32 $_scs_section_size  }
0x9a: {  	s5 =	simm.s32 $_size__tile_overlayer_lowered;
	s6 =	simm.s32 $_tile_overlayer_lowered  }
0x9b: {  	s22 =	simm.s32 $0x1BFF;
	s21 =	sshll.u32 s6, $0x1;
	s3 =	sadd.s32 s4, s19  }
0x9c: {  	s7 =	simm.s32 $0x0;
	s20 =	sshll.u32 s5, $0x1;
	s5 =	sadd.s32 s21, s3  }
0x9d: {  	[timem:s7], [sflag:s22] =	dma.local [hbm:s5], s20  }
0x9e: {  	_ =	swait.ge [sflag:s22], s20  }
0x9f: {  	s4 =	ssub.s32 $0x0, s20;
	[sflag:s22] =	ssyncset.done $0x0  }
0xa0: {  	[sflag:s22] =	ssyncadd.s32 s4;
	_ =	sdelay $0x1  }
0xa1: {  	s23 =	simm.s32 $0x1B8B  }
0xa2: {  	_ =	swait.ge [sflag:s23], $0x1  }
0xa3: {  	[sflag:s23] =	ssyncset.done $0x0  }
0xa4: {  	s25 =	simm.s32 $0x1B8E;
	s24 =	sld [smem:$0x3FFE];
	[sflag:s23] =	ssyncadd.s32 $0xFFFFFFFF  }
0xa5: {  	s26 =	simm.s32 $execute0_lowered;
	[smem:$0x3FD2] =	sst s25  }
0xa6: {  	s5 =	sshll.u32 s26, $0x1;
	_ =	strace $0x80000046;
	[dreg:$0x1] =	wrdreg $0xFFFFFFFF  }
0xa7: {  	s28 =	simm.s32 $_size_execute0_lowered;
	s3 =	sadd.s32 s3, s5;
	[dreg:$0x0] =	wrdreg $0x0  }
0xa8: {  	s5 =	sshll.u32 s28, $0x1;
	[dreg:$0x2] =	wrdreg s3  }
0xa9: {  	[dreg:$0x3] =	wrdreg s5  }
0xaa: {  	[dreg:$0x4] =	wrdreg $0xC0  }
0xab: {  	_ =	task [dreg:s7], $0x5FFFF  }
0xac: {  	[dreg:$0x1] =	wrdreg $0xFFFFFFFF  }
0xad: {  	[dreg:$0x0] =	wrdreg $0x60  }
0xae: {  	[dreg:$0x2] =	wrdreg s2  }
0xaf: {  	[dreg:$0x3] =	wrdreg s24  }
0xb0: {  	[dreg:$0x4] =	wrdreg $0xA3000  }
0xb1: {  	[dreg:$0x5] =	wrdreg $0x9  }
0xb2: {  	_ =	task.clear_ibuf [dreg:s7], $0x6FFFF;
	_ =	strace $0x90000046  }
0xb3: {  	s29 =	simm.s32 $0x9;
	_ =	strace $0x80000048  }
0xb4: {  	_ =	swait.ge [sflag:s29], $0x1  }
0xb5: {  	[sflag:s29] =	ssyncadd.s32 $0xFFFFFFFF  }
0xb6: {  	_ =	strace $0x90000048  }
0xb7: {  	_ =	sfence  }
0xb8: {  	s30 =	sld [smem:$0x0];
	_ =	sdelay $0x2  }
0xb9: {  	s31 =	sshll.u32 s1, $0xD;
	s1 =	sshrl.u32 s1, $0x2  }
0xba: {  	s3 =	sand.u32 $0x4000, s31;
	s1 =	sadd.s32 s1, s30  }
0xbb: {  	s0 =	sor.u32 s3, s0;
	s1 =	sshll.u32 s1, $0x11  }
0xbc: {  	s0 =	sor.u32 s1, s0  }
0xbd: {  	s0 =	sadd.s32 $0x8F2B, s0  }
0xbe: {  	[sflag:s0] =	ssyncadd.remote.s32 $0x1  }
0xbf: {  	_ =	sfence.sel $0xFFFF  }
0xc0: {  	[dreg:$0x0] =	wrdreg $0xFFFFFFFF;
	(pc) =	sbr.abs _section_cstart, $3  }
0xc1: {  	[dreg:$0x1] =	wrdreg $0xFFFFFFFF  }
0xc2: {  	_ =	task.clear_ibuf [dreg:s7], $0x2FFFF;
	_ =	strace $0x9FFFFFFF  }
0xc3: {  	(tm) =	ssettm $0x7FFFFFFF  }
tec
execute0_lowered:
.L_overlay_start_1:
0x0: {  	(tag) =	ssettag $0x1  }
0x1: {  	s1 =	rddreg [dreg:$0x0]  }
0x2: {  	s3 =	rddreg [dreg:$0x1]  }
0x3: {  	s2 =	rddreg [dreg:$0x2];
	s4 =	simm.s32 $0x0  }
0x4: {  	s0 =	srdreg.scid;
	s20 =	stileid.u32;
	s28 =	simm.s32 $0x1  }
0x5: {  	s30 =	simm.s32 $0x4;
	s31 =	simm.s32 $0x2B00;
	s7 =	smul.u32 $0x50000, s20  }
0x6: {  	[smem:$0x7FF] =	sst s4;
	s5 =	sadd.s32 $0x15A00, s3;
	s9 =	smul.u32 $0x14000, s20  }
0x7: {  	s6 =	sand.u32 $0x1, s0;
	s10 =	sadd.s32 $0x4F7A00, s3;
	_ =	strace $0x80000047  }
0x8: {  	s0 =	ssub.s32 $0x2, s6;
	s23 =	smul.u32 $0x140000, s6;
	s6 =	sshll.u32 s6, $0x4  }
0x9: {  	s8 =	sshrl.u32 s0, $0x1;
	s11 =	sor.u32 $0x2800, s9;
	s12 =	sadd.s32 $0x5000, s9  }
0xa: {  	s13 =	sadd.s32 $0x7800, s9;
	s16 =	sadd.s32 $0xA000, s9;
	s17 =	sadd.s32 $0xC800, s9  }
0xb: {  	s18 =	sadd.s32 $0xF000, s9;
	s0 =	ssub.s32 s0, s8;
	s14 =	sadd.s32 s9, s23  }
0xc: {  	s15 =	sadd.s32 s23, s11;
	s9 =	sadd.s32 $0x11800, s9;
	s25 =	sadd.s32 s23, s12  }
0xd: {  	s26 =	sadd.s32 s23, s13;
	s19 =	sadd.s32 s23, s16;
	s21 =	sadd.s32 s23, s17  }
0xe: {  	s22 =	sadd.s32 s23, s18;
	s17 =	sadd.s32 s17, s2;
	s14 =	sshrl.u32 s14, $0x3  }
0xf: {  	s24 =	sshrl.u32 s15, $0x3;
	s15 =	sshrl.u32 s26, $0x3;
	s19 =	sshrl.u32 s19, $0x3  }
0x10: {  	s8 =	sadd.s32 s23, s9;
	s26 =	sadd.s32 s13, s2;
	[dreg:$0x11] =	wrdreg s17  }
0x11: {  	s0 =	smax.u32 s0, $0x1;
	s14 =	sadd.s32 s10, s14;
	[dreg:$0xf] =	wrdreg s26  }
0x12: {  	s15 =	sadd.s32 s10, s15;
	s8 =	sshrl.u32 s8, $0x3;
	[dreg:$0x1c] =	wrdreg s0  }
0x13: {  	s0 =	simm.s32 $0x7B00;
	[dreg:$0x4] =	wrdreg s14;
	s14 =	sadd.s32 s10, s24  }
0x14: {  	[dreg:$0x7] =	wrdreg s15;
	s15 =	sshrl.u32 s22, $0x3;
	s8 =	sadd.s32 s10, s8  }
0x15: {  	s24 =	sor.u32 s20, s6;
	s22 =	sadd.s32 s11, s2;
	[dreg:$0x5] =	wrdreg s14  }
0x16: {  	s14 =	sshrl.u32 s25, $0x3;
	s23 =	sadd.s32 s10, s15;
	[dreg:$0xb] =	wrdreg s8  }
0x17: {  	s15 =	sadd.s32 $0xBC00, s3;
	s25 =	sshrl.u32 s7, $0x2;
	[dreg:$0xd] =	wrdreg s22  }
0x18: {  	s7 =	smul.u32 $0x2710, s24;
	s8 =	sadd.s32 s16, s2;
	[dreg:$0xa] =	wrdreg s23  }
0x19: {  	s14 =	sadd.s32 s10, s14;
	s23 =	sadd.s32 s12, s2;
	[dreg:$0x10] =	wrdreg s8  }
0x1a: {  	s12 =	sadd.s32 s9, s2;
	s9 =	simm.s32 $0x300;
	[dreg:$0x6] =	wrdreg s14  }
0x1b: {  	s8 =	simm.s32 $0x2;
	s14 =	sadd.s32 s10, s19;
	[dreg:$0x13] =	wrdreg s12  }
0x1c: {  	s11 =	sshrl.u32 s7, $0x3;
	s16 =	sadd.s32 $0x50, s7;
	[dreg:$0xe] =	wrdreg s23  }
0x1d: {  	s29 =	sadd.s32 $0xA0, s7;
	s12 =	simm.s32 $0x80;
	[dreg:$0x8] =	wrdreg s14  }
0x1e: {  	s14 =	sshrl.u32 s21, $0x3;
	s21 =	sadd.s32 s25, s2;
	s6 =	sadd.s32 s15, s11  }
0x1f: {  	s20 =	sshll.u32 s16, $0x4;
	s14 =	sadd.s32 s10, s14;
	[dreg:$0x15] =	wrdreg s6  }
0x20: {  	s10 =	sadd.s32 s18, s2;
	s18 =	sshrl.u32 s16, $0x3;
	[dreg:$0xc] =	wrdreg s21  }
0x21: {  	s16 =	simm.s32 $0x5;
	[dreg:$0x9] =	wrdreg s14;
	s14 =	sadd.s32 $0x1E00, s3  }
0x22: {  	[dreg:$0x12] =	wrdreg s10;
	s3 =	smul.u32 $0x27100, s24;
	s6 =	sadd.s32 s15, s18  }
0x23: {  	s24 =	sshrl.u32 s29, $0x3;
	s10 =	simm.s32 $0x7;
	s13 =	sadd.s32 s14, s11  }
0x24: {  	s19 =	sadd.s32 s14, s18;
	[dreg:$0x17] =	wrdreg s6;
	s25 =	sadd.s32 s14, s24  }
0x25: {  	s26 =	sadd.s32 s15, s24;
	s6 =	sadd.s32 $0xF0, s7;
	[dreg:$0x14] =	wrdreg s13  }
0x26: {  	s7 =	sadd.s32 $0x140, s7;
	s11 =	simm.s32 $0x100;
	[dreg:$0x16] =	wrdreg s19  }
0x27: {  	s24 =	simm.s32 $0x3;
	s18 =	simm.s32 $0x6;
	[dreg:$0x1a] =	wrdreg s25  }
0x28: {  	s3 =	sadd.s32 s5, s3;
	[dreg:$0x1b] =	wrdreg s26;
	s25 =	simm.s32 $0x50  }
0x29: {  	s26 =	simm.s32 $0x5300;
	[dreg:$0x18] =	wrdreg s3;
	s3 =	sadd.s32 s5, s20  }
0x2a: {  	v0 =	vimm.f32 $0.0e+00;
	s19 =	simm.s32 $0x0;
	[dreg:$0x19] =	wrdreg s3;
	s3 =	simm.s32 $0x200  }
.LBB2_1:
0x2b: {  	[dreg:$0x1d] =	wrdreg s19;
	s19 =	simm.s32 $0x0;
	s20 =	simm.s32 $0x200  }
.LBB2_2:
0x2c: {  	p0 =	sne.s32 s20, $0x9E00;
	[tilespmem:s19+$0x370] =	vst v0  }
0x2d: {  	[tilespmem:s19+$0x300] =	vst v0  }
0x2e: {  	[tilespmem:s19+$0x310] =	vst v0  }
.Ltmp0:
0x2f: {  	[tilespmem:s19+$0x320] =	vst v0;
	(pc) =	sbr.rel @p0 .LBB2_2-.Ltmp0, $4  }
0x30: {  	[tilespmem:s19+$0x330] =	vst v0  }
0x31: {  	[tilespmem:s19+$0x340] =	vst v0  }
0x32: {  	[tilespmem:s19+$0x350] =	vst v0  }
0x33: {  	[tilespmem:s19+$0x360] =	vst v0;
	s19 =	sshra.s32 s20, $0x2;
	s20 =	sadd.s32 $0x200, s20  }
0x34: {  	[tilespmem:s19+$0x370] =	vst v0  }
0x35: {  	[tilespmem:s19+$0x300] =	vst v0  }
0x36: {  	[tilespmem:s19+$0x310] =	vst v0  }
0x37: {  	[tilespmem:s19+$0x320] =	vst v0  }
0x38: {  	[tilespmem:s19+$0x330] =	vst v0  }
0x39: {  	[tilespmem:s19+$0x340] =	vst v0  }
0x3a: {  	[tilespmem:s19+$0x350] =	vst v0  }
0x3b: {  	[tilespmem:s19+$0x360] =	vst v0  }
0x3c: {  	[spmem:s21] =	stream.linear.scatter [tilespmem:s9], [sflag:$0x7], $0x2800, $0x38;
	[tilespmem:$0x1E300] =	vst v63  }
0x3d: {  	_ =	swait.ge [sflag:s10], $0x2800  }
0x3e: {  	[sflag:s10] =	ssyncset.done $0x0  }
0x3f: {  	[sflag:s10] =	ssyncadd.s32 $0xFFFFD800  }
0x40: {  	[spmem:s22] =	stream.linear.scatter [tilespmem:s9], [sflag:$0x7], $0x2800, $0x38;
	[tilespmem:$0x1E300] =	vst v63  }
0x41: {  	_ =	swait.ge [sflag:s10], $0x2800  }
0x42: {  	[sflag:s10] =	ssyncset.done $0x0  }
0x43: {  	[sflag:s10] =	ssyncadd.s32 $0xFFFFD800  }
0x44: {  	[spmem:s23] =	stream.linear.scatter [tilespmem:s9], [sflag:$0x7], $0x2800, $0x38;
	[tilespmem:$0x1E300] =	vst v63  }
0x45: {  	_ =	swait.ge [sflag:s10], $0x2800  }
0x46: {  	[sflag:s10] =	ssyncset.done $0x0  }
0x47: {  	s13 =	rddreg [dreg:$0xf];
	[sflag:s10] =	ssyncadd.s32 $0xFFFFD800  }
0x48: {  	[spmem:s13] =	stream.linear.scatter [tilespmem:s9], [sflag:$0x7], $0x2800, $0x38;
	[tilespmem:$0x1E300] =	vst v63  }
0x49: {  	_ =	swait.ge [sflag:s10], $0x2800  }
0x4a: {  	[sflag:s10] =	ssyncset.done $0x0  }
0x4b: {  	s19 =	rddreg [dreg:$0x10];
	[sflag:s10] =	ssyncadd.s32 $0xFFFFD800  }
0x4c: {  	[spmem:s19] =	stream.linear.scatter [tilespmem:s9], [sflag:$0x7], $0x2800, $0x38;
	[tilespmem:$0x1E300] =	vst v63  }
0x4d: {  	_ =	swait.ge [sflag:s10], $0x2800  }
0x4e: {  	[sflag:s10] =	ssyncset.done $0x0  }
0x4f: {  	[sflag:s10] =	ssyncadd.s32 $0xFFFFD800  }
0x50: {  	[spmem:s17] =	stream.linear.scatter [tilespmem:s9], [sflag:$0x7], $0x2800, $0x38;
	[tilespmem:$0x1E300] =	vst v63  }
0x51: {  	_ =	swait.ge [sflag:s10], $0x2800  }
0x52: {  	[sflag:s10] =	ssyncset.done $0x0  }
0x53: {  	s20 =	rddreg [dreg:$0x12];
	[sflag:s10] =	ssyncadd.s32 $0xFFFFD800  }
0x54: {  	[spmem:s20] =	stream.linear.scatter [tilespmem:s9], [sflag:$0x7], $0x2800, $0x38;
	[tilespmem:$0x1E300] =	vst v63  }
0x55: {  	_ =	swait.ge [sflag:s10], $0x2800  }
0x56: {  	[sflag:s10] =	ssyncset.done $0x0  }
0x57: {  	s21 =	rddreg [dreg:$0x13];
	[sflag:s10] =	ssyncadd.s32 $0xFFFFD800  }
0x58: {  	[spmem:s21] =	stream.linear.scatter [tilespmem:s9], [sflag:$0x7], $0x2800, $0x38;
	[tilespmem:$0x1E300] =	vst v63  }
0x59: {  	_ =	swait.ge [sflag:s10], $0x2800  }
0x5a: {  	[sflag:s10] =	ssyncset.done $0x0  }
0x5b: {  	[sflag:s10] =	ssyncadd.s32 $0xFFFFD800  }
0x5c: {  	[bflag:$0x0] =	sbarrier.arrive $0xFFFF  }
0x5d: {  	s19 =	simm.s32 $0x0;
	s22 =	rddreg [dreg:$0x14]  }
0x5e: {  	[tilespmem:s19], [sflag:$0x3] =	stream.linear.gather [hbm4b:s22+s19], $0x50, $0x38;
	[tilespmem:$0x1E300] =	vst v63  }
0x5f: {  	s23 =	rddreg [dreg:$0x15]  }
0x60: {  	[tilespmem:s11], [sflag:$0x3] =	stream.linear.gather [hbm4b:s23+s19], $0x50, $0x38;
	[tilespmem:$0x1E300] =	vst v63  }
0x61: {  	s17 =	rddreg [dreg:$0x16]  }
0x62: {  	[tilespmem:s12], [sflag:$0x4] =	stream.linear.gather [hbm4b:s17+s19], $0x50, $0x38;
	[tilespmem:$0x1E300] =	vst v63  }
0x63: {  	s21 =	simm.s32 $0x180;
	s20 =	rddreg [dreg:$0x17]  }
0x64: {  	[tilespmem:s21], [sflag:$0x4] =	stream.linear.gather [hbm4b:s20+s19], $0x50, $0x38;
	[tilespmem:$0x1E300] =	vst v63  }
0x65: {  	_ =	swait.ge [sflag:s24], $0x50  }
0x66: {  	[sflag:s24] =	ssyncset.done $0x0  }
0x67: {  	[sflag:s24] =	ssyncadd.s32 $0xFFFFFFB0  }
0x68: {  	_ =	swait.ge [sflag:s24], $0x50  }
0x69: {  	[sflag:s24] =	ssyncset.done $0x0  }
0x6a: {  	[sflag:s24] =	ssyncadd.s32 $0xFFFFFFB0  }
0x6b: {  	[tilespmem:s9], [sflag:$0x1] =	stream.indirect.gather [hbm4b:s1+s25], $0x80, s19, s25, $0xb8;
	[tilespmem:$0x1E300] =	vst v63  }
0x6c: {  	s22 =	rddreg [dreg:$0x18]  }
0x6d: {  	[tilespmem:s26], [sflag:$0x1] =	stream.linear.gather [hbm4b:s22+s19], $0x2800, $0x38;
	[tilespmem:$0x1E300] =	vst v63  }
0x6e: {  	_ =	swait.ge [sflag:s28], $0x2800  }
0x6f: {  	[sflag:s28] =	ssyncset.done $0x0  }
0x70: {  	[sflag:s28] =	ssyncadd.s32 $0xFFFFD800  }
0x71: {  	_ =	swait.ge [sflag:s28], $0x2800  }
0x72: {  	[sflag:s28] =	ssyncset.done $0x0  }
0x73: {  	[sflag:s28] =	ssyncadd.s32 $0xFFFFD800  }
0x74: {  	_ =	swait.ge [sflag:s30], $0x50  }
0x75: {  	[sflag:s30] =	ssyncset.done $0x0  }
0x76: {  	[sflag:s30] =	ssyncadd.s32 $0xFFFFFFB0  }
0x77: {  	_ =	swait.ge [sflag:s30], $0x50  }
0x78: {  	[sflag:s30] =	ssyncset.done $0x0  }
0x79: {  	[sflag:s30] =	ssyncadd.s32 $0xFFFFFFB0  }
0x7a: {  	[tilespmem:s31], [sflag:$0x2] =	stream.indirect.gather [hbm4b:s1+s25], $0x80, s12, s25, $0xb8;
	[tilespmem:$0x1E300] =	vst v63  }
0x7b: {  	s20 =	simm.s32 $0x0;
	s23 =	rddreg [dreg:$0x19]  }
0x7c: {  	[tilespmem:s0], [sflag:$0x2] =	stream.linear.gather [hbm4b:s23+s19], $0x2800, $0x38;
	[tilespmem:$0x1E300] =	vst v63  }
0x7d: {  	v8 =	vld [tilespmem:s20+$0x5300]  }
0x7e: {  	v12 =	vld [tilespmem:s20+$0x5310]  }
0x7f: {  	v6 =	vld [tilespmem:s20+$0x5320]  }
0x80: {  	v5 =	vld [tilespmem:s20+$0x5330]  }
0x81: {  	v4 =	vld [tilespmem:s20+$0x5340]  }
0x82: {  	v3 =	vld [tilespmem:s20+$0x5350]  }
0x83: {  	v2 =	vld [tilespmem:s20+$0x5360]  }
0x84: {  	v1 =	vld [tilespmem:s20+$0x5370]  }
0x85: {  	v13 =	vld [tilespmem:s20+$0x300]  }
0x86: {  	v14 =	vld [tilespmem:s20+$0x310]  }
0x87: {  	v11 =	vld [tilespmem:s20+$0x320]  }
0x88: {  	v10 =	vld [tilespmem:s20+$0x330]  }
0x89: {  	v9 =	vld [tilespmem:s20+$0x340]  }
0x8a: {  	v7 =	vld [tilespmem:s20+$0x350];
	v13 =	vmul.f32 v8, v13  }
0x8b: {  	s21 =	simm.s32 $0x200;
	v12 =	vmul.f32 v12, v14;
	v8 =	vld [tilespmem:s20+$0x360]  }
.LBB2_4:
0x8c: {  	s19 =	sshra.s32 s21, $0x2;
	p0 =	sne.s32 s21, $0x9E00;
	[tilespmem:s20+$0x300] =	vst v13;
	v6 =	vmul.f32 v6, v11;
	v11 =	vld [tilespmem:s20+$0x370]  }
0x8d: {  	v13 =	vld [tilespmem:s19+$0x5300];
	[tilespmem:s20+$0x310] =	vst v12;
	v5 =	vmul.f32 v5, v10  }
0x8e: {  	v12 =	vld [tilespmem:s19+$0x5310];
	[tilespmem:s20+$0x320] =	vst v6;
	v4 =	vmul.f32 v4, v9  }
0x8f: {  	v6 =	vld [tilespmem:s19+$0x5320];
	[tilespmem:s20+$0x330] =	vst v5;
	v3 =	vmul.f32 v3, v7  }
0x90: {  	v5 =	vld [tilespmem:s19+$0x5330];
	[tilespmem:s20+$0x340] =	vst v4;
	v2 =	vmul.f32 v2, v8  }
0x91: {  	v4 =	vld [tilespmem:s19+$0x5340];
	[tilespmem:s20+$0x350] =	vst v3;
	v1 =	vmul.f32 v1, v11  }
0x92: {  	v3 =	vld [tilespmem:s19+$0x5350];
	[tilespmem:s20+$0x360] =	vst v2  }
0x93: {  	v2 =	vld [tilespmem:s19+$0x5360];
	[tilespmem:s20+$0x370] =	vst v1;
	s20 =	smov.u32 s19  }
0x94: {  	v1 =	vld [tilespmem:s20+$0x5370]  }
0x95: {  	v7 =	vld [tilespmem:s20+$0x300]  }
0x96: {  	v8 =	vld [tilespmem:s20+$0x310]  }
.Ltmp1:
0x97: {  	v11 =	vld [tilespmem:s20+$0x320];
	(pc) =	sbr.rel @p0 .LBB2_4-.Ltmp1, $4  }
0x98: {  	v10 =	vld [tilespmem:s20+$0x330]  }
0x99: {  	v9 =	vld [tilespmem:s20+$0x340]  }
0x9a: {  	v13 =	vmul.f32 v13, v7;
	v7 =	vld [tilespmem:s20+$0x350]  }
0x9b: {  	s21 =	sadd.s32 $0x200, s21;
	v12 =	vmul.f32 v12, v8;
	v8 =	vld [tilespmem:s20+$0x360]  }
0x9c: {  	[tilespmem:s20+$0x300] =	vst v13;
	v6 =	vmul.f32 v6, v11;
	v63 =	vld [tilespmem:s20+$0x370]  }
0x9d: {  	[tilespmem:s20+$0x310] =	vst v12;
	v5 =	vmul.f32 v5, v10  }
0x9e: {  	[tilespmem:s20+$0x320] =	vst v6;
	v4 =	vmul.f32 v4, v9  }
0x9f: {  	[tilespmem:s20+$0x330] =	vst v5;
	v3 =	vmul.f32 v3, v7  }
0xa0: {  	[tilespmem:s20+$0x340] =	vst v4;
	v2 =	vmul.f32 v2, v8  }
0xa1: {  	[tilespmem:s20+$0x350] =	vst v3;
	v1 =	vmul.f32 v1, v63  }
0xa2: {  	[tilespmem:s20+$0x360] =	vst v2  }
0xa3: {  	[tilespmem:s20+$0x370] =	vst v1  }
0xa4: {  	v1 =	vld [tilespmem:$0x100]  }
0xa5: {  	v2 =	vld [tilespmem:$0x110]  }
0xa6: {  	v3 =	vld [tilespmem:$0x120]  }
0xa7: {  	v4 =	vld [tilespmem:$0x130]  }
0xa8: {  	v5 =	vld [tilespmem:$0x140]  }
0xa9: {  	[tilespmem:$0x200] =	vst v1  }
0xaa: {  	[tilespmem:$0x210] =	vst v2  }
0xab: {  	[tilespmem:$0x220] =	vst v3  }
0xac: {  	[tilespmem:$0x230] =	vst v4  }
0xad: {  	[tilespmem:$0x240] =	vst v5  }
0xae: {  	[spmem:s2] =	stream.indirect.scatter.add.f32 [tilespmem:s9], [sflag:$0x5], $0x80, s3, s25, $0xb8;
	[tilespmem:$0x1E300] =	vst v63  }
0xaf: {  	s13 =	rddreg [dreg:$0x1a];
	s20 =	simm.s32 $0x0  }
0xb0: {  	[tilespmem:s20], [sflag:$0x3] =	stream.linear.gather [hbm4b:s13+s20], $0x50, $0x38;
	[tilespmem:$0x1E300] =	vst v63  }
0xb1: {  	s23 =	rddreg [dreg:$0x1b];
	s21 =	simm.s32 $0x0  }
0xb2: {  	[tilespmem:s11], [sflag:$0x3] =	stream.linear.gather [hbm4b:s23+s20], $0x50, $0x38;
	[tilespmem:$0x1E300] =	vst v63  }
.LBB2_6:
0xb3: {  	_ =	swait.ge [sflag:s8], $0x2800  }
0xb4: {  	[sflag:s8] =	ssyncset.done $0x0  }
0xb5: {  	[sflag:s8] =	ssyncadd.s32 $0xFFFFD800  }
0xb6: {  	_ =	swait.ge [sflag:s8], $0x2800  }
0xb7: {  	[sflag:s8] =	ssyncset.done $0x0  }
0xb8: {  	[sflag:s8] =	ssyncadd.s32 $0xFFFFD800  }
0xb9: {  	_ =	swait.ge [sflag:s16], $0x2800  }
0xba: {  	[sflag:s16] =	ssyncset.done $0x0  }
0xbb: {  	[sflag:s16] =	ssyncadd.s32 $0xFFFFD800  }
0xbc: {  	_ =	swait.ge [sflag:s24], $0x50  }
0xbd: {  	[sflag:s24] =	ssyncset.done $0x0  }
0xbe: {  	s19 =	smul.u32 $0xA0, s21;
	[sflag:s24] =	ssyncadd.s32 $0xFFFFFFB0  }
0xbf: {  	_ =	swait.ge [sflag:s24], $0x50  }
0xc0: {  	s19 =	sadd.s32 s19, s29;
	[sflag:s24] =	ssyncset.done $0x0  }
0xc1: {  	s19 =	sshll.u32 s19, $0x4;
	[sflag:s24] =	ssyncadd.s32 $0xFFFFFFB0  }
0xc2: {  	[tilespmem:s9], [sflag:$0x1] =	stream.indirect.gather [hbm4b:s1+s25], $0x80, s20, s25, $0xb8;
	[tilespmem:$0x1E300] =	vst v63  }
0xc3: {  	s22 =	simm.s32 $0x0;
	s19 =	sadd.s32 s5, s19  }
0xc4: {  	[tilespmem:s26], [sflag:$0x1] =	stream.linear.gather [hbm4b:s19+s20], $0x2800, $0x38;
	[tilespmem:$0x1E300] =	vst v63  }
0xc5: {  	v8 =	vld [tilespmem:s22+$0x7B00]  }
0xc6: {  	v12 =	vld [tilespmem:s22+$0x7B10]  }
0xc7: {  	v6 =	vld [tilespmem:s22+$0x7B20]  }
0xc8: {  	v5 =	vld [tilespmem:s22+$0x7B30]  }
0xc9: {  	v4 =	vld [tilespmem:s22+$0x7B40]  }
0xca: {  	v3 =	vld [tilespmem:s22+$0x7B50]  }
0xcb: {  	v2 =	vld [tilespmem:s22+$0x7B60]  }
0xcc: {  	v1 =	vld [tilespmem:s22+$0x7B70]  }
0xcd: {  	v13 =	vld [tilespmem:s22+$0x2B00]  }
0xce: {  	v14 =	vld [tilespmem:s22+$0x2B10]  }
0xcf: {  	v11 =	vld [tilespmem:s22+$0x2B20]  }
0xd0: {  	v10 =	vld [tilespmem:s22+$0x2B30]  }
0xd1: {  	v9 =	vld [tilespmem:s22+$0x2B40]  }
0xd2: {  	v7 =	vld [tilespmem:s22+$0x2B50];
	v13 =	vmul.f32 v8, v13  }
0xd3: {  	s23 =	simm.s32 $0x200;
	v12 =	vmul.f32 v12, v14;
	v8 =	vld [tilespmem:s22+$0x2B60]  }
.LBB2_7:
0xd4: {  	s19 =	sshra.s32 s23, $0x2;
	p0 =	sne.s32 s23, $0x9E00;
	[tilespmem:s22+$0x2B00] =	vst v13;
	v6 =	vmul.f32 v6, v11;
	v11 =	vld [tilespmem:s22+$0x2B70]  }
0xd5: {  	v13 =	vld [tilespmem:s19+$0x7B00];
	[tilespmem:s22+$0x2B10] =	vst v12;
	v5 =	vmul.f32 v5, v10  }
0xd6: {  	v12 =	vld [tilespmem:s19+$0x7B10];
	[tilespmem:s22+$0x2B20] =	vst v6;
	v4 =	vmul.f32 v4, v9  }
0xd7: {  	v6 =	vld [tilespmem:s19+$0x7B20];
	[tilespmem:s22+$0x2B30] =	vst v5;
	v3 =	vmul.f32 v3, v7  }
0xd8: {  	v5 =	vld [tilespmem:s19+$0x7B30];
	[tilespmem:s22+$0x2B40] =	vst v4;
	v2 =	vmul.f32 v2, v8  }
0xd9: {  	v4 =	vld [tilespmem:s19+$0x7B40];
	[tilespmem:s22+$0x2B50] =	vst v3;
	v1 =	vmul.f32 v1, v11  }
0xda: {  	v3 =	vld [tilespmem:s19+$0x7B50];
	[tilespmem:s22+$0x2B60] =	vst v2  }
0xdb: {  	v2 =	vld [tilespmem:s19+$0x7B60];
	[tilespmem:s22+$0x2B70] =	vst v1;
	s22 =	smov.u32 s19  }
0xdc: {  	v1 =	vld [tilespmem:s22+$0x7B70]  }
0xdd: {  	v7 =	vld [tilespmem:s22+$0x2B00]  }
0xde: {  	v8 =	vld [tilespmem:s22+$0x2B10]  }
.Ltmp2:
0xdf: {  	v11 =	vld [tilespmem:s22+$0x2B20];
	(pc) =	sbr.rel @p0 .LBB2_7-.Ltmp2, $4  }
0xe0: {  	v10 =	vld [tilespmem:s22+$0x2B30]  }
0xe1: {  	v9 =	vld [tilespmem:s22+$0x2B40]  }
0xe2: {  	v13 =	vmul.f32 v13, v7;
	v7 =	vld [tilespmem:s22+$0x2B50]  }
0xe3: {  	s23 =	sadd.s32 $0x200, s23;
	v12 =	vmul.f32 v12, v8;
	v8 =	vld [tilespmem:s22+$0x2B60]  }
0xe4: {  	[tilespmem:s22+$0x2B00] =	vst v13;
	v6 =	vmul.f32 v6, v11;
	v11 =	vld [tilespmem:s22+$0x2B70]  }
0xe5: {  	[tilespmem:s22+$0x2B10] =	vst v12;
	v5 =	vmul.f32 v5, v10  }
0xe6: {  	[tilespmem:s22+$0x2B20] =	vst v6;
	v4 =	vmul.f32 v4, v9  }
0xe7: {  	[tilespmem:s22+$0x2B30] =	vst v5;
	v3 =	vmul.f32 v3, v7  }
0xe8: {  	[tilespmem:s22+$0x2B40] =	vst v4;
	v2 =	vmul.f32 v2, v8  }
0xe9: {  	[tilespmem:s22+$0x2B50] =	vst v3;
	v1 =	vmul.f32 v1, v11  }
0xea: {  	[tilespmem:s22+$0x2B60] =	vst v2  }
0xeb: {  	[tilespmem:s22+$0x2B70] =	vst v1  }
0xec: {  	v1 =	vld [tilespmem:$0x180]  }
0xed: {  	v2 =	vld [tilespmem:$0x190]  }
0xee: {  	v3 =	vld [tilespmem:$0x1A0]  }
0xef: {  	v4 =	vld [tilespmem:$0x1B0]  }
0xf0: {  	s22 =	sshll.u32 s21, $0x1;
	v5 =	vld [tilespmem:$0x1C0]  }
0xf1: {  	s19 =	smin.u32 s22, $0x79;
	[tilespmem:$0x280] =	vst v1  }
0xf2: {  	s19 =	smul.u32 $0x50, s19;
	[tilespmem:$0x290] =	vst v2  }
0xf3: {  	[tilespmem:$0x2A0] =	vst v3  }
0xf4: {  	s19 =	sadd.s32 s19, s6;
	[tilespmem:$0x2B0] =	vst v4  }
0xf5: {  	s13 =	simm.s32 $0x280;
	s23 =	sshrl.u32 s19, $0x3;
	[tilespmem:$0x2C0] =	vst v5  }
0xf6: {  	[spmem:s2] =	stream.indirect.scatter.add.f32 [tilespmem:s31], [sflag:$0x6], $0x80, s13, s25, $0xb8;
	[tilespmem:$0x1E300] =	vst v63  }
0xf7: {  	s17 =	sadd.s32 s14, s23;
	s13 =	simm.s32 $0x0  }
0xf8: {  	[tilespmem:s12], [sflag:$0x4] =	stream.linear.gather [hbm4b:s17+s13], $0x50, $0x38;
	[tilespmem:$0x1E300] =	vst v63  }
0xf9: {  	s17 =	sadd.s32 s15, s23;
	s23 =	simm.s32 $0x180  }
0xfa: {  	[tilespmem:s23], [sflag:$0x4] =	stream.linear.gather [hbm4b:s17+s13], $0x50, $0x38;
	[tilespmem:$0x1E300] =	vst v63  }
0xfb: {  	_ =	swait.ge [sflag:s28], $0x2800  }
0xfc: {  	[sflag:s28] =	ssyncset.done $0x0  }
0xfd: {  	[sflag:s28] =	ssyncadd.s32 $0xFFFFD800  }
0xfe: {  	_ =	swait.ge [sflag:s28], $0x2800  }
0xff: {  	[sflag:s28] =	ssyncset.done $0x0  }
0x100: {  	[sflag:s28] =	ssyncadd.s32 $0xFFFFD800  }
0x101: {  	_ =	swait.ge [sflag:s18], $0x2800  }
0x102: {  	[sflag:s18] =	ssyncset.done $0x0  }
0x103: {  	[sflag:s18] =	ssyncadd.s32 $0xFFFFD800  }
0x104: {  	_ =	swait.ge [sflag:s30], $0x50  }
0x105: {  	[sflag:s30] =	ssyncset.done $0x0  }
0x106: {  	[sflag:s30] =	ssyncadd.s32 $0xFFFFFFB0  }
0x107: {  	_ =	swait.ge [sflag:s30], $0x50  }
0x108: {  	[sflag:s30] =	ssyncset.done $0x0  }
0x109: {  	s23 =	sshll.u32 s19, $0x4;
	[sflag:s30] =	ssyncadd.s32 $0xFFFFFFB0  }
0x10a: {  	[tilespmem:s31], [sflag:$0x2] =	stream.indirect.gather [hbm4b:s1+s25], $0x80, s12, s25, $0xb8;
	[tilespmem:$0x1E300] =	vst v63  }
0x10b: {  	s17 =	sadd.s32 s5, s23;
	s23 =	simm.s32 $0x0  }
0x10c: {  	[tilespmem:s0], [sflag:$0x2] =	stream.linear.gather [hbm4b:s17+s13], $0x2800, $0x38;
	[tilespmem:$0x1E300] =	vst v63  }
0x10d: {  	v8 =	vld [tilespmem:s23+$0x5300]  }
0x10e: {  	v12 =	vld [tilespmem:s23+$0x5310]  }
0x10f: {  	v6 =	vld [tilespmem:s23+$0x5320]  }
0x110: {  	v5 =	vld [tilespmem:s23+$0x5330]  }
0x111: {  	v4 =	vld [tilespmem:s23+$0x5340]  }
0x112: {  	v3 =	vld [tilespmem:s23+$0x5350]  }
0x113: {  	v2 =	vld [tilespmem:s23+$0x5360]  }
0x114: {  	v1 =	vld [tilespmem:s23+$0x5370]  }
0x115: {  	v13 =	vld [tilespmem:s23+$0x300]  }
0x116: {  	v14 =	vld [tilespmem:s23+$0x310]  }
0x117: {  	v11 =	vld [tilespmem:s23+$0x320]  }
0x118: {  	v10 =	vld [tilespmem:s23+$0x330]  }
0x119: {  	v9 =	vld [tilespmem:s23+$0x340]  }
0x11a: {  	v7 =	vld [tilespmem:s23+$0x350];
	v13 =	vmul.f32 v8, v13  }
0x11b: {  	s19 =	simm.s32 $0x200;
	v12 =	vmul.f32 v12, v14;
	v8 =	vld [tilespmem:s23+$0x360]  }
.LBB2_9:
0x11c: {  	s13 =	sshra.s32 s19, $0x2;
	p0 =	sne.s32 s19, $0x9E00;
	[tilespmem:s23+$0x300] =	vst v13;
	v6 =	vmul.f32 v6, v11;
	v11 =	vld [tilespmem:s23+$0x370]  }
0x11d: {  	v13 =	vld [tilespmem:s13+$0x5300];
	[tilespmem:s23+$0x310] =	vst v12;
	v5 =	vmul.f32 v5, v10  }
0x11e: {  	v12 =	vld [tilespmem:s13+$0x5310];
	[tilespmem:s23+$0x320] =	vst v6;
	v4 =	vmul.f32 v4, v9  }
0x11f: {  	v6 =	vld [tilespmem:s13+$0x5320];
	[tilespmem:s23+$0x330] =	vst v5;
	v3 =	vmul.f32 v3, v7  }
0x120: {  	v5 =	vld [tilespmem:s13+$0x5330];
	[tilespmem:s23+$0x340] =	vst v4;
	v2 =	vmul.f32 v2, v8  }
0x121: {  	v4 =	vld [tilespmem:s13+$0x5340];
	[tilespmem:s23+$0x350] =	vst v3;
	v1 =	vmul.f32 v1, v11  }
0x122: {  	v3 =	vld [tilespmem:s13+$0x5350];
	[tilespmem:s23+$0x360] =	vst v2  }
0x123: {  	v2 =	vld [tilespmem:s13+$0x5360];
	[tilespmem:s23+$0x370] =	vst v1;
	s23 =	smov.u32 s13  }
0x124: {  	v1 =	vld [tilespmem:s23+$0x5370]  }
0x125: {  	v7 =	vld [tilespmem:s23+$0x300]  }
0x126: {  	v8 =	vld [tilespmem:s23+$0x310]  }
.Ltmp3:
0x127: {  	v11 =	vld [tilespmem:s23+$0x320];
	(pc) =	sbr.rel @p0 .LBB2_9-.Ltmp3, $4  }
0x128: {  	v10 =	vld [tilespmem:s23+$0x330]  }
0x129: {  	v9 =	vld [tilespmem:s23+$0x340]  }
0x12a: {  	v13 =	vmul.f32 v13, v7;
	v7 =	vld [tilespmem:s23+$0x350]  }
0x12b: {  	s19 =	sadd.s32 $0x200, s19;
	v12 =	vmul.f32 v12, v8;
	v8 =	vld [tilespmem:s23+$0x360]  }
0x12c: {  	[tilespmem:s23+$0x300] =	vst v13;
	v6 =	vmul.f32 v6, v11;
	v63 =	vld [tilespmem:s23+$0x370]  }
0x12d: {  	[tilespmem:s23+$0x310] =	vst v12;
	v5 =	vmul.f32 v5, v10  }
0x12e: {  	[tilespmem:s23+$0x320] =	vst v6;
	v4 =	vmul.f32 v4, v9  }
0x12f: {  	[tilespmem:s23+$0x330] =	vst v5;
	v3 =	vmul.f32 v3, v7  }
0x130: {  	[tilespmem:s23+$0x340] =	vst v4;
	v2 =	vmul.f32 v2, v8  }
0x131: {  	[tilespmem:s23+$0x350] =	vst v3;
	v1 =	vmul.f32 v1, v63  }
0x132: {  	[tilespmem:s23+$0x360] =	vst v2  }
0x133: {  	[tilespmem:s23+$0x370] =	vst v1  }
0x134: {  	v1 =	vld [tilespmem:$0x100]  }
0x135: {  	v2 =	vld [tilespmem:$0x110]  }
0x136: {  	v3 =	vld [tilespmem:$0x120]  }
0x137: {  	v4 =	vld [tilespmem:$0x130]  }
0x138: {  	v5 =	vld [tilespmem:$0x140]  }
0x139: {  	[tilespmem:$0x200] =	vst v1  }
0x13a: {  	s13 =	smin.u32 s22, $0x78;
	[tilespmem:$0x210] =	vst v2  }
0x13b: {  	s13 =	smul.u32 $0x50, s13;
	[tilespmem:$0x220] =	vst v3  }
0x13c: {  	s21 =	sadd.s32 $0x1, s21;
	[tilespmem:$0x230] =	vst v4  }
0x13d: {  	p0 =	sne.s32 s21, $0x3E;
	s13 =	sadd.s32 s13, s7;
	[tilespmem:$0x240] =	vst v5  }
0x13e: {  	[spmem:s2] =	stream.indirect.scatter.add.f32 [tilespmem:s9], [sflag:$0x5], $0x80, s3, s25, $0xb8;
	[tilespmem:$0x1E300] =	vst v63  }
.Ltmp4:
0x13f: {  	s13 =	sshrl.u32 s13, $0x3;
	(pc) =	sbr.rel @p0 .LBB2_6-.Ltmp4, $4  }
0x140: {  	s17 =	sadd.s32 s14, s13  }
0x141: {  	[tilespmem:s4], [sflag:$0x3] =	stream.linear.gather [hbm4b:s17+s4], $0x50, $0x38;
	[tilespmem:$0x1E300] =	vst v63  }
0x142: {  	s13 =	sadd.s32 s15, s13  }
0x143: {  	[tilespmem:s11], [sflag:$0x3] =	stream.linear.gather [hbm4b:s13+s4], $0x50, $0x38;
	[tilespmem:$0x1E300] =	vst v63  }
0x144: {  	_ =	swait.ge [sflag:s16], $0x2800  }
0x145: {  	[sflag:s16] =	ssyncset.done $0x0  }
0x146: {  	[sflag:s16] =	ssyncadd.s32 $0xFFFFD800  }
0x147: {  	_ =	swait.ge [sflag:s8], $0x2800  }
0x148: {  	[sflag:s8] =	ssyncset.done $0x0  }
0x149: {  	[sflag:s8] =	ssyncadd.s32 $0xFFFFD800  }
0x14a: {  	_ =	swait.ge [sflag:s8], $0x2800  }
0x14b: {  	[sflag:s8] =	ssyncset.done $0x0  }
0x14c: {  	[sflag:s8] =	ssyncadd.s32 $0xFFFFD800  }
0x14d: {  	_ =	swait.ge [sflag:s24], $0x50  }
0x14e: {  	[sflag:s24] =	ssyncset.done $0x0  }
0x14f: {  	[sflag:s24] =	ssyncadd.s32 $0xFFFFFFB0  }
0x150: {  	_ =	swait.ge [sflag:s24], $0x50  }
0x151: {  	[sflag:s24] =	ssyncset.done $0x0  }
0x152: {  	[sflag:s24] =	ssyncadd.s32 $0xFFFFFFB0  }
0x153: {  	[bflag:$0x0] =	sbarrier.arrive $0xFFFF  }
0x154: {  	s21 =	rddreg [dreg:$0xc]  }
0x155: {  	[tilespmem:s9], [sflag:$0x7] =	stream.linear.gather [spmem:s21], $0x2800, $0x38;
	[tilespmem:$0x1E300] =	vst v63  }
0x156: {  	_ =	swait.ge [sflag:s10], $0x2800  }
0x157: {  	[sflag:s10] =	ssyncset.done $0x0  }
0x158: {  	s13 =	rddreg [dreg:$0x4];
	[sflag:s10] =	ssyncadd.s32 $0xFFFFD800  }
0x159: {  	[hbm4b:s13+s4] =	stream.linear.scatter [tilespmem:s9], [sflag:$0x7], $0x2800, $0x38;
	[tilespmem:$0x1E300] =	vst v63  }
0x15a: {  	_ =	swait.ge [sflag:s10], $0x2800  }
0x15b: {  	[sflag:s10] =	ssyncset.done $0x0  }
0x15c: {  	s22 =	rddreg [dreg:$0xd];
	[sflag:s10] =	ssyncadd.s32 $0xFFFFD800  }
0x15d: {  	[tilespmem:s9], [sflag:$0x7] =	stream.linear.gather [spmem:s22], $0x2800, $0x38;
	[tilespmem:$0x1E300] =	vst v63  }
0x15e: {  	_ =	swait.ge [sflag:s10], $0x2800  }
0x15f: {  	[sflag:s10] =	ssyncset.done $0x0  }
0x160: {  	s19 =	rddreg [dreg:$0x5];
	[sflag:s10] =	ssyncadd.s32 $0xFFFFD800  }
0x161: {  	[hbm4b:s19+s4] =	stream.linear.scatter [tilespmem:s9], [sflag:$0x7], $0x2800, $0x38;
	[tilespmem:$0x1E300] =	vst v63  }
0x162: {  	_ =	swait.ge [sflag:s10], $0x2800  }
0x163: {  	[sflag:s10] =	ssyncset.done $0x0  }
0x164: {  	s23 =	rddreg [dreg:$0xe];
	[sflag:s10] =	ssyncadd.s32 $0xFFFFD800  }
0x165: {  	[tilespmem:s9], [sflag:$0x7] =	stream.linear.gather [spmem:s23], $0x2800, $0x38;
	[tilespmem:$0x1E300] =	vst v63  }
0x166: {  	_ =	swait.ge [sflag:s10], $0x2800  }
0x167: {  	[sflag:s10] =	ssyncset.done $0x0  }
0x168: {  	s20 =	rddreg [dreg:$0x6];
	[sflag:s10] =	ssyncadd.s32 $0xFFFFD800  }
0x169: {  	[hbm4b:s20+s4] =	stream.linear.scatter [tilespmem:s9], [sflag:$0x7], $0x2800, $0x38;
	[tilespmem:$0x1E300] =	vst v63  }
0x16a: {  	_ =	swait.ge [sflag:s10], $0x2800  }
0x16b: {  	[sflag:s10] =	ssyncset.done $0x0  }
0x16c: {  	s17 =	rddreg [dreg:$0xf];
	[sflag:s10] =	ssyncadd.s32 $0xFFFFD800  }
0x16d: {  	[tilespmem:s9], [sflag:$0x7] =	stream.linear.gather [spmem:s17], $0x2800, $0x38;
	[tilespmem:$0x1E300] =	vst v63  }
0x16e: {  	_ =	swait.ge [sflag:s10], $0x2800  }
0x16f: {  	[sflag:s10] =	ssyncset.done $0x0  }
0x170: {  	s19 =	rddreg [dreg:$0x7];
	[sflag:s10] =	ssyncadd.s32 $0xFFFFD800  }
0x171: {  	[hbm4b:s19+s4] =	stream.linear.scatter [tilespmem:s9], [sflag:$0x7], $0x2800, $0x38;
	[tilespmem:$0x1E300] =	vst v63  }
0x172: {  	_ =	swait.ge [sflag:s10], $0x2800  }
0x173: {  	[sflag:s10] =	ssyncset.done $0x0  }
0x174: {  	s20 =	rddreg [dreg:$0x10];
	[sflag:s10] =	ssyncadd.s32 $0xFFFFD800  }
0x175: {  	[tilespmem:s9], [sflag:$0x7] =	stream.linear.gather [spmem:s20], $0x2800, $0x38;
	[tilespmem:$0x1E300] =	vst v63  }
0x176: {  	_ =	swait.ge [sflag:s10], $0x2800  }
0x177: {  	[sflag:s10] =	ssyncset.done $0x0  }
0x178: {  	s17 =	rddreg [dreg:$0x8];
	[sflag:s10] =	ssyncadd.s32 $0xFFFFD800  }
0x179: {  	[hbm4b:s17+s4] =	stream.linear.scatter [tilespmem:s9], [sflag:$0x7], $0x2800, $0x38;
	[tilespmem:$0x1E300] =	vst v63  }
0x17a: {  	_ =	swait.ge [sflag:s10], $0x2800  }
0x17b: {  	[sflag:s10] =	ssyncset.done $0x0  }
0x17c: {  	s17 =	rddreg [dreg:$0x11];
	[sflag:s10] =	ssyncadd.s32 $0xFFFFD800  }
0x17d: {  	[tilespmem:s9], [sflag:$0x7] =	stream.linear.gather [spmem:s17], $0x2800, $0x38;
	[tilespmem:$0x1E300] =	vst v63  }
0x17e: {  	_ =	swait.ge [sflag:s10], $0x2800  }
0x17f: {  	[sflag:s10] =	ssyncset.done $0x0  }
0x180: {  	s19 =	rddreg [dreg:$0x9];
	[sflag:s10] =	ssyncadd.s32 $0xFFFFD800  }
0x181: {  	[hbm4b:s19+s4] =	stream.linear.scatter [tilespmem:s9], [sflag:$0x7], $0x2800, $0x38;
	[tilespmem:$0x1E300] =	vst v63  }
0x182: {  	_ =	swait.ge [sflag:s10], $0x2800  }
0x183: {  	[sflag:s10] =	ssyncset.done $0x0  }
0x184: {  	s20 =	rddreg [dreg:$0x12];
	[sflag:s10] =	ssyncadd.s32 $0xFFFFD800  }
0x185: {  	[tilespmem:s9], [sflag:$0x7] =	stream.linear.gather [spmem:s20], $0x2800, $0x38;
	[tilespmem:$0x1E300] =	vst v63  }
0x186: {  	_ =	swait.ge [sflag:s10], $0x2800  }
0x187: {  	[sflag:s10] =	ssyncset.done $0x0  }
0x188: {  	s19 =	rddreg [dreg:$0xa];
	[sflag:s10] =	ssyncadd.s32 $0xFFFFD800  }
0x189: {  	[hbm4b:s19+s4] =	stream.linear.scatter [tilespmem:s9], [sflag:$0x7], $0x2800, $0x38;
	[tilespmem:$0x1E300] =	vst v63  }
0x18a: {  	_ =	swait.ge [sflag:s10], $0x2800  }
0x18b: {  	[sflag:s10] =	ssyncset.done $0x0  }
0x18c: {  	s20 =	rddreg [dreg:$0x13];
	[sflag:s10] =	ssyncadd.s32 $0xFFFFD800  }
0x18d: {  	[tilespmem:s9], [sflag:$0x7] =	stream.linear.gather [spmem:s20], $0x2800, $0x38;
	[tilespmem:$0x1E300] =	vst v63  }
0x18e: {  	_ =	swait.ge [sflag:s10], $0x2800  }
0x18f: {  	[sflag:s10] =	ssyncset.done $0x0  }
0x190: {  	s19 =	rddreg [dreg:$0xb];
	[sflag:s10] =	ssyncadd.s32 $0xFFFFD800  }
0x191: {  	[hbm4b:s19+s4] =	stream.linear.scatter [tilespmem:s9], [sflag:$0x7], $0x2800, $0x38;
	[tilespmem:$0x1E300] =	vst v63  }
0x192: {  	_ =	swait.ge [sflag:s10], $0x2800  }
0x193: {  	s19 =	rddreg [dreg:$0x1d]  }
0x194: {  	s20 =	rddreg [dreg:$0x1c];
	s19 =	sadd.s32 $0x1, s19  }
0x195: {  	p0 =	sne.s32 s19, s20  }
.Ltmp5:
0x196: {  	_ = 	snop;
	(pc) =	sbr.rel @p0 .LBB2_1-.Ltmp5, $3  }
0x197: {  	_ =	sdelay $0x1  }
0x198: {  	[sflag:s10] =	ssyncset.done $0x0  }
0x199: {  	[sflag:s10] =	ssyncadd.s32 $0xFFFFD800  }
0x19a: {  	_ =	sfence.sel $0x180000  }
0x19b: {  	[bflag:$0x0] =	sbarrier.arrive $0xFFFF  }
0x19c: {  	_ =	strace $0x90000047  }
0x19d: {  	s0 =	stileid.u32;
	[bflag:$0x2] =	sbarrier.arrive $0xFFFF  }
0x19e: {  	p0 =	sne.s32 s0, $0x0;
	s0 =	rddreg [dreg:$0x3]  }
0x19f: {  	s0 =	sadd.s32 @!p0 $0x100000, s0  }
0x1a0: {  	[sflag:s0] =	ssyncadd.tile.s32 @!p0 $0x1;
	_ =	shalt  }
.Lfunc_end2:
_tile_overlayer_lowered:
.L_overlay_start_2:
0x1a1: {  	(tag) =	ssettag $0x2  }
0x1a2: {  	s0 =	rddreg [dreg:$0x0];
	s2 =	stileid.u32  }
0x1a3: {  	s1 =	rddreg [dreg:$0x1];
	p0 =	sne.s32 s2, $0x0  }
0x1a4: {  	s3 =	rddreg [dreg:$0x2];
	[bflag:$0x3] =	sbarrier.arrive $0xFFFF;
	s2 =	simm.s32 @!p0 $0x1C07  }
0x1a5: {  	[timem:s3], [sflag:s2] =	dma.local @!p0 [hbm:s0], s1  }
0x1a6: {  	s0 =	simm.s32 @!p0 $0x7  }
0x1a7: {  	_ =	swait.ge @!p0 [sflag:s0], s1  }
0x1a8: {  	s1 =	ssub.s32 @!p0 $0x0, s1;
	[sflag:s0] =	ssyncset.done @!p0 $0x0  }
0x1a9: {  	[sflag:s0] =	ssyncadd.s32 @!p0 s1  }
0x1aa: {  	[bflag:$0x3] =	sbarrier.arrive $0xFFFF  }
0x1ab: {  	_ =	shalt  }

</sc_bundles>
